<compile_context>
chip_gen: v7x
topology: tpu7x:2x2x1
jax: 0.10.2.dev20260603
libtpu: 0.0.44.dev20260713+nightly
codegen_flags: <defaults>
</compile_context>

<pallas_src>
import functools

import jax
import jax.numpy as jnp
from jax import lax
from jax.experimental import pallas as pl
from jax.experimental.pallas import tpu as pltpu
from jax.experimental.pallas import tpu_sc as plsc

B = 16384
D = 32
PK = 4
BP = B // PK
NC, NS = 2, 16
NW = NC * NS
BPW = B // NW
PPW = BPW // PK
L = 16
NCHK = BPW // L


@functools.cache
def _make_sc_gather():
    mesh = plsc.VectorSubcoreMesh(
        core_axis_name="c", subcore_axis_name="s", num_cores=NC, num_subcores=NS
    )

    @functools.partial(
        pl.kernel,
        out_type=[
            jax.ShapeDtypeStruct((BP, PK * D), jnp.float32),
            jax.ShapeDtypeStruct((BP, PK * D), jnp.float32),
        ],
        mesh=mesh,
        scratch_types=[
            pltpu.VMEM((BPW,), jnp.int32),
            pltpu.VMEM((BPW,), jnp.int32),
            pltpu.VMEM((PPW, PK * D), jnp.float32),
            pltpu.VMEM((PPW, PK * D), jnp.float32),
            pltpu.SemaphoreType.DMA,
            pltpu.SemaphoreType.DMA,
        ],
    )
    def sc_gather(uidx_hbm, iidx_hbm, ut_hbm, it_hbm, u_out, i_out,
                  uidxv, iidxv, urows, irows, usem, isem):
        wid = lax.axis_index("s") * NC + lax.axis_index("c")
        pltpu.sync_copy(uidx_hbm.at[wid], uidxv)
        pltpu.sync_copy(iidx_hbm.at[wid], iidxv)

        def issue_body(j, _):
            ru = uidxv[pl.ds(j * L, L)]
            ri = iidxv[pl.ds(j * L, L)]
            for t in range(L):
                k = j * L + t
                q = k // PK
                p = k % PK
                pltpu.async_copy(
                    ut_hbm.at[ru[t]], urows.at[q, pl.ds(p * D, D)], usem)
                pltpu.async_copy(
                    it_hbm.at[ri[t]], irows.at[q, pl.ds(p * D, D)], isem)
            return 0

        lax.fori_loop(0, NCHK, issue_body, 0)

        def drain_body(j, _):
            for t in range(L):
                pltpu.make_async_copy(
                    ut_hbm.at[0], urows.at[0, pl.ds(0, D)], usem).wait()
                pltpu.make_async_copy(
                    it_hbm.at[0], irows.at[0, pl.ds(0, D)], isem).wait()
            return 0

        lax.fori_loop(0, NCHK, drain_body, 0)

        pltpu.sync_copy(urows, u_out.at[pl.ds(wid * PPW, PPW)])
        pltpu.sync_copy(irows, i_out.at[pl.ds(wid * PPW, PPW)])

    return sc_gather


PBLK = 512


def _mlp_body(u_ref, i_ref, w1u_ref, w1i_ref, b1_ref,
              w2_ref, b2_ref, w3_ref, b3_ref, o_ref):
    h = jnp.dot(u_ref[...], w1u_ref[...], preferred_element_type=jnp.float32)
    h = h + jnp.dot(i_ref[...], w1i_ref[...], preferred_element_type=jnp.float32)
    h = jnp.maximum(h + b1_ref[...], 0.0)
    h = jnp.dot(h, w2_ref[...], preferred_element_type=jnp.float32) + b2_ref[...]
    h = jnp.maximum(h, 0.0)
    z = jnp.dot(h, w3_ref[...], preferred_element_type=jnp.float32) + b3_ref[...]
    o_ref[...] = jax.nn.sigmoid(z)


def _mlp(u_g, i_g, w1u, w1i, b1, w2, b2, w3, b3):
    grid = (BP // PBLK,)
    full = lambda m: (0, 0)
    row = lambda m: (m, 0)
    return pl.pallas_call(
        _mlp_body,
        grid=grid,
        in_specs=[
            pl.BlockSpec((PBLK, PK * D), row),
            pl.BlockSpec((PBLK, PK * D), row),
            pl.BlockSpec(w1u.shape, full),
            pl.BlockSpec(w1i.shape, full),
            pl.BlockSpec(b1.shape, full),
            pl.BlockSpec(w2.shape, full),
            pl.BlockSpec(b2.shape, full),
            pl.BlockSpec(w3.shape, full),
            pl.BlockSpec(b3.shape, full),
        ],
        out_specs=pl.BlockSpec((PBLK, PK), row),
        out_shape=jax.ShapeDtypeStruct((BP, PK), jnp.float32),
        compiler_params=pltpu.CompilerParams(
            dimension_semantics=("arbitrary",),
        ),
    )(u_g, i_g, w1u, w1i, b1, w2, b2, w3, b3)


def kernel(user, item, user_table, item_table, W1, b1, W2, b2, W3, b3):
    user = user.astype(jnp.int32)
    item = item.astype(jnp.int32)
    u_g, i_g = _make_sc_gather()(
        user.reshape(NW, BPW), item.reshape(NW, BPW), user_table, item_table)
    eye = jnp.eye(PK, dtype=jnp.float32)
    w1u = jnp.kron(eye, W1[:D])
    w1i = jnp.kron(eye, W1[D:])
    w2 = jnp.kron(eye, W2)
    w3 = jnp.kron(eye, W3)
    b1t = jnp.tile(b1, (PK,)).reshape(1, -1)
    b2t = jnp.tile(b2, (PK,)).reshape(1, -1)
    b3t = jnp.tile(b3, (PK,)).reshape(1, -1)
    out = _mlp(u_g, i_g, w1u, w1i, b1t, w2, b2t, w3, b3t)
    return out.reshape(B, 1)

# --- scband reference (transcript-rebuilt; emitter-appended) ---
"""Pipeline reference for scband-ncf-23648089932278 (READ-ONLY COPY).

The authoritative reference and input builder live on the scoring server;
editing this copy changes nothing except your own understanding.
"""

import jax, jax.numpy as jnp
import numpy as np

NUM_USERS = 1000000
NUM_ITEMS = 1000000
EMBED_DIM = 32
BATCH = 16384


def setup_inputs(seed: int = 0) -> dict:
    key = jax.random.key(seed)
    ks = jax.random.split(key, 12)
    user = jax.random.randint(ks[0], (BATCH,), 0, NUM_USERS, dtype=jnp.int64 if jax.config.jax_enable_x64 else jnp.int32)
    item = jax.random.randint(ks[1], (BATCH,), 0, NUM_ITEMS, dtype=jnp.int64 if jax.config.jax_enable_x64 else jnp.int32)
    user_table = jax.random.normal(ks[2], (NUM_USERS, EMBED_DIM), dtype=jnp.float32) * 0.05
    item_table = jax.random.normal(ks[3], (NUM_ITEMS, EMBED_DIM), dtype=jnp.float32) * 0.05
    # MLP: Linear(64->64), ReLU, Linear(64->32), ReLU, Linear(32->1), Sigmoid
    W1 = jax.random.normal(ks[4], (EMBED_DIM * 2, 64), dtype=jnp.float32) * (1.0 / np.sqrt(EMBED_DIM * 2))
    b1 = jnp.zeros((64,), dtype=jnp.float32)
    W2 = jax.random.normal(ks[5], (64, 32), dtype=jnp.float32) * (1.0 / np.sqrt(64))
    b2 = jnp.zeros((32,), dtype=jnp.float32)
    W3 = jax.random.normal(ks[6], (32, 1), dtype=jnp.float32) * (1.0 / np.sqrt(32))
    b3 = jnp.zeros((1,), dtype=jnp.float32)
    return {
        "user": user,
        "item": item,
        "user_table": user_table,
        "item_table": item_table,
        "W1": W1,
        "b1": b1,
        "W2": W2,
        "b2": b2,
        "W3": W3,
        "b3": b3,
    }


def reference(user, item, user_table, item_table, W1, b1, W2, b2, W3, b3):
    u = jnp.take(user_table, user, axis=0)
    i = jnp.take(item_table, item, axis=0)
    x = jnp.concatenate([u, i], axis=-1)
    h = jax.nn.relu(x @ W1 + b1)
    h = jax.nn.relu(h @ W2 + b2)
    out = jax.nn.sigmoid(h @ W3 + b3)
    return out

if __name__ == "__main__":
    import jax
    _d = setup_inputs()
    print(jax.jit(kernel)(*tuple(_d.values())))

</pallas_src>

<mosaic_0001>
#map = affine_map<(d0, d1) -> (0, 0)>
module attributes {stable_mosaic.version = 14 : i64} {
  func.func @sc_gather(%arg0: i32, %arg1: i32, %arg2: memref<32x512xi32, #tpu.memory_space<hbm>>, %arg3: memref<32x512xi32, #tpu.memory_space<hbm>>, %arg4: memref<1000000x32xf32, #tpu.memory_space<hbm>>, %arg5: memref<1000000x32xf32, #tpu.memory_space<hbm>>, %arg6: memref<4096x128xf32, #tpu.memory_space<hbm>>, %arg7: memref<4096x128xf32, #tpu.memory_space<hbm>>, %arg8: memref<512xi32, #tpu.memory_space<vmem>>, %arg9: memref<512xi32, #tpu.memory_space<vmem>>, %arg10: memref<128x128xf32, #tpu.memory_space<vmem>>, %arg11: memref<128x128xf32, #tpu.memory_space<vmem>>, %arg12: memref<!tpu.dma_semaphore, #tpu.memory_space<semaphore_mem>>, %arg13: memref<!tpu.dma_semaphore, #tpu.memory_space<semaphore_mem>>) attributes {dimension_semantics = [#tpu.dimension_semantics<core_parallel>, #tpu.dimension_semantics<subcore_parallel>], iteration_bounds = array<i64: 2, 16>, scalar_prefetch = 0 : i64, scratch_operands = 6 : i64, tpu.core_type = #tpu.core_type<sc_vector_subcore>, window_params = [{transform_indices = #map}, {transform_indices = #map}, {transform_indices = #map}, {transform_indices = #map}, {transform_indices = #map}, {transform_indices = #map}]} {
    %mul3A = arith.constant 2 : i32
    %mul3A_0 = arith.muli %arg1, %mul3A : i32
    %add3A = arith.addi %mul3A_0, %arg0 : i32
    "tpu.region"() ({
      %run_scoped3A = tpu.sem_alloc : memref<!tpu.dma_semaphore, #tpu.memory_space<semaphore_mem>>
      %dma_start3A = arith.constant 0 : i32
      %dma_start3A_18 = tpu.memref_slice %arg2[%add3A, %dma_start3A] : memref<32x512xi32, #tpu.memory_space<hbm>> -> memref<1x512xi32, #tpu.memory_space<hbm>>
      %dma_start3A_19 = tpu.memref_squeeze %dma_start3A_18 : memref<1x512xi32, #tpu.memory_space<hbm>> -> memref<512xi32, #tpu.memory_space<hbm>>
      %dma_start3A_20 = arith.constant 0 : i32
      %dma_start3A_21 = tpu.memref_slice %arg2[%add3A, %dma_start3A_20] : memref<32x512xi32, #tpu.memory_space<hbm>> -> memref<1x512xi32, #tpu.memory_space<hbm>>
      %dma_start3A_22 = tpu.memref_squeeze %dma_start3A_21 : memref<1x512xi32, #tpu.memory_space<hbm>> -> memref<512xi32, #tpu.memory_space<hbm>>
      tpu.enqueue_dma source(%dma_start3A_22 : memref<512xi32, #tpu.memory_space<hbm>>) target(%arg8 : memref<512xi32, #tpu.memory_space<vmem>>) target_semaphore(%run_scoped3A : memref<!tpu.dma_semaphore, #tpu.memory_space<semaphore_mem>>)
      %dma_wait3A = arith.constant 0 : i32
      %dma_wait3A_23 = tpu.memref_slice %arg2[%add3A, %dma_wait3A] : memref<32x512xi32, #tpu.memory_space<hbm>> -> memref<1x512xi32, #tpu.memory_space<hbm>>
      %dma_wait3A_24 = tpu.memref_squeeze %dma_wait3A_23 : memref<1x512xi32, #tpu.memory_space<hbm>> -> memref<512xi32, #tpu.memory_space<hbm>>
      %dma_wait3A_25 = arith.constant 0 : i32
      %dma_wait3A_26 = tpu.memref_slice %arg2[%add3A, %dma_wait3A_25] : memref<32x512xi32, #tpu.memory_space<hbm>> -> memref<1x512xi32, #tpu.memory_space<hbm>>
      %dma_wait3A_27 = tpu.memref_squeeze %dma_wait3A_26 : memref<1x512xi32, #tpu.memory_space<hbm>> -> memref<512xi32, #tpu.memory_space<hbm>>
      tpu.wait_dma2 semaphore(%run_scoped3A : memref<!tpu.dma_semaphore, #tpu.memory_space<semaphore_mem>>) src(%dma_wait3A_27 : memref<512xi32, #tpu.memory_space<hbm>>) dst(%arg8 : memref<512xi32, #tpu.memory_space<vmem>>)
      tpu.yield
    }) : () -> ()
    "tpu.region"() ({
      %run_scoped3A = tpu.sem_alloc : memref<!tpu.dma_semaphore, #tpu.memory_space<semaphore_mem>>
      %dma_start3A = arith.constant 0 : i32
      %dma_start3A_18 = tpu.memref_slice %arg3[%add3A, %dma_start3A] : memref<32x512xi32, #tpu.memory_space<hbm>> -> memref<1x512xi32, #tpu.memory_space<hbm>>
      %dma_start3A_19 = tpu.memref_squeeze %dma_start3A_18 : memref<1x512xi32, #tpu.memory_space<hbm>> -> memref<512xi32, #tpu.memory_space<hbm>>
      %dma_start3A_20 = arith.constant 0 : i32
      %dma_start3A_21 = tpu.memref_slice %arg3[%add3A, %dma_start3A_20] : memref<32x512xi32, #tpu.memory_space<hbm>> -> memref<1x512xi32, #tpu.memory_space<hbm>>
      %dma_start3A_22 = tpu.memref_squeeze %dma_start3A_21 : memref<1x512xi32, #tpu.memory_space<hbm>> -> memref<512xi32, #tpu.memory_space<hbm>>
      tpu.enqueue_dma source(%dma_start3A_22 : memref<512xi32, #tpu.memory_space<hbm>>) target(%arg9 : memref<512xi32, #tpu.memory_space<vmem>>) target_semaphore(%run_scoped3A : memref<!tpu.dma_semaphore, #tpu.memory_space<semaphore_mem>>)
      %dma_wait3A = arith.constant 0 : i32
      %dma_wait3A_23 = tpu.memref_slice %arg3[%add3A, %dma_wait3A] : memref<32x512xi32, #tpu.memory_space<hbm>> -> memref<1x512xi32, #tpu.memory_space<hbm>>
      %dma_wait3A_24 = tpu.memref_squeeze %dma_wait3A_23 : memref<1x512xi32, #tpu.memory_space<hbm>> -> memref<512xi32, #tpu.memory_space<hbm>>
      %dma_wait3A_25 = arith.constant 0 : i32
      %dma_wait3A_26 = tpu.memref_slice %arg3[%add3A, %dma_wait3A_25] : memref<32x512xi32, #tpu.memory_space<hbm>> -> memref<1x512xi32, #tpu.memory_space<hbm>>
      %dma_wait3A_27 = tpu.memref_squeeze %dma_wait3A_26 : memref<1x512xi32, #tpu.memory_space<hbm>> -> memref<512xi32, #tpu.memory_space<hbm>>
      tpu.wait_dma2 semaphore(%run_scoped3A : memref<!tpu.dma_semaphore, #tpu.memory_space<semaphore_mem>>) src(%dma_wait3A_27 : memref<512xi32, #tpu.memory_space<hbm>>) dst(%arg9 : memref<512xi32, #tpu.memory_space<vmem>>)
      tpu.yield
    }) : () -> ()
    %scan3A = arith.constant 0 : i32
    %scan3A_1 = arith.constant 0 : i32
    %scan3A_2 = arith.constant 32 : i32
    %scan3A_3 = arith.addi %scan3A_1, %scan3A_2 : i32
    %scan3A_4 = arith.constant 1 : i32
    %scan3A_5 = scf.for %scan3A_18 = %scan3A_1 to %scan3A_3 step %scan3A_4 iter_args(%scan3A_19 = %scan3A) -> (i32)  : i32 {
      %mul3A_20 = arith.constant 16 : i32
      %mul3A_21 = arith.muli %scan3A_18, %mul3A_20 : i32
      %get3A = arith.index_cast %mul3A_21 : i32 to index
      %get3A_22 = tpu.vector_load %arg8[%get3A] {strides = array<i32>} : memref<512xi32, #tpu.memory_space<vmem>>, vector<16xi32>,
      %get3A_23 = vector.shape_cast %get3A_22 : vector<16xi32> to vector<16xi32>
      %mul3A_24 = arith.constant 16 : i32
      %mul3A_25 = arith.muli %scan3A_18, %mul3A_24 : i32
      %get3A_26 = arith.index_cast %mul3A_25 : i32 to index
      %get3A_27 = tpu.vector_load %arg9[%get3A_26] {strides = array<i32>} : memref<512xi32, #tpu.memory_space<vmem>>, vector<16xi32>,
      %get3A_28 = vector.shape_cast %get3A_27 : vector<16xi32> to vector<16xi32>
      %mul3A_29 = arith.constant 16 : i32
      %mul3A_30 = arith.muli %scan3A_18, %mul3A_29 : i32
      %add3A_31 = arith.constant 0 : i32
      %add3A_32 = arith.addi %mul3A_30, %add3A_31 : i32
      %jit3A = arith.constant 4 : i32
      %div3A = arith.divsi %add3A_32, %jit3A : i32
      %sign3A = arith.constant 0 : i32
      %sign3A_33 = arith.cmpi sgt, %add3A_32, %sign3A : i32
      %sign3A_34 = arith.extui %sign3A_33 : i1 to i32
      %sign3A_35 = arith.constant 0 : i32
      %sign3A_36 = arith.cmpi slt, %add3A_32, %sign3A_35 : i32
      %sign3A_37 = arith.extui %sign3A_36 : i1 to i32
      %sign3A_38 = arith.subi %sign3A_34, %sign3A_37 : i32
      %sign3A_39 = arith.constant 0 : i32
      %sign3A_40 = arith.cmpi sgt, %jit3A, %sign3A_39 : i32
      %sign3A_41 = arith.extui %sign3A_40 : i1 to i32
      %sign3A_42 = arith.constant 0 : i32
      %sign3A_43 = arith.cmpi slt, %jit3A, %sign3A_42 : i32
      %sign3A_44 = arith.extui %sign3A_43 : i1 to i32
      %sign3A_45 = arith.subi %sign3A_41, %sign3A_44 : i32
      %ne3A = arith.cmpi ne, %sign3A_38, %sign3A_45 : i32
      %rem3A = arith.remsi %add3A_32, %jit3A : i32
      %ne3A_46 = arith.constant 0 : i32
      %ne3A_47 = arith.cmpi ne, %rem3A, %ne3A_46 : i32
      %and3A = arith.andi %ne3A, %ne3A_47 : i1
      %sub3A = arith.constant 1 : i32
      %sub3A_48 = arith.subi %div3A, %sub3A : i32
      %select_n3A = arith.select %and3A, %sub3A_48, %div3A : i32
      %jit3A_49 = arith.constant 4 : i32
      %eq3A = arith.constant 0 : i32
      %eq3A_50 = arith.cmpi eq, %jit3A_49, %eq3A : i32
      %jit3A_51 = arith.constant 1 : i32
      %select_n3A_52 = arith.select %eq3A_50, %jit3A_51, %jit3A_49 : i32
      %rem3A_53 = arith.remsi %add3A_32, %select_n3A_52 : i32
      %ne3A_54 = arith.constant 0 : i32
      %ne3A_55 = arith.cmpi ne, %rem3A_53, %ne3A_54 : i32
      %lt3A = arith.constant 0 : i32
      %lt3A_56 = arith.cmpi slt, %rem3A_53, %lt3A : i32
      %lt3A_57 = arith.constant 0 : i32
      %lt3A_58 = arith.cmpi slt, %select_n3A_52, %lt3A_57 : i32
      %ne3A_59 = arith.xori %lt3A_56, %lt3A_58 : i1
      %and3A_60 = arith.andi %ne3A_59, %ne3A_55 : i1
      %add3A_61 = arith.addi %rem3A_53, %select_n3A_52 : i32
      %select_n3A_62 = arith.select %and3A_60, %add3A_61, %rem3A_53 : i32
      %slice3A = vector.extract_strided_slice %get3A_23 {offsets = [0], sizes = [1], strides = [1]} : vector<16xi32> to vector<1xi32>
      %squeeze3A = vector.extract %slice3A[0] : i32 from vector<1xi32>
      %mul3A_63 = arith.constant 32 : i32
      %mul3A_64 = arith.muli %select_n3A_62, %mul3A_63 : i32
      %dma_start3A = tpu.memref_slice %arg10[%select_n3A, %mul3A_64] : memref<128x128xf32, #tpu.memory_space<vmem>> -> memref<1x32xf32, #tpu.memory_space<vmem>>
      %dma_start3A_65 = tpu.memref_squeeze %dma_start3A : memref<1x32xf32, #tpu.memory_space<vmem>> -> memref<32xf32, #tpu.memory_space<vmem>>
      %dma_start3A_66 = arith.constant 0 : i32
      %dma_start3A_67 = tpu.memref_slice %arg4[%squeeze3A, %dma_start3A_66] : memref<1000000x32xf32, #tpu.memory_space<hbm>> -> memref<1x32xf32, #tpu.memory_space<hbm>>
      %dma_start3A_68 = tpu.memref_squeeze %dma_start3A_67 : memref<1x32xf32, #tpu.memory_space<hbm>> -> memref<32xf32, #tpu.memory_space<hbm>>
      %dma_start3A_69 = tpu.memref_slice %arg10[%select_n3A, %mul3A_64] : memref<128x128xf32, #tpu.memory_space<vmem>> -> memref<1x32xf32, #tpu.memory_space<vmem>>
      %dma_start3A_70 = tpu.memref_squeeze %dma_start3A_69 : memref<1x32xf32, #tpu.memory_space<vmem>> -> memref<32xf32, #tpu.memory_space<vmem>>
      %dma_start3A_71 = arith.constant 0 : i32
      %dma_start3A_72 = tpu.memref_slice %arg4[%squeeze3A, %dma_start3A_71] : memref<1000000x32xf32, #tpu.memory_space<hbm>> -> memref<1x32xf32, #tpu.memory_space<hbm>>
      %dma_start3A_73 = tpu.memref_squeeze %dma_start3A_72 : memref<1x32xf32, #tpu.memory_space<hbm>> -> memref<32xf32, #tpu.memory_space<hbm>>
      tpu.enqueue_dma source(%dma_start3A_73 : memref<32xf32, #tpu.memory_space<hbm>>) target(%dma_start3A_70 : memref<32xf32, #tpu.memory_space<vmem>>) target_semaphore(%arg12 : memref<!tpu.dma_semaphore, #tpu.memory_space<semaphore_mem>>)
      %slice3A_74 = vector.extract_strided_slice %get3A_28 {offsets = [0], sizes = [1], strides = [1]} : vector<16xi32> to vector<1xi32>
      %squeeze3A_75 = vector.extract %slice3A_74[0] : i32 from vector<1xi32>
      %mul3A_76 = arith.constant 32 : i32
      %mul3A_77 = arith.muli %select_n3A_62, %mul3A_76 : i32
      %dma_start3A_78 = tpu.memref_slice %arg11[%select_n3A, %mul3A_77] : memref<128x128xf32, #tpu.memory_space<vmem>> -> memref<1x32xf32, #tpu.memory_space<vmem>>
      %dma_start3A_79 = tpu.memref_squeeze %dma_start3A_78 : memref<1x32xf32, #tpu.memory_space<vmem>> -> memref<32xf32, #tpu.memory_space<vmem>>
      %dma_start3A_80 = arith.constant 0 : i32
      %dma_start3A_81 = tpu.memref_slice %arg5[%squeeze3A_75, %dma_start3A_80] : memref<1000000x32xf32, #tpu.memory_space<hbm>> -> memref<1x32xf32, #tpu.memory_space<hbm>>
      %dma_start3A_82 = tpu.memref_squeeze %dma_start3A_81 : memref<1x32xf32, #tpu.memory_space<hbm>> -> memref<32xf32, #tpu.memory_space<hbm>>
      %dma_start3A_83 = tpu.memref_slice %arg11[%select_n3A, %mul3A_77] : memref<128x128xf32, #tpu.memory_space<vmem>> -> memref<1x32xf32, #tpu.memory_space<vmem>>
      %dma_start3A_84 = tpu.memref_squeeze %dma_start3A_83 : memref<1x32xf32, #tpu.memory_space<vmem>> -> memref<32xf32, #tpu.memory_space<vmem>>
      %dma_start3A_85 = arith.constant 0 : i32
      %dma_start3A_86 = tpu.memref_slice %arg5[%squeeze3A_75, %dma_start3A_85] : memref<1000000x32xf32, #tpu.memory_space<hbm>> -> memref<1x32xf32, #tpu.memory_space<hbm>>
      %dma_start3A_87 = tpu.memref_squeeze %dma_start3A_86 : memref<1x32xf32, #tpu.memory_space<hbm>> -> memref<32xf32, #tpu.memory_space<hbm>>
      tpu.enqueue_dma source(%dma_start3A_87 : memref<32xf32, #tpu.memory_space<hbm>>) target(%dma_start3A_84 : memref<32xf32, #tpu.memory_space<vmem>>) target_semaphore(%arg13 : memref<!tpu.dma_semaphore, #tpu.memory_space<semaphore_mem>>)
      %mul3A_88 = arith.constant 16 : i32
      %mul3A_89 = arith.muli %scan3A_18, %mul3A_88 : i32
      %add3A_90 = arith.constant 1 : i32
      %add3A_91 = arith.addi %mul3A_89, %add3A_90 : i32
      %jit3A_92 = arith.constant 4 : i32
      %div3A_93 = arith.divsi %add3A_91, %jit3A_92 : i32
      %sign3A_94 = arith.constant 0 : i32
      %sign3A_95 = arith.cmpi sgt, %add3A_91, %sign3A_94 : i32
      %sign3A_96 = arith.extui %sign3A_95 : i1 to i32
      %sign3A_97 = arith.constant 0 : i32
      %sign3A_98 = arith.cmpi slt, %add3A_91, %sign3A_97 : i32
      %sign3A_99 = arith.extui %sign3A_98 : i1 to i32
      %sign3A_100 = arith.subi %sign3A_96, %sign3A_99 : i32
      %sign3A_101 = arith.constant 0 : i32
      %sign3A_102 = arith.cmpi sgt, %jit3A_92, %sign3A_101 : i32
      %sign3A_103 = arith.extui %sign3A_102 : i1 to i32
      %sign3A_104 = arith.constant 0 : i32
      %sign3A_105 = arith.cmpi slt, %jit3A_92, %sign3A_104 : i32
      %sign3A_106 = arith.extui %sign3A_105 : i1 to i32
      %sign3A_107 = arith.subi %sign3A_103, %sign3A_106 : i32
      %ne3A_108 = arith.cmpi ne, %sign3A_100, %sign3A_107 : i32
      %rem3A_109 = arith.remsi %add3A_91, %jit3A_92 : i32
      %ne3A_110 = arith.constant 0 : i32
      %ne3A_111 = arith.cmpi ne, %rem3A_109, %ne3A_110 : i32
      %and3A_112 = arith.andi %ne3A_108, %ne3A_111 : i1
      %sub3A_113 = arith.constant 1 : i32
      %sub3A_114 = arith.subi %div3A_93, %sub3A_113 : i32
      %select_n3A_115 = arith.select %and3A_112, %sub3A_114, %div3A_93 : i32
      %jit3A_116 = arith.constant 4 : i32
      %eq3A_117 = arith.constant 0 : i32
      %eq3A_118 = arith.cmpi eq, %jit3A_116, %eq3A_117 : i32
      %jit3A_119 = arith.constant 1 : i32
      %select_n3A_120 = arith.select %eq3A_118, %jit3A_119, %jit3A_116 : i32
      %rem3A_121 = arith.remsi %add3A_91, %select_n3A_120 : i32
      %ne3A_122 = arith.constant 0 : i32
      %ne3A_123 = arith.cmpi ne, %rem3A_121, %ne3A_122 : i32
      %lt3A_124 = arith.constant 0 : i32
      %lt3A_125 = arith.cmpi slt, %rem3A_121, %lt3A_124 : i32
      %lt3A_126 = arith.constant 0 : i32
      %lt3A_127 = arith.cmpi slt, %select_n3A_120, %lt3A_126 : i32
      %ne3A_128 = arith.xori %lt3A_125, %lt3A_127 : i1
      %and3A_129 = arith.andi %ne3A_128, %ne3A_123 : i1
      %add3A_130 = arith.addi %rem3A_121, %select_n3A_120 : i32
      %select_n3A_131 = arith.select %and3A_129, %add3A_130, %rem3A_121 : i32
      %slice3A_132 = vector.extract_strided_slice %get3A_23 {offsets = [1], sizes = [1], strides = [1]} : vector<16xi32> to vector<1xi32>
      %squeeze3A_133 = vector.extract %slice3A_132[0] : i32 from vector<1xi32>
      %mul3A_134 = arith.constant 32 : i32
      %mul3A_135 = arith.muli %select_n3A_131, %mul3A_134 : i32
      %dma_start3A_136 = tpu.memref_slice %arg10[%select_n3A_115, %mul3A_135] : memref<128x128xf32, #tpu.memory_space<vmem>> -> memref<1x32xf32, #tpu.memory_space<vmem>>
      %dma_start3A_137 = tpu.memref_squeeze %dma_start3A_136 : memref<1x32xf32, #tpu.memory_space<vmem>> -> memref<32xf32, #tpu.memory_space<vmem>>
      %dma_start3A_138 = arith.constant 0 : i32
      %dma_start3A_139 = tpu.memref_slice %arg4[%squeeze3A_133, %dma_start3A_138] : memref<1000000x32xf32, #tpu.memory_space<hbm>> -> memref<1x32xf32, #tpu.memory_space<hbm>>
      %dma_start3A_140 = tpu.memref_squeeze %dma_start3A_139 : memref<1x32xf32, #tpu.memory_space<hbm>> -> memref<32xf32, #tpu.memory_space<hbm>>
      %dma_start3A_141 = tpu.memref_slice %arg10[%select_n3A_115, %mul3A_135] : memref<128x128xf32, #tpu.memory_space<vmem>> -> memref<1x32xf32, #tpu.memory_space<vmem>>
      %dma_start3A_142 = tpu.memref_squeeze %dma_start3A_141 : memref<1x32xf32, #tpu.memory_space<vmem>> -> memref<32xf32, #tpu.memory_space<vmem>>
      %dma_start3A_143 = arith.constant 0 : i32
      %dma_start3A_144 = tpu.memref_slice %arg4[%squeeze3A_133, %dma_start3A_143] : memref<1000000x32xf32, #tpu.memory_space<hbm>> -> memref<1x32xf32, #tpu.memory_space<hbm>>
      %dma_start3A_145 = tpu.memref_squeeze %dma_start3A_144 : memref<1x32xf32, #tpu.memory_space<hbm>> -> memref<32xf32, #tpu.memory_space<hbm>>
      tpu.enqueue_dma source(%dma_start3A_145 : memref<32xf32, #tpu.memory_space<hbm>>) target(%dma_start3A_142 : memref<32xf32, #tpu.memory_space<vmem>>) target_semaphore(%arg12 : memref<!tpu.dma_semaphore, #tpu.memory_space<semaphore_mem>>)
      %slice3A_146 = vector.extract_strided_slice %get3A_28 {offsets = [1], sizes = [1], strides = [1]} : vector<16xi32> to vector<1xi32>
      %squeeze3A_147 = vector.extract %slice3A_146[0] : i32 from vector<1xi32>
      %mul3A_148 = arith.constant 32 : i32
      %mul3A_149 = arith.muli %select_n3A_131, %mul3A_148 : i32
      %dma_start3A_150 = tpu.memref_slice %arg11[%select_n3A_115, %mul3A_149] : memref<128x128xf32, #tpu.memory_space<vmem>> -> memref<1x32xf32, #tpu.memory_space<vmem>>
      %dma_start3A_151 = tpu.memref_squeeze %dma_start3A_150 : memref<1x32xf32, #tpu.memory_space<vmem>> -> memref<32xf32, #tpu.memory_space<vmem>>
      %dma_start3A_152 = arith.constant 0 : i32
      %dma_start3A_153 = tpu.memref_slice %arg5[%squeeze3A_147, %dma_start3A_152] : memref<1000000x32xf32, #tpu.memory_space<hbm>> -> memref<1x32xf32, #tpu.memory_space<hbm>>
      %dma_start3A_154 = tpu.memref_squeeze %dma_start3A_153 : memref<1x32xf32, #tpu.memory_space<hbm>> -> memref<32xf32, #tpu.memory_space<hbm>>
      %dma_start3A_155 = tpu.memref_slice %arg11[%select_n3A_115, %mul3A_149] : memref<128x128xf32, #tpu.memory_space<vmem>> -> memref<1x32xf32, #tpu.memory_space<vmem>>
      %dma_start3A_156 = tpu.memref_squeeze %dma_start3A_155 : memref<1x32xf32, #tpu.memory_space<vmem>> -> memref<32xf32, #tpu.memory_space<vmem>>
      %dma_start3A_157 = arith.constant 0 : i32
      %dma_start3A_158 = tpu.memref_slice %arg5[%squeeze3A_147, %dma_start3A_157] : memref<1000000x32xf32, #tpu.memory_space<hbm>> -> memref<1x32xf32, #tpu.memory_space<hbm>>
      %dma_start3A_159 = tpu.memref_squeeze %dma_start3A_158 : memref<1x32xf32, #tpu.memory_space<hbm>> -> memref<32xf32, #tpu.memory_space<hbm>>
      tpu.enqueue_dma source(%dma_start3A_159 : memref<32xf32, #tpu.memory_space<hbm>>) target(%dma_start3A_156 : memref<32xf32, #tpu.memory_space<vmem>>) target_semaphore(%arg13 : memref<!tpu.dma_semaphore, #tpu.memory_space<semaphore_mem>>)
      %mul3A_160 = arith.constant 16 : i32
      %mul3A_161 = arith.muli %scan3A_18, %mul3A_160 : i32
      %add3A_162 = arith.constant 2 : i32
      %add3A_163 = arith.addi %mul3A_161, %add3A_162 : i32
      %jit3A_164 = arith.constant 4 : i32
      %div3A_165 = arith.divsi %add3A_163, %jit3A_164 : i32
      %sign3A_166 = arith.constant 0 : i32
      %sign3A_167 = arith.cmpi sgt, %add3A_163, %sign3A_166 : i32
      %sign3A_168 = arith.extui %sign3A_167 : i1 to i32
      %sign3A_169 = arith.constant 0 : i32
      %sign3A_170 = arith.cmpi slt, %add3A_163, %sign3A_169 : i32
      %sign3A_171 = arith.extui %sign3A_170 : i1 to i32
      %sign3A_172 = arith.subi %sign3A_168, %sign3A_171 : i32
      %sign3A_173 = arith.constant 0 : i32
      %sign3A_174 = arith.cmpi sgt, %jit3A_164, %sign3A_173 : i32
      %sign3A_175 = arith.extui %sign3A_174 : i1 to i32
      %sign3A_176 = arith.constant 0 : i32
      %sign3A_177 = arith.cmpi slt, %jit3A_164, %sign3A_176 : i32
      %sign3A_178 = arith.extui %sign3A_177 : i1 to i32
      %sign3A_179 = arith.subi %sign3A_175, %sign3A_178 : i32
      %ne3A_180 = arith.cmpi ne, %sign3A_172, %sign3A_179 : i32
      %rem3A_181 = arith.remsi %add3A_163, %jit3A_164 : i32
      %ne3A_182 = arith.constant 0 : i32
      %ne3A_183 = arith.cmpi ne, %rem3A_181, %ne3A_182 : i32
      %and3A_184 = arith.andi %ne3A_180, %ne3A_183 : i1
      %sub3A_185 = arith.constant 1 : i32
      %sub3A_186 = arith.subi %div3A_165, %sub3A_185 : i32
      %select_n3A_187 = arith.select %and3A_184, %sub3A_186, %div3A_165 : i32
      %jit3A_188 = arith.constant 4 : i32
      %eq3A_189 = arith.constant 0 : i32
      %eq3A_190 = arith.cmpi eq, %jit3A_188, %eq3A_189 : i32
      %jit3A_191 = arith.constant 1 : i32
      %select_n3A_192 = arith.select %eq3A_190, %jit3A_191, %jit3A_188 : i32
      %rem3A_193 = arith.remsi %add3A_163, %select_n3A_192 : i32
      %ne3A_194 = arith.constant 0 : i32
      %ne3A_195 = arith.cmpi ne, %rem3A_193, %ne3A_194 : i32
      %lt3A_196 = arith.constant 0 : i32
      %lt3A_197 = arith.cmpi slt, %rem3A_193, %lt3A_196 : i32
      %lt3A_198 = arith.constant 0 : i32
      %lt3A_199 = arith.cmpi slt, %select_n3A_192, %lt3A_198 : i32
      %ne3A_200 = arith.xori %lt3A_197, %lt3A_199 : i1
      %and3A_201 = arith.andi %ne3A_200, %ne3A_195 : i1
      %add3A_202 = arith.addi %rem3A_193, %select_n3A_192 : i32
      %select_n3A_203 = arith.select %and3A_201, %add3A_202, %rem3A_193 : i32
      %slice3A_204 = vector.extract_strided_slice %get3A_23 {offsets = [2], sizes = [1], strides = [1]} : vector<16xi32> to vector<1xi32>
      %squeeze3A_205 = vector.extract %slice3A_204[0] : i32 from vector<1xi32>
      %mul3A_206 = arith.constant 32 : i32
      %mul3A_207 = arith.muli %select_n3A_203, %mul3A_206 : i32
      %dma_start3A_208 = tpu.memref_slice %arg10[%select_n3A_187, %mul3A_207] : memref<128x128xf32, #tpu.memory_space<vmem>> -> memref<1x32xf32, #tpu.memory_space<vmem>>
      %dma_start3A_209 = tpu.memref_squeeze %dma_start3A_208 : memref<1x32xf32, #tpu.memory_space<vmem>> -> memref<32xf32, #tpu.memory_space<vmem>>
      %dma_start3A_210 = arith.constant 0 : i32
      %dma_start3A_211 = tpu.memref_slice %arg4[%squeeze3A_205, %dma_start3A_210] : memref<1000000x32xf32, #tpu.memory_space<hbm>> -> memref<1x32xf32, #tpu.memory_space<hbm>>
      %dma_start3A_212 = tpu.memref_squeeze %dma_start3A_211 : memref<1x32xf32, #tpu.memory_space<hbm>> -> memref<32xf32, #tpu.memory_space<hbm>>
      %dma_start3A_213 = tpu.memref_slice %arg10[%select_n3A_187, %mul3A_207] : memref<128x128xf32, #tpu.memory_space<vmem>> -> memref<1x32xf32, #tpu.memory_space<vmem>>
      %dma_start3A_214 = tpu.memref_squeeze %dma_start3A_213 : memref<1x32xf32, #tpu.memory_space<vmem>> -> memref<32xf32, #tpu.memory_space<vmem>>
      %dma_start3A_215 = arith.constant 0 : i32
      %dma_start3A_216 = tpu.memref_slice %arg4[%squeeze3A_205, %dma_start3A_215] : memref<1000000x32xf32, #tpu.memory_space<hbm>> -> memref<1x32xf32, #tpu.memory_space<hbm>>
      %dma_start3A_217 = tpu.memref_squeeze %dma_start3A_216 : memref<1x32xf32, #tpu.memory_space<hbm>> -> memref<32xf32, #tpu.memory_space<hbm>>
      tpu.enqueue_dma source(%dma_start3A_217 : memref<32xf32, #tpu.memory_space<hbm>>) target(%dma_start3A_214 : memref<32xf32, #tpu.memory_space<vmem>>) target_semaphore(%arg12 : memref<!tpu.dma_semaphore, #tpu.memory_space<semaphore_mem>>)
      %slice3A_218 = vector.extract_strided_slice %get3A_28 {offsets = [2], sizes = [1], strides = [1]} : vector<16xi32> to vector<1xi32>
      %squeeze3A_219 = vector.extract %slice3A_218[0] : i32 from vector<1xi32>
      %mul3A_220 = arith.constant 32 : i32
      %mul3A_221 = arith.muli %select_n3A_203, %mul3A_220 : i32
      %dma_start3A_222 = tpu.memref_slice %arg11[%select_n3A_187, %mul3A_221] : memref<128x128xf32, #tpu.memory_space<vmem>> -> memref<1x32xf32, #tpu.memory_space<vmem>>
      %dma_start3A_223 = tpu.memref_squeeze %dma_start3A_222 : memref<1x32xf32, #tpu.memory_space<vmem>> -> memref<32xf32, #tpu.memory_space<vmem>>
      %dma_start3A_224 = arith.constant 0 : i32
      %dma_start3A_225 = tpu.memref_slice %arg5[%squeeze3A_219, %dma_start3A_224] : memref<1000000x32xf32, #tpu.memory_space<hbm>> -> memref<1x32xf32, #tpu.memory_space<hbm>>
      %dma_start3A_226 = tpu.memref_squeeze %dma_start3A_225 : memref<1x32xf32, #tpu.memory_space<hbm>> -> memref<32xf32, #tpu.memory_space<hbm>>
      %dma_start3A_227 = tpu.memref_slice %arg11[%select_n3A_187, %mul3A_221] : memref<128x128xf32, #tpu.memory_space<vmem>> -> memref<1x32xf32, #tpu.memory_space<vmem>>
      %dma_start3A_228 = tpu.memref_squeeze %dma_start3A_227 : memref<1x32xf32, #tpu.memory_space<vmem>> -> memref<32xf32, #tpu.memory_space<vmem>>
      %dma_start3A_229 = arith.constant 0 : i32
      %dma_start3A_230 = tpu.memref_slice %arg5[%squeeze3A_219, %dma_start3A_229] : memref<1000000x32xf32, #tpu.memory_space<hbm>> -> memref<1x32xf32, #tpu.memory_space<hbm>>
      %dma_start3A_231 = tpu.memref_squeeze %dma_start3A_230 : memref<1x32xf32, #tpu.memory_space<hbm>> -> memref<32xf32, #tpu.memory_space<hbm>>
      tpu.enqueue_dma source(%dma_start3A_231 : memref<32xf32, #tpu.memory_space<hbm>>) target(%dma_start3A_228 : memref<32xf32, #tpu.memory_space<vmem>>) target_semaphore(%arg13 : memref<!tpu.dma_semaphore, #tpu.memory_space<semaphore_mem>>)
      %mul3A_232 = arith.constant 16 : i32
      %mul3A_233 = arith.muli %scan3A_18, %mul3A_232 : i32
      %add3A_234 = arith.constant 3 : i32
      %add3A_235 = arith.addi %mul3A_233, %add3A_234 : i32
      %jit3A_236 = arith.constant 4 : i32
      %div3A_237 = arith.divsi %add3A_235, %jit3A_236 : i32
      %sign3A_238 = arith.constant 0 : i32
      %sign3A_239 = arith.cmpi sgt, %add3A_235, %sign3A_238 : i32
      %sign3A_240 = arith.extui %sign3A_239 : i1 to i32
      %sign3A_241 = arith.constant 0 : i32
      %sign3A_242 = arith.cmpi slt, %add3A_235, %sign3A_241 : i32
      %sign3A_243 = arith.extui %sign3A_242 : i1 to i32
      %sign3A_244 = arith.subi %sign3A_240, %sign3A_243 : i32
      %sign3A_245 = arith.constant 0 : i32
      %sign3A_246 = arith.cmpi sgt, %jit3A_236, %sign3A_245 : i32
      %sign3A_247 = arith.extui %sign3A_246 : i1 to i32
      %sign3A_248 = arith.constant 0 : i32
      %sign3A_249 = arith.cmpi slt, %jit3A_236, %sign3A_248 : i32
      %sign3A_250 = arith.extui %sign3A_249 : i1 to i32
      %sign3A_251 = arith.subi %sign3A_247, %sign3A_250 : i32
      %ne3A_252 = arith.cmpi ne, %sign3A_244, %sign3A_251 : i32
      %rem3A_253 = arith.remsi %add3A_235, %jit3A_236 : i32
      %ne3A_254 = arith.constant 0 : i32
      %ne3A_255 = arith.cmpi ne, %rem3A_253, %ne3A_254 : i32
      %and3A_256 = arith.andi %ne3A_252, %ne3A_255 : i1
      %sub3A_257 = arith.constant 1 : i32
      %sub3A_258 = arith.subi %div3A_237, %sub3A_257 : i32
      %select_n3A_259 = arith.select %and3A_256, %sub3A_258, %div3A_237 : i32
      %jit3A_260 = arith.constant 4 : i32
      %eq3A_261 = arith.constant 0 : i32
      %eq3A_262 = arith.cmpi eq, %jit3A_260, %eq3A_261 : i32
      %jit3A_263 = arith.constant 1 : i32
      %select_n3A_264 = arith.select %eq3A_262, %jit3A_263, %jit3A_260 : i32
      %rem3A_265 = arith.remsi %add3A_235, %select_n3A_264 : i32
      %ne3A_266 = arith.constant 0 : i32
      %ne3A_267 = arith.cmpi ne, %rem3A_265, %ne3A_266 : i32
      %lt3A_268 = arith.constant 0 : i32
      %lt3A_269 = arith.cmpi slt, %rem3A_265, %lt3A_268 : i32
      %lt3A_270 = arith.constant 0 : i32
      %lt3A_271 = arith.cmpi slt, %select_n3A_264, %lt3A_270 : i32
      %ne3A_272 = arith.xori %lt3A_269, %lt3A_271 : i1
      %and3A_273 = arith.andi %ne3A_272, %ne3A_267 : i1
      %add3A_274 = arith.addi %rem3A_265, %select_n3A_264 : i32
      %select_n3A_275 = arith.select %and3A_273, %add3A_274, %rem3A_265 : i32
      %slice3A_276 = vector.extract_strided_slice %get3A_23 {offsets = [3], sizes = [1], strides = [1]} : vector<16xi32> to vector<1xi32>
      %squeeze3A_277 = vector.extract %slice3A_276[0] : i32 from vector<1xi32>
      %mul3A_278 = arith.constant 32 : i32
      %mul3A_279 = arith.muli %select_n3A_275, %mul3A_278 : i32
      %dma_start3A_280 = tpu.memref_slice %arg10[%select_n3A_259, %mul3A_279] : memref<128x128xf32, #tpu.memory_space<vmem>> -> memref<1x32xf32, #tpu.memory_space<vmem>>
      %dma_start3A_281 = tpu.memref_squeeze %dma_start3A_280 : memref<1x32xf32, #tpu.memory_space<vmem>> -> memref<32xf32, #tpu.memory_space<vmem>>
      %dma_start3A_282 = arith.constant 0 : i32
      %dma_start3A_283 = tpu.memref_slice %arg4[%squeeze3A_277, %dma_start3A_282] : memref<1000000x32xf32, #tpu.memory_space<hbm>> -> memref<1x32xf32, #tpu.memory_space<hbm>>
      %dma_start3A_284 = tpu.memref_squeeze %dma_start3A_283 : memref<1x32xf32, #tpu.memory_space<hbm>> -> memref<32xf32, #tpu.memory_space<hbm>>
      %dma_start3A_285 = tpu.memref_slice %arg10[%select_n3A_259, %mul3A_279] : memref<128x128xf32, #tpu.memory_space<vmem>> -> memref<1x32xf32, #tpu.memory_space<vmem>>
      %dma_start3A_286 = tpu.memref_squeeze %dma_start3A_285 : memref<1x32xf32, #tpu.memory_space<vmem>> -> memref<32xf32, #tpu.memory_space<vmem>>
      %dma_start3A_287 = arith.constant 0 : i32
      %dma_start3A_288 = tpu.memref_slice %arg4[%squeeze3A_277, %dma_start3A_287] : memref<1000000x32xf32, #tpu.memory_space<hbm>> -> memref<1x32xf32, #tpu.memory_space<hbm>>
      %dma_start3A_289 = tpu.memref_squeeze %dma_start3A_288 : memref<1x32xf32, #tpu.memory_space<hbm>> -> memref<32xf32, #tpu.memory_space<hbm>>
      tpu.enqueue_dma source(%dma_start3A_289 : memref<32xf32, #tpu.memory_space<hbm>>) target(%dma_start3A_286 : memref<32xf32, #tpu.memory_space<vmem>>) target_semaphore(%arg12 : memref<!tpu.dma_semaphore, #tpu.memory_space<semaphore_mem>>)
      %slice3A_290 = vector.extract_strided_slice %get3A_28 {offsets = [3], sizes = [1], strides = [1]} : vector<16xi32> to vector<1xi32>
      %squeeze3A_291 = vector.extract %slice3A_290[0] : i32 from vector<1xi32>
      %mul3A_292 = arith.constant 32 : i32
      %mul3A_293 = arith.muli %select_n3A_275, %mul3A_292 : i32
      %dma_start3A_294 = tpu.memref_slice %arg11[%select_n3A_259, %mul3A_293] : memref<128x128xf32, #tpu.memory_space<vmem>> -> memref<1x32xf32, #tpu.memory_space<vmem>>
      %dma_start3A_295 = tpu.memref_squeeze %dma_start3A_294 : memref<1x32xf32, #tpu.memory_space<vmem>> -> memref<32xf32, #tpu.memory_space<vmem>>
      %dma_start3A_296 = arith.constant 0 : i32
      %dma_start3A_297 = tpu.memref_slice %arg5[%squeeze3A_291, %dma_start3A_296] : memref<1000000x32xf32, #tpu.memory_space<hbm>> -> memref<1x32xf32, #tpu.memory_space<hbm>>
      %dma_start3A_298 = tpu.memref_squeeze %dma_start3A_297 : memref<1x32xf32, #tpu.memory_space<hbm>> -> memref<32xf32, #tpu.memory_space<hbm>>
      %dma_start3A_299 = tpu.memref_slice %arg11[%select_n3A_259, %mul3A_293] : memref<128x128xf32, #tpu.memory_space<vmem>> -> memref<1x32xf32, #tpu.memory_space<vmem>>
      %dma_start3A_300 = tpu.memref_squeeze %dma_start3A_299 : memref<1x32xf32, #tpu.memory_space<vmem>> -> memref<32xf32, #tpu.memory_space<vmem>>
      %dma_start3A_301 = arith.constant 0 : i32
      %dma_start3A_302 = tpu.memref_slice %arg5[%squeeze3A_291, %dma_start3A_301] : memref<1000000x32xf32, #tpu.memory_space<hbm>> -> memref<1x32xf32, #tpu.memory_space<hbm>>
      %dma_start3A_303 = tpu.memref_squeeze %dma_start3A_302 : memref<1x32xf32, #tpu.memory_space<hbm>> -> memref<32xf32, #tpu.memory_space<hbm>>
      tpu.enqueue_dma source(%dma_start3A_303 : memref<32xf32, #tpu.memory_space<hbm>>) target(%dma_start3A_300 : memref<32xf32, #tpu.memory_space<vmem>>) target_semaphore(%arg13 : memref<!tpu.dma_semaphore, #tpu.memory_space<semaphore_mem>>)
      %mul3A_304 = arith.constant 16 : i32
      %mul3A_305 = arith.muli %scan3A_18, %mul3A_304 : i32
      %add3A_306 = arith.constant 4 : i32
      %add3A_307 = arith.addi %mul3A_305, %add3A_306 : i32
      %jit3A_308 = arith.constant 4 : i32
      %div3A_309 = arith.divsi %add3A_307, %jit3A_308 : i32
      %sign3A_310 = arith.constant 0 : i32
      %sign3A_311 = arith.cmpi sgt, %add3A_307, %sign3A_310 : i32
      %sign3A_312 = arith.extui %sign3A_311 : i1 to i32
      %sign3A_313 = arith.constant 0 : i32
      %sign3A_314 = arith.cmpi slt, %add3A_307, %sign3A_313 : i32
      %sign3A_315 = arith.extui %sign3A_314 : i1 to i32
      %sign3A_316 = arith.subi %sign3A_312, %sign3A_315 : i32
      %sign3A_317 = arith.constant 0 : i32
      %sign3A_318 = arith.cmpi sgt, %jit3A_308, %sign3A_317 : i32
      %sign3A_319 = arith.extui %sign3A_318 : i1 to i32
      %sign3A_320 = arith.constant 0 : i32
      %sign3A_321 = arith.cmpi slt, %jit3A_308, %sign3A_320 : i32
      %sign3A_322 = arith.extui %sign3A_321 : i1 to i32
      %sign3A_323 = arith.subi %sign3A_319, %sign3A_322 : i32
      %ne3A_324 = arith.cmpi ne, %sign3A_316, %sign3A_323 : i32
      %rem3A_325 = arith.remsi %add3A_307, %jit3A_308 : i32
      %ne3A_326 = arith.constant 0 : i32
      %ne3A_327 = arith.cmpi ne, %rem3A_325, %ne3A_326 : i32
      %and3A_328 = arith.andi %ne3A_324, %ne3A_327 : i1
      %sub3A_329 = arith.constant 1 : i32
      %sub3A_330 = arith.subi %div3A_309, %sub3A_329 : i32
      %select_n3A_331 = arith.select %and3A_328, %sub3A_330, %div3A_309 : i32
      %jit3A_332 = arith.constant 4 : i32
      %eq3A_333 = arith.constant 0 : i32
      %eq3A_334 = arith.cmpi eq, %jit3A_332, %eq3A_333 : i32
      %jit3A_335 = arith.constant 1 : i32
      %select_n3A_336 = arith.select %eq3A_334, %jit3A_335, %jit3A_332 : i32
      %rem3A_337 = arith.remsi %add3A_307, %select_n3A_336 : i32
      %ne3A_338 = arith.constant 0 : i32
      %ne3A_339 = arith.cmpi ne, %rem3A_337, %ne3A_338 : i32
      %lt3A_340 = arith.constant 0 : i32
      %lt3A_341 = arith.cmpi slt, %rem3A_337, %lt3A_340 : i32
      %lt3A_342 = arith.constant 0 : i32
      %lt3A_343 = arith.cmpi slt, %select_n3A_336, %lt3A_342 : i32
      %ne3A_344 = arith.xori %lt3A_341, %lt3A_343 : i1
      %and3A_345 = arith.andi %ne3A_344, %ne3A_339 : i1
      %add3A_346 = arith.addi %rem3A_337, %select_n3A_336 : i32
      %select_n3A_347 = arith.select %and3A_345, %add3A_346, %rem3A_337 : i32
      %slice3A_348 = vector.extract_strided_slice %get3A_23 {offsets = [4], sizes = [1], strides = [1]} : vector<16xi32> to vector<1xi32>
      %squeeze3A_349 = vector.extract %slice3A_348[0] : i32 from vector<1xi32>
      %mul3A_350 = arith.constant 32 : i32
      %mul3A_351 = arith.muli %select_n3A_347, %mul3A_350 : i32
      %dma_start3A_352 = tpu.memref_slice %arg10[%select_n3A_331, %mul3A_351] : memref<128x128xf32, #tpu.memory_space<vmem>> -> memref<1x32xf32, #tpu.memory_space<vmem>>
      %dma_start3A_353 = tpu.memref_squeeze %dma_start3A_352 : memref<1x32xf32, #tpu.memory_space<vmem>> -> memref<32xf32, #tpu.memory_space<vmem>>
      %dma_start3A_354 = arith.constant 0 : i32
      %dma_start3A_355 = tpu.memref_slice %arg4[%squeeze3A_349, %dma_start3A_354] : memref<1000000x32xf32, #tpu.memory_space<hbm>> -> memref<1x32xf32, #tpu.memory_space<hbm>>
      %dma_start3A_356 = tpu.memref_squeeze %dma_start3A_355 : memref<1x32xf32, #tpu.memory_space<hbm>> -> memref<32xf32, #tpu.memory_space<hbm>>
      %dma_start3A_357 = tpu.memref_slice %arg10[%select_n3A_331, %mul3A_351] : memref<128x128xf32, #tpu.memory_space<vmem>> -> memref<1x32xf32, #tpu.memory_space<vmem>>
      %dma_start3A_358 = tpu.memref_squeeze %dma_start3A_357 : memref<1x32xf32, #tpu.memory_space<vmem>> -> memref<32xf32, #tpu.memory_space<vmem>>
      %dma_start3A_359 = arith.constant 0 : i32
      %dma_start3A_360 = tpu.memref_slice %arg4[%squeeze3A_349, %dma_start3A_359] : memref<1000000x32xf32, #tpu.memory_space<hbm>> -> memref<1x32xf32, #tpu.memory_space<hbm>>
      %dma_start3A_361 = tpu.memref_squeeze %dma_start3A_360 : memref<1x32xf32, #tpu.memory_space<hbm>> -> memref<32xf32, #tpu.memory_space<hbm>>
      tpu.enqueue_dma source(%dma_start3A_361 : memref<32xf32, #tpu.memory_space<hbm>>) target(%dma_start3A_358 : memref<32xf32, #tpu.memory_space<vmem>>) target_semaphore(%arg12 : memref<!tpu.dma_semaphore, #tpu.memory_space<semaphore_mem>>)
      %slice3A_362 = vector.extract_strided_slice %get3A_28 {offsets = [4], sizes = [1], strides = [1]} : vector<16xi32> to vector<1xi32>
      %squeeze3A_363 = vector.extract %slice3A_362[0] : i32 from vector<1xi32>
      %mul3A_364 = arith.constant 32 : i32
      %mul3A_365 = arith.muli %select_n3A_347, %mul3A_364 : i32
      %dma_start3A_366 = tpu.memref_slice %arg11[%select_n3A_331, %mul3A_365] : memref<128x128xf32, #tpu.memory_space<vmem>> -> memref<1x32xf32, #tpu.memory_space<vmem>>
      %dma_start3A_367 = tpu.memref_squeeze %dma_start3A_366 : memref<1x32xf32, #tpu.memory_space<vmem>> -> memref<32xf32, #tpu.memory_space<vmem>>
      %dma_start3A_368 = arith.constant 0 : i32
      %dma_start3A_369 = tpu.memref_slice %arg5[%squeeze3A_363, %dma_start3A_368] : memref<1000000x32xf32, #tpu.memory_space<hbm>> -> memref<1x32xf32, #tpu.memory_space<hbm>>
      %dma_start3A_370 = tpu.memref_squeeze %dma_start3A_369 : memref<1x32xf32, #tpu.memory_space<hbm>> -> memref<32xf32, #tpu.memory_space<hbm>>
      %dma_start3A_371 = tpu.memref_slice %arg11[%select_n3A_331, %mul3A_365] : memref<128x128xf32, #tpu.memory_space<vmem>> -> memref<1x32xf32, #tpu.memory_space<vmem>>
      %dma_start3A_372 = tpu.memref_squeeze %dma_start3A_371 : memref<1x32xf32, #tpu.memory_space<vmem>> -> memref<32xf32, #tpu.memory_space<vmem>>
      %dma_start3A_373 = arith.constant 0 : i32
      %dma_start3A_374 = tpu.memref_slice %arg5[%squeeze3A_363, %dma_start3A_373] : memref<1000000x32xf32, #tpu.memory_space<hbm>> -> memref<1x32xf32, #tpu.memory_space<hbm>>
      %dma_start3A_375 = tpu.memref_squeeze %dma_start3A_374 : memref<1x32xf32, #tpu.memory_space<hbm>> -> memref<32xf32, #tpu.memory_space<hbm>>
      tpu.enqueue_dma source(%dma_start3A_375 : memref<32xf32, #tpu.memory_space<hbm>>) target(%dma_start3A_372 : memref<32xf32, #tpu.memory_space<vmem>>) target_semaphore(%arg13 : memref<!tpu.dma_semaphore, #tpu.memory_space<semaphore_mem>>)
      %mul3A_376 = arith.constant 16 : i32
      %mul3A_377 = arith.muli %scan3A_18, %mul3A_376 : i32
      %add3A_378 = arith.constant 5 : i32
      %add3A_379 = arith.addi %mul3A_377, %add3A_378 : i32
      %jit3A_380 = arith.constant 4 : i32
      %div3A_381 = arith.divsi %add3A_379, %jit3A_380 : i32
      %sign3A_382 = arith.constant 0 : i32
      %sign3A_383 = arith.cmpi sgt, %add3A_379, %sign3A_382 : i32
      %sign3A_384 = arith.extui %sign3A_383 : i1 to i32
      %sign3A_385 = arith.constant 0 : i32
      %sign3A_386 = arith.cmpi slt, %add3A_379, %sign3A_385 : i32
      %sign3A_387 = arith.extui %sign3A_386 : i1 to i32
      %sign3A_388 = arith.subi %sign3A_384, %sign3A_387 : i32
      %sign3A_389 = arith.constant 0 : i32
      %sign3A_390 = arith.cmpi sgt, %jit3A_380, %sign3A_389 : i32
      %sign3A_391 = arith.extui %sign3A_390 : i1 to i32
      %sign3A_392 = arith.constant 0 : i32
      %sign3A_393 = arith.cmpi slt, %jit3A_380, %sign3A_392 : i32
      %sign3A_394 = arith.extui %sign3A_393 : i1 to i32
      %sign3A_395 = arith.subi %sign3A_391, %sign3A_394 : i32
      %ne3A_396 = arith.cmpi ne, %sign3A_388, %sign3A_395 : i32
      %rem3A_397 = arith.remsi %add3A_379, %jit3A_380 : i32
      %ne3A_398 = arith.constant 0 : i32
      %ne3A_399 = arith.cmpi ne, %rem3A_397, %ne3A_398 : i32
      %and3A_400 = arith.andi %ne3A_396, %ne3A_399 : i1
      %sub3A_401 = arith.constant 1 : i32
      %sub3A_402 = arith.subi %div3A_381, %sub3A_401 : i32
      %select_n3A_403 = arith.select %and3A_400, %sub3A_402, %div3A_381 : i32
      %jit3A_404 = arith.constant 4 : i32
      %eq3A_405 = arith.constant 0 : i32
      %eq3A_406 = arith.cmpi eq, %jit3A_404, %eq3A_405 : i32
      %jit3A_407 = arith.constant 1 : i32
      %select_n3A_408 = arith.select %eq3A_406, %jit3A_407, %jit3A_404 : i32
      %rem3A_409 = arith.remsi %add3A_379, %select_n3A_408 : i32
      %ne3A_410 = arith.constant 0 : i32
      %ne3A_411 = arith.cmpi ne, %rem3A_409, %ne3A_410 : i32
      %lt3A_412 = arith.constant 0 : i32
      %lt3A_413 = arith.cmpi slt, %rem3A_409, %lt3A_412 : i32
      %lt3A_414 = arith.constant 0 : i32
      %lt3A_415 = arith.cmpi slt, %select_n3A_408, %lt3A_414 : i32
      %ne3A_416 = arith.xori %lt3A_413, %lt3A_415 : i1
      %and3A_417 = arith.andi %ne3A_416, %ne3A_411 : i1
      %add3A_418 = arith.addi %rem3A_409, %select_n3A_408 : i32
      %select_n3A_419 = arith.select %and3A_417, %add3A_418, %rem3A_409 : i32
      %slice3A_420 = vector.extract_strided_slice %get3A_23 {offsets = [5], sizes = [1], strides = [1]} : vector<16xi32> to vector<1xi32>
      %squeeze3A_421 = vector.extract %slice3A_420[0] : i32 from vector<1xi32>
      %mul3A_422 = arith.constant 32 : i32
      %mul3A_423 = arith.muli %select_n3A_419, %mul3A_422 : i32
      %dma_start3A_424 = tpu.memref_slice %arg10[%select_n3A_403, %mul3A_423] : memref<128x128xf32, #tpu.memory_space<vmem>> -> memref<1x32xf32, #tpu.memory_space<vmem>>
      %dma_start3A_425 = tpu.memref_squeeze %dma_start3A_424 : memref<1x32xf32, #tpu.memory_space<vmem>> -> memref<32xf32, #tpu.memory_space<vmem>>
      %dma_start3A_426 = arith.constant 0 : i32
      %dma_start3A_427 = tpu.memref_slice %arg4[%squeeze3A_421, %dma_start3A_426] : memref<1000000x32xf32, #tpu.memory_space<hbm>> -> memref<1x32xf32, #tpu.memory_space<hbm>>
      %dma_start3A_428 = tpu.memref_squeeze %dma_start3A_427 : memref<1x32xf32, #tpu.memory_space<hbm>> -> memref<32xf32, #tpu.memory_space<hbm>>
      %dma_start3A_429 = tpu.memref_slice %arg10[%select_n3A_403, %mul3A_423] : memref<128x128xf32, #tpu.memory_space<vmem>> -> memref<1x32xf32, #tpu.memory_space<vmem>>
      %dma_start3A_430 = tpu.memref_squeeze %dma_start3A_429 : memref<1x32xf32, #tpu.memory_space<vmem>> -> memref<32xf32, #tpu.memory_space<vmem>>
      %dma_start3A_431 = arith.constant 0 : i32
      %dma_start3A_432 = tpu.memref_slice %arg4[%squeeze3A_421, %dma_start3A_431] : memref<1000000x32xf32, #tpu.memory_space<hbm>> -> memref<1x32xf32, #tpu.memory_space<hbm>>
      %dma_start3A_433 = tpu.memref_squeeze %dma_start3A_432 : memref<1x32xf32, #tpu.memory_space<hbm>> -> memref<32xf32, #tpu.memory_space<hbm>>
      tpu.enqueue_dma source(%dma_start3A_433 : memref<32xf32, #tpu.memory_space<hbm>>) target(%dma_start3A_430 : memref<32xf32, #tpu.memory_space<vmem>>) target_semaphore(%arg12 : memref<!tpu.dma_semaphore, #tpu.memory_space<semaphore_mem>>)
      %slice3A_434 = vector.extract_strided_slice %get3A_28 {offsets = [5], sizes = [1], strides = [1]} : vector<16xi32> to vector<1xi32>
      %squeeze3A_435 = vector.extract %slice3A_434[0] : i32 from vector<1xi32>
      %mul3A_436 = arith.constant 32 : i32
      %mul3A_437 = arith.muli %select_n3A_419, %mul3A_436 : i32
      %dma_start3A_438 = tpu.memref_slice %arg11[%select_n3A_403, %mul3A_437] : memref<128x128xf32, #tpu.memory_space<vmem>> -> memref<1x32xf32, #tpu.memory_space<vmem>>
      %dma_start3A_439 = tpu.memref_squeeze %dma_start3A_438 : memref<1x32xf32, #tpu.memory_space<vmem>> -> memref<32xf32, #tpu.memory_space<vmem>>
      %dma_start3A_440 = arith.constant 0 : i32
      %dma_start3A_441 = tpu.memref_slice %arg5[%squeeze3A_435, %dma_start3A_440] : memref<1000000x32xf32, #tpu.memory_space<hbm>> -> memref<1x32xf32, #tpu.memory_space<hbm>>
      %dma_start3A_442 = tpu.memref_squeeze %dma_start3A_441 : memref<1x32xf32, #tpu.memory_space<hbm>> -> memref<32xf32, #tpu.memory_space<hbm>>
      %dma_start3A_443 = tpu.memref_slice %arg11[%select_n3A_403, %mul3A_437] : memref<128x128xf32, #tpu.memory_space<vmem>> -> memref<1x32xf32, #tpu.memory_space<vmem>>
      %dma_start3A_444 = tpu.memref_squeeze %dma_start3A_443 : memref<1x32xf32, #tpu.memory_space<vmem>> -> memref<32xf32, #tpu.memory_space<vmem>>
      %dma_start3A_445 = arith.constant 0 : i32
      %dma_start3A_446 = tpu.memref_slice %arg5[%squeeze3A_435, %dma_start3A_445] : memref<1000000x32xf32, #tpu.memory_space<hbm>> -> memref<1x32xf32, #tpu.memory_space<hbm>>
      %dma_start3A_447 = tpu.memref_squeeze %dma_start3A_446 : memref<1x32xf32, #tpu.memory_space<hbm>> -> memref<32xf32, #tpu.memory_space<hbm>>
      tpu.enqueue_dma source(%dma_start3A_447 : memref<32xf32, #tpu.memory_space<hbm>>) target(%dma_start3A_444 : memref<32xf32, #tpu.memory_space<vmem>>) target_semaphore(%arg13 : memref<!tpu.dma_semaphore, #tpu.memory_space<semaphore_mem>>)
      %mul3A_448 = arith.constant 16 : i32
      %mul3A_449 = arith.muli %scan3A_18, %mul3A_448 : i32
      %add3A_450 = arith.constant 6 : i32
      %add3A_451 = arith.addi %mul3A_449, %add3A_450 : i32
      %jit3A_452 = arith.constant 4 : i32
      %div3A_453 = arith.divsi %add3A_451, %jit3A_452 : i32
      %sign3A_454 = arith.constant 0 : i32
      %sign3A_455 = arith.cmpi sgt, %add3A_451, %sign3A_454 : i32
      %sign3A_456 = arith.extui %sign3A_455 : i1 to i32
      %sign3A_457 = arith.constant 0 : i32
      %sign3A_458 = arith.cmpi slt, %add3A_451, %sign3A_457 : i32
      %sign3A_459 = arith.extui %sign3A_458 : i1 to i32
      %sign3A_460 = arith.subi %sign3A_456, %sign3A_459 : i32
      %sign3A_461 = arith.constant 0 : i32
      %sign3A_462 = arith.cmpi sgt, %jit3A_452, %sign3A_461 : i32
      %sign3A_463 = arith.extui %sign3A_462 : i1 to i32
      %sign3A_464 = arith.constant 0 : i32
      %sign3A_465 = arith.cmpi slt, %jit3A_452, %sign3A_464 : i32
      %sign3A_466 = arith.extui %sign3A_465 : i1 to i32
      %sign3A_467 = arith.subi %sign3A_463, %sign3A_466 : i32
      %ne3A_468 = arith.cmpi ne, %sign3A_460, %sign3A_467 : i32
      %rem3A_469 = arith.remsi %add3A_451, %jit3A_452 : i32
      %ne3A_470 = arith.constant 0 : i32
      %ne3A_471 = arith.cmpi ne, %rem3A_469, %ne3A_470 : i32
      %and3A_472 = arith.andi %ne3A_468, %ne3A_471 : i1
      %sub3A_473 = arith.constant 1 : i32
      %sub3A_474 = arith.subi %div3A_453, %sub3A_473 : i32
      %select_n3A_475 = arith.select %and3A_472, %sub3A_474, %div3A_453 : i32
      %jit3A_476 = arith.constant 4 : i32
      %eq3A_477 = arith.constant 0 : i32
      %eq3A_478 = arith.cmpi eq, %jit3A_476, %eq3A_477 : i32
      %jit3A_479 = arith.constant 1 : i32
      %select_n3A_480 = arith.select %eq3A_478, %jit3A_479, %jit3A_476 : i32
      %rem3A_481 = arith.remsi %add3A_451, %select_n3A_480 : i32
      %ne3A_482 = arith.constant 0 : i32
      %ne3A_483 = arith.cmpi ne, %rem3A_481, %ne3A_482 : i32
      %lt3A_484 = arith.constant 0 : i32
      %lt3A_485 = arith.cmpi slt, %rem3A_481, %lt3A_484 : i32
      %lt3A_486 = arith.constant 0 : i32
      %lt3A_487 = arith.cmpi slt, %select_n3A_480, %lt3A_486 : i32
      %ne3A_488 = arith.xori %lt3A_485, %lt3A_487 : i1
      %and3A_489 = arith.andi %ne3A_488, %ne3A_483 : i1
      %add3A_490 = arith.addi %rem3A_481, %select_n3A_480 : i32
      %select_n3A_491 = arith.select %and3A_489, %add3A_490, %rem3A_481 : i32
      %slice3A_492 = vector.extract_strided_slice %get3A_23 {offsets = [6], sizes = [1], strides = [1]} : vector<16xi32> to vector<1xi32>
      %squeeze3A_493 = vector.extract %slice3A_492[0] : i32 from vector<1xi32>
      %mul3A_494 = arith.constant 32 : i32
      %mul3A_495 = arith.muli %select_n3A_491, %mul3A_494 : i32
      %dma_start3A_496 = tpu.memref_slice %arg10[%select_n3A_475, %mul3A_495] : memref<128x128xf32, #tpu.memory_space<vmem>> -> memref<1x32xf32, #tpu.memory_space<vmem>>
      %dma_start3A_497 = tpu.memref_squeeze %dma_start3A_496 : memref<1x32xf32, #tpu.memory_space<vmem>> -> memref<32xf32, #tpu.memory_space<vmem>>
      %dma_start3A_498 = arith.constant 0 : i32
      %dma_start3A_499 = tpu.memref_slice %arg4[%squeeze3A_493, %dma_start3A_498] : memref<1000000x32xf32, #tpu.memory_space<hbm>> -> memref<1x32xf32, #tpu.memory_space<hbm>>
      %dma_start3A_500 = tpu.memref_squeeze %dma_start3A_499 : memref<1x32xf32, #tpu.memory_space<hbm>> -> memref<32xf32, #tpu.memory_space<hbm>>
      %dma_start3A_501 = tpu.memref_slice %arg10[%select_n3A_475, %mul3A_495] : memref<128x128xf32, #tpu.memory_space<vmem>> -> memref<1x32xf32, #tpu.memory_space<vmem>>
      %dma_start3A_502 = tpu.memref_squeeze %dma_start3A_501 : memref<1x32xf32, #tpu.memory_space<vmem>> -> memref<32xf32, #tpu.memory_space<vmem>>
      %dma_start3A_503 = arith.constant 0 : i32
      %dma_start3A_504 = tpu.memref_slice %arg4[%squeeze3A_493, %dma_start3A_503] : memref<1000000x32xf32, #tpu.memory_space<hbm>> -> memref<1x32xf32, #tpu.memory_space<hbm>>
      %dma_start3A_505 = tpu.memref_squeeze %dma_start3A_504 : memref<1x32xf32, #tpu.memory_space<hbm>> -> memref<32xf32, #tpu.memory_space<hbm>>
      tpu.enqueue_dma source(%dma_start3A_505 : memref<32xf32, #tpu.memory_space<hbm>>) target(%dma_start3A_502 : memref<32xf32, #tpu.memory_space<vmem>>) target_semaphore(%arg12 : memref<!tpu.dma_semaphore, #tpu.memory_space<semaphore_mem>>)
      %slice3A_506 = vector.extract_strided_slice %get3A_28 {offsets = [6], sizes = [1], strides = [1]} : vector<16xi32> to vector<1xi32>
      %squeeze3A_507 = vector.extract %slice3A_506[0] : i32 from vector<1xi32>
      %mul3A_508 = arith.constant 32 : i32
      %mul3A_509 = arith.muli %select_n3A_491, %mul3A_508 : i32
      %dma_start3A_510 = tpu.memref_slice %arg11[%select_n3A_475, %mul3A_509] : memref<128x128xf32, #tpu.memory_space<vmem>> -> memref<1x32xf32, #tpu.memory_space<vmem>>
      %dma_start3A_511 = tpu.memref_squeeze %dma_start3A_510 : memref<1x32xf32, #tpu.memory_space<vmem>> -> memref<32xf32, #tpu.memory_space<vmem>>
      %dma_start3A_512 = arith.constant 0 : i32
      %dma_start3A_513 = tpu.memref_slice %arg5[%squeeze3A_507, %dma_start3A_512] : memref<1000000x32xf32, #tpu.memory_space<hbm>> -> memref<1x32xf32, #tpu.memory_space<hbm>>
      %dma_start3A_514 = tpu.memref_squeeze %dma_start3A_513 : memref<1x32xf32, #tpu.memory_space<hbm>> -> memref<32xf32, #tpu.memory_space<hbm>>
      %dma_start3A_515 = tpu.memref_slice %arg11[%select_n3A_475, %mul3A_509] : memref<128x128xf32, #tpu.memory_space<vmem>> -> memref<1x32xf32, #tpu.memory_space<vmem>>
      %dma_start3A_516 = tpu.memref_squeeze %dma_start3A_515 : memref<1x32xf32, #tpu.memory_space<vmem>> -> memref<32xf32, #tpu.memory_space<vmem>>
      %dma_start3A_517 = arith.constant 0 : i32
      %dma_start3A_518 = tpu.memref_slice %arg5[%squeeze3A_507, %dma_start3A_517] : memref<1000000x32xf32, #tpu.memory_space<hbm>> -> memref<1x32xf32, #tpu.memory_space<hbm>>
      %dma_start3A_519 = tpu.memref_squeeze %dma_start3A_518 : memref<1x32xf32, #tpu.memory_space<hbm>> -> memref<32xf32, #tpu.memory_space<hbm>>
      tpu.enqueue_dma source(%dma_start3A_519 : memref<32xf32, #tpu.memory_space<hbm>>) target(%dma_start3A_516 : memref<32xf32, #tpu.memory_space<vmem>>) target_semaphore(%arg13 : memref<!tpu.dma_semaphore, #tpu.memory_space<semaphore_mem>>)
      %mul3A_520 = arith.constant 16 : i32
      %mul3A_521 = arith.muli %scan3A_18, %mul3A_520 : i32
      %add3A_522 = arith.constant 7 : i32
      %add3A_523 = arith.addi %mul3A_521, %add3A_522 : i32
      %jit3A_524 = arith.constant 4 : i32
      %div3A_525 = arith.divsi %add3A_523, %jit3A_524 : i32
      %sign3A_526 = arith.constant 0 : i32
      %sign3A_527 = arith.cmpi sgt, %add3A_523, %sign3A_526 : i32
      %sign3A_528 = arith.extui %sign3A_527 : i1 to i32
      %sign3A_529 = arith.constant 0 : i32
      %sign3A_530 = arith.cmpi slt, %add3A_523, %sign3A_529 : i32
      %sign3A_531 = arith.extui %sign3A_530 : i1 to i32
      %sign3A_532 = arith.subi %sign3A_528, %sign3A_531 : i32
      %sign3A_533 = arith.constant 0 : i32
      %sign3A_534 = arith.cmpi sgt, %jit3A_524, %sign3A_533 : i32
      %sign3A_535 = arith.extui %sign3A_534 : i1 to i32
      %sign3A_536 = arith.constant 0 : i32
      %sign3A_537 = arith.cmpi slt, %jit3A_524, %sign3A_536 : i32
      %sign3A_538 = arith.extui %sign3A_537 : i1 to i32
      %sign3A_539 = arith.subi %sign3A_535, %sign3A_538 : i32
      %ne3A_540 = arith.cmpi ne, %sign3A_532, %sign3A_539 : i32
      %rem3A_541 = arith.remsi %add3A_523, %jit3A_524 : i32
      %ne3A_542 = arith.constant 0 : i32
      %ne3A_543 = arith.cmpi ne, %rem3A_541, %ne3A_542 : i32
      %and3A_544 = arith.andi %ne3A_540, %ne3A_543 : i1
      %sub3A_545 = arith.constant 1 : i32
      %sub3A_546 = arith.subi %div3A_525, %sub3A_545 : i32
      %select_n3A_547 = arith.select %and3A_544, %sub3A_546, %div3A_525 : i32
      %jit3A_548 = arith.constant 4 : i32
      %eq3A_549 = arith.constant 0 : i32
      %eq3A_550 = arith.cmpi eq, %jit3A_548, %eq3A_549 : i32
      %jit3A_551 = arith.constant 1 : i32
      %select_n3A_552 = arith.select %eq3A_550, %jit3A_551, %jit3A_548 : i32
      %rem3A_553 = arith.remsi %add3A_523, %select_n3A_552 : i32
      %ne3A_554 = arith.constant 0 : i32
      %ne3A_555 = arith.cmpi ne, %rem3A_553, %ne3A_554 : i32
      %lt3A_556 = arith.constant 0 : i32
      %lt3A_557 = arith.cmpi slt, %rem3A_553, %lt3A_556 : i32
      %lt3A_558 = arith.constant 0 : i32
      %lt3A_559 = arith.cmpi slt, %select_n3A_552, %lt3A_558 : i32
      %ne3A_560 = arith.xori %lt3A_557, %lt3A_559 : i1
      %and3A_561 = arith.andi %ne3A_560, %ne3A_555 : i1
      %add3A_562 = arith.addi %rem3A_553, %select_n3A_552 : i32
      %select_n3A_563 = arith.select %and3A_561, %add3A_562, %rem3A_553 : i32
      %slice3A_564 = vector.extract_strided_slice %get3A_23 {offsets = [7], sizes = [1], strides = [1]} : vector<16xi32> to vector<1xi32>
      %squeeze3A_565 = vector.extract %slice3A_564[0] : i32 from vector<1xi32>
      %mul3A_566 = arith.constant 32 : i32
      %mul3A_567 = arith.muli %select_n3A_563, %mul3A_566 : i32
      %dma_start3A_568 = tpu.memref_slice %arg10[%select_n3A_547, %mul3A_567] : memref<128x128xf32, #tpu.memory_space<vmem>> -> memref<1x32xf32, #tpu.memory_space<vmem>>
      %dma_start3A_569 = tpu.memref_squeeze %dma_start3A_568 : memref<1x32xf32, #tpu.memory_space<vmem>> -> memref<32xf32, #tpu.memory_space<vmem>>
      %dma_start3A_570 = arith.constant 0 : i32
      %dma_start3A_571 = tpu.memref_slice %arg4[%squeeze3A_565, %dma_start3A_570] : memref<1000000x32xf32, #tpu.memory_space<hbm>> -> memref<1x32xf32, #tpu.memory_space<hbm>>
      %dma_start3A_572 = tpu.memref_squeeze %dma_start3A_571 : memref<1x32xf32, #tpu.memory_space<hbm>> -> memref<32xf32, #tpu.memory_space<hbm>>
      %dma_start3A_573 = tpu.memref_slice %arg10[%select_n3A_547, %mul3A_567] : memref<128x128xf32, #tpu.memory_space<vmem>> -> memref<1x32xf32, #tpu.memory_space<vmem>>
      %dma_start3A_574 = tpu.memref_squeeze %dma_start3A_573 : memref<1x32xf32, #tpu.memory_space<vmem>> -> memref<32xf32, #tpu.memory_space<vmem>>
      %dma_start3A_575 = arith.constant 0 : i32
      %dma_start3A_576 = tpu.memref_slice %arg4[%squeeze3A_565, %dma_start3A_575] : memref<1000000x32xf32, #tpu.memory_space<hbm>> -> memref<1x32xf32, #tpu.memory_space<hbm>>
      %dma_start3A_577 = tpu.memref_squeeze %dma_start3A_576 : memref<1x32xf32, #tpu.memory_space<hbm>> -> memref<32xf32, #tpu.memory_space<hbm>>
      tpu.enqueue_dma source(%dma_start3A_577 : memref<32xf32, #tpu.memory_space<hbm>>) target(%dma_start3A_574 : memref<32xf32, #tpu.memory_space<vmem>>) target_semaphore(%arg12 : memref<!tpu.dma_semaphore, #tpu.memory_space<semaphore_mem>>)
      %slice3A_578 = vector.extract_strided_slice %get3A_28 {offsets = [7], sizes = [1], strides = [1]} : vector<16xi32> to vector<1xi32>
      %squeeze3A_579 = vector.extract %slice3A_578[0] : i32 from vector<1xi32>
      %mul3A_580 = arith.constant 32 : i32
      %mul3A_581 = arith.muli %select_n3A_563, %mul3A_580 : i32
      %dma_start3A_582 = tpu.memref_slice %arg11[%select_n3A_547, %mul3A_581] : memref<128x128xf32, #tpu.memory_space<vmem>> -> memref<1x32xf32, #tpu.memory_space<vmem>>
      %dma_start3A_583 = tpu.memref_squeeze %dma_start3A_582 : memref<1x32xf32, #tpu.memory_space<vmem>> -> memref<32xf32, #tpu.memory_space<vmem>>
      %dma_start3A_584 = arith.constant 0 : i32
      %dma_start3A_585 = tpu.memref_slice %arg5[%squeeze3A_579, %dma_start3A_584] : memref<1000000x32xf32, #tpu.memory_space<hbm>> -> memref<1x32xf32, #tpu.memory_space<hbm>>
      %dma_start3A_586 = tpu.memref_squeeze %dma_start3A_585 : memref<1x32xf32, #tpu.memory_space<hbm>> -> memref<32xf32, #tpu.memory_space<hbm>>
      %dma_start3A_587 = tpu.memref_slice %arg11[%select_n3A_547, %mul3A_581] : memref<128x128xf32, #tpu.memory_space<vmem>> -> memref<1x32xf32, #tpu.memory_space<vmem>>
      %dma_start3A_588 = tpu.memref_squeeze %dma_start3A_587 : memref<1x32xf32, #tpu.memory_space<vmem>> -> memref<32xf32, #tpu.memory_space<vmem>>
      %dma_start3A_589 = arith.constant 0 : i32
      %dma_start3A_590 = tpu.memref_slice %arg5[%squeeze3A_579, %dma_start3A_589] : memref<1000000x32xf32, #tpu.memory_space<hbm>> -> memref<1x32xf32, #tpu.memory_space<hbm>>
      %dma_start3A_591 = tpu.memref_squeeze %dma_start3A_590 : memref<1x32xf32, #tpu.memory_space<hbm>> -> memref<32xf32, #tpu.memory_space<hbm>>
      tpu.enqueue_dma source(%dma_start3A_591 : memref<32xf32, #tpu.memory_space<hbm>>) target(%dma_start3A_588 : memref<32xf32, #tpu.memory_space<vmem>>) target_semaphore(%arg13 : memref<!tpu.dma_semaphore, #tpu.memory_space<semaphore_mem>>)
      %mul3A_592 = arith.constant 16 : i32
      %mul3A_593 = arith.muli %scan3A_18, %mul3A_592 : i32
      %add3A_594 = arith.constant 8 : i32
      %add3A_595 = arith.addi %mul3A_593, %add3A_594 : i32
      %jit3A_596 = arith.constant 4 : i32
      %div3A_597 = arith.divsi %add3A_595, %jit3A_596 : i32
      %sign3A_598 = arith.constant 0 : i32
      %sign3A_599 = arith.cmpi sgt, %add3A_595, %sign3A_598 : i32
      %sign3A_600 = arith.extui %sign3A_599 : i1 to i32
      %sign3A_601 = arith.constant 0 : i32
      %sign3A_602 = arith.cmpi slt, %add3A_595, %sign3A_601 : i32
      %sign3A_603 = arith.extui %sign3A_602 : i1 to i32
      %sign3A_604 = arith.subi %sign3A_600, %sign3A_603 : i32
      %sign3A_605 = arith.constant 0 : i32
      %sign3A_606 = arith.cmpi sgt, %jit3A_596, %sign3A_605 : i32
      %sign3A_607 = arith.extui %sign3A_606 : i1 to i32
      %sign3A_608 = arith.constant 0 : i32
      %sign3A_609 = arith.cmpi slt, %jit3A_596, %sign3A_608 : i32
      %sign3A_610 = arith.extui %sign3A_609 : i1 to i32
      %sign3A_611 = arith.subi %sign3A_607, %sign3A_610 : i32
      %ne3A_612 = arith.cmpi ne, %sign3A_604, %sign3A_611 : i32
      %rem3A_613 = arith.remsi %add3A_595, %jit3A_596 : i32
      %ne3A_614 = arith.constant 0 : i32
      %ne3A_615 = arith.cmpi ne, %rem3A_613, %ne3A_614 : i32
      %and3A_616 = arith.andi %ne3A_612, %ne3A_615 : i1
      %sub3A_617 = arith.constant 1 : i32
      %sub3A_618 = arith.subi %div3A_597, %sub3A_617 : i32
      %select_n3A_619 = arith.select %and3A_616, %sub3A_618, %div3A_597 : i32
      %jit3A_620 = arith.constant 4 : i32
      %eq3A_621 = arith.constant 0 : i32
      %eq3A_622 = arith.cmpi eq, %jit3A_620, %eq3A_621 : i32
      %jit3A_623 = arith.constant 1 : i32
      %select_n3A_624 = arith.select %eq3A_622, %jit3A_623, %jit3A_620 : i32
      %rem3A_625 = arith.remsi %add3A_595, %select_n3A_624 : i32
      %ne3A_626 = arith.constant 0 : i32
      %ne3A_627 = arith.cmpi ne, %rem3A_625, %ne3A_626 : i32
      %lt3A_628 = arith.constant 0 : i32
      %lt3A_629 = arith.cmpi slt, %rem3A_625, %lt3A_628 : i32
      %lt3A_630 = arith.constant 0 : i32
      %lt3A_631 = arith.cmpi slt, %select_n3A_624, %lt3A_630 : i32
      %ne3A_632 = arith.xori %lt3A_629, %lt3A_631 : i1
      %and3A_633 = arith.andi %ne3A_632, %ne3A_627 : i1
      %add3A_634 = arith.addi %rem3A_625, %select_n3A_624 : i32
      %select_n3A_635 = arith.select %and3A_633, %add3A_634, %rem3A_625 : i32
      %slice3A_636 = vector.extract_strided_slice %get3A_23 {offsets = [8], sizes = [1], strides = [1]} : vector<16xi32> to vector<1xi32>
      %squeeze3A_637 = vector.extract %slice3A_636[0] : i32 from vector<1xi32>
      %mul3A_638 = arith.constant 32 : i32
      %mul3A_639 = arith.muli %select_n3A_635, %mul3A_638 : i32
      %dma_start3A_640 = tpu.memref_slice %arg10[%select_n3A_619, %mul3A_639] : memref<128x128xf32, #tpu.memory_space<vmem>> -> memref<1x32xf32, #tpu.memory_space<vmem>>
      %dma_start3A_641 = tpu.memref_squeeze %dma_start3A_640 : memref<1x32xf32, #tpu.memory_space<vmem>> -> memref<32xf32, #tpu.memory_space<vmem>>
      %dma_start3A_642 = arith.constant 0 : i32
      %dma_start3A_643 = tpu.memref_slice %arg4[%squeeze3A_637, %dma_start3A_642] : memref<1000000x32xf32, #tpu.memory_space<hbm>> -> memref<1x32xf32, #tpu.memory_space<hbm>>
      %dma_start3A_644 = tpu.memref_squeeze %dma_start3A_643 : memref<1x32xf32, #tpu.memory_space<hbm>> -> memref<32xf32, #tpu.memory_space<hbm>>
      %dma_start3A_645 = tpu.memref_slice %arg10[%select_n3A_619, %mul3A_639] : memref<128x128xf32, #tpu.memory_space<vmem>> -> memref<1x32xf32, #tpu.memory_space<vmem>>
      %dma_start3A_646 = tpu.memref_squeeze %dma_start3A_645 : memref<1x32xf32, #tpu.memory_space<vmem>> -> memref<32xf32, #tpu.memory_space<vmem>>
      %dma_start3A_647 = arith.constant 0 : i32
      %dma_start3A_648 = tpu.memref_slice %arg4[%squeeze3A_637, %dma_start3A_647] : memref<1000000x32xf32, #tpu.memory_space<hbm>> -> memref<1x32xf32, #tpu.memory_space<hbm>>
      %dma_start3A_649 = tpu.memref_squeeze %dma_start3A_648 : memref<1x32xf32, #tpu.memory_space<hbm>> -> memref<32xf32, #tpu.memory_space<hbm>>
      tpu.enqueue_dma source(%dma_start3A_649 : memref<32xf32, #tpu.memory_space<hbm>>) target(%dma_start3A_646 : memref<32xf32, #tpu.memory_space<vmem>>) target_semaphore(%arg12 : memref<!tpu.dma_semaphore, #tpu.memory_space<semaphore_mem>>)
      %slice3A_650 = vector.extract_strided_slice %get3A_28 {offsets = [8], sizes = [1], strides = [1]} : vector<16xi32> to vector<1xi32>
      %squeeze3A_651 = vector.extract %slice3A_650[0] : i32 from vector<1xi32>
      %mul3A_652 = arith.constant 32 : i32
      %mul3A_653 = arith.muli %select_n3A_635, %mul3A_652 : i32
      %dma_start3A_654 = tpu.memref_slice %arg11[%select_n3A_619, %mul3A_653] : memref<128x128xf32, #tpu.memory_space<vmem>> -> memref<1x32xf32, #tpu.memory_space<vmem>>
      %dma_start3A_655 = tpu.memref_squeeze %dma_start3A_654 : memref<1x32xf32, #tpu.memory_space<vmem>> -> memref<32xf32, #tpu.memory_space<vmem>>
      %dma_start3A_656 = arith.constant 0 : i32
      %dma_start3A_657 = tpu.memref_slice %arg5[%squeeze3A_651, %dma_start3A_656] : memref<1000000x32xf32, #tpu.memory_space<hbm>> -> memref<1x32xf32, #tpu.memory_space<hbm>>
      %dma_start3A_658 = tpu.memref_squeeze %dma_start3A_657 : memref<1x32xf32, #tpu.memory_space<hbm>> -> memref<32xf32, #tpu.memory_space<hbm>>
      %dma_start3A_659 = tpu.memref_slice %arg11[%select_n3A_619, %mul3A_653] : memref<128x128xf32, #tpu.memory_space<vmem>> -> memref<1x32xf32, #tpu.memory_space<vmem>>
      %dma_start3A_660 = tpu.memref_squeeze %dma_start3A_659 : memref<1x32xf32, #tpu.memory_space<vmem>> -> memref<32xf32, #tpu.memory_space<vmem>>
      %dma_start3A_661 = arith.constant 0 : i32
      %dma_start3A_662 = tpu.memref_slice %arg5[%squeeze3A_651, %dma_start3A_661] : memref<1000000x32xf32, #tpu.memory_space<hbm>> -> memref<1x32xf32, #tpu.memory_space<hbm>>
      %dma_start3A_663 = tpu.memref_squeeze %dma_start3A_662 : memref<1x32xf32, #tpu.memory_space<hbm>> -> memref<32xf32, #tpu.memory_space<hbm>>
      tpu.enqueue_dma source(%dma_start3A_663 : memref<32xf32, #tpu.memory_space<hbm>>) target(%dma_start3A_660 : memref<32xf32, #tpu.memory_space<vmem>>) target_semaphore(%arg13 : memref<!tpu.dma_semaphore, #tpu.memory_space<semaphore_mem>>)
      %mul3A_664 = arith.constant 16 : i32
      %mul3A_665 = arith.muli %scan3A_18, %mul3A_664 : i32
      %add3A_666 = arith.constant 9 : i32
      %add3A_667 = arith.addi %mul3A_665, %add3A_666 : i32
      %jit3A_668 = arith.constant 4 : i32
      %div3A_669 = arith.divsi %add3A_667, %jit3A_668 : i32
      %sign3A_670 = arith.constant 0 : i32
      %sign3A_671 = arith.cmpi sgt, %add3A_667, %sign3A_670 : i32
      %sign3A_672 = arith.extui %sign3A_671 : i1 to i32
      %sign3A_673 = arith.constant 0 : i32
      %sign3A_674 = arith.cmpi slt, %add3A_667, %sign3A_673 : i32
      %sign3A_675 = arith.extui %sign3A_674 : i1 to i32
      %sign3A_676 = arith.subi %sign3A_672, %sign3A_675 : i32
      %sign3A_677 = arith.constant 0 : i32
      %sign3A_678 = arith.cmpi sgt, %jit3A_668, %sign3A_677 : i32
      %sign3A_679 = arith.extui %sign3A_678 : i1 to i32
      %sign3A_680 = arith.constant 0 : i32
      %sign3A_681 = arith.cmpi slt, %jit3A_668, %sign3A_680 : i32
      %sign3A_682 = arith.extui %sign3A_681 : i1 to i32
      %sign3A_683 = arith.subi %sign3A_679, %sign3A_682 : i32
      %ne3A_684 = arith.cmpi ne, %sign3A_676, %sign3A_683 : i32
      %rem3A_685 = arith.remsi %add3A_667, %jit3A_668 : i32
      %ne3A_686 = arith.constant 0 : i32
      %ne3A_687 = arith.cmpi ne, %rem3A_685, %ne3A_686 : i32
      %and3A_688 = arith.andi %ne3A_684, %ne3A_687 : i1
      %sub3A_689 = arith.constant 1 : i32
      %sub3A_690 = arith.subi %div3A_669, %sub3A_689 : i32
      %select_n3A_691 = arith.select %and3A_688, %sub3A_690, %div3A_669 : i32
      %jit3A_692 = arith.constant 4 : i32
      %eq3A_693 = arith.constant 0 : i32
      %eq3A_694 = arith.cmpi eq, %jit3A_692, %eq3A_693 : i32
      %jit3A_695 = arith.constant 1 : i32
      %select_n3A_696 = arith.select %eq3A_694, %jit3A_695, %jit3A_692 : i32
      %rem3A_697 = arith.remsi %add3A_667, %select_n3A_696 : i32
      %ne3A_698 = arith.constant 0 : i32
      %ne3A_699 = arith.cmpi ne, %rem3A_697, %ne3A_698 : i32
      %lt3A_700 = arith.constant 0 : i32
      %lt3A_701 = arith.cmpi slt, %rem3A_697, %lt3A_700 : i32
      %lt3A_702 = arith.constant 0 : i32
      %lt3A_703 = arith.cmpi slt, %select_n3A_696, %lt3A_702 : i32
      %ne3A_704 = arith.xori %lt3A_701, %lt3A_703 : i1
      %and3A_705 = arith.andi %ne3A_704, %ne3A_699 : i1
      %add3A_706 = arith.addi %rem3A_697, %select_n3A_696 : i32
      %select_n3A_707 = arith.select %and3A_705, %add3A_706, %rem3A_697 : i32
      %slice3A_708 = vector.extract_strided_slice %get3A_23 {offsets = [9], sizes = [1], strides = [1]} : vector<16xi32> to vector<1xi32>
      %squeeze3A_709 = vector.extract %slice3A_708[0] : i32 from vector<1xi32>
      %mul3A_710 = arith.constant 32 : i32
      %mul3A_711 = arith.muli %select_n3A_707, %mul3A_710 : i32
      %dma_start3A_712 = tpu.memref_slice %arg10[%select_n3A_691, %mul3A_711] : memref<128x128xf32, #tpu.memory_space<vmem>> -> memref<1x32xf32, #tpu.memory_space<vmem>>
      %dma_start3A_713 = tpu.memref_squeeze %dma_start3A_712 : memref<1x32xf32, #tpu.memory_space<vmem>> -> memref<32xf32, #tpu.memory_space<vmem>>
      %dma_start3A_714 = arith.constant 0 : i32
      %dma_start3A_715 = tpu.memref_slice %arg4[%squeeze3A_709, %dma_start3A_714] : memref<1000000x32xf32, #tpu.memory_space<hbm>> -> memref<1x32xf32, #tpu.memory_space<hbm>>
      %dma_start3A_716 = tpu.memref_squeeze %dma_start3A_715 : memref<1x32xf32, #tpu.memory_space<hbm>> -> memref<32xf32, #tpu.memory_space<hbm>>
      %dma_start3A_717 = tpu.memref_slice %arg10[%select_n3A_691, %mul3A_711] : memref<128x128xf32, #tpu.memory_space<vmem>> -> memref<1x32xf32, #tpu.memory_space<vmem>>
      %dma_start3A_718 = tpu.memref_squeeze %dma_start3A_717 : memref<1x32xf32, #tpu.memory_space<vmem>> -> memref<32xf32, #tpu.memory_space<vmem>>
      %dma_start3A_719 = arith.constant 0 : i32
      %dma_start3A_720 = tpu.memref_slice %arg4[%squeeze3A_709, %dma_start3A_719] : memref<1000000x32xf32, #tpu.memory_space<hbm>> -> memref<1x32xf32, #tpu.memory_space<hbm>>
      %dma_start3A_721 = tpu.memref_squeeze %dma_start3A_720 : memref<1x32xf32, #tpu.memory_space<hbm>> -> memref<32xf32, #tpu.memory_space<hbm>>
      tpu.enqueue_dma source(%dma_start3A_721 : memref<32xf32, #tpu.memory_space<hbm>>) target(%dma_start3A_718 : memref<32xf32, #tpu.memory_space<vmem>>) target_semaphore(%arg12 : memref<!tpu.dma_semaphore, #tpu.memory_space<semaphore_mem>>)
      %slice3A_722 = vector.extract_strided_slice %get3A_28 {offsets = [9], sizes = [1], strides = [1]} : vector<16xi32> to vector<1xi32>
      %squeeze3A_723 = vector.extract %slice3A_722[0] : i32 from vector<1xi32>
      %mul3A_724 = arith.constant 32 : i32
      %mul3A_725 = arith.muli %select_n3A_707, %mul3A_724 : i32
      %dma_start3A_726 = tpu.memref_slice %arg11[%select_n3A_691, %mul3A_725] : memref<128x128xf32, #tpu.memory_space<vmem>> -> memref<1x32xf32, #tpu.memory_space<vmem>>
      %dma_start3A_727 = tpu.memref_squeeze %dma_start3A_726 : memref<1x32xf32, #tpu.memory_space<vmem>> -> memref<32xf32, #tpu.memory_space<vmem>>
      %dma_start3A_728 = arith.constant 0 : i32
      %dma_start3A_729 = tpu.memref_slice %arg5[%squeeze3A_723, %dma_start3A_728] : memref<1000000x32xf32, #tpu.memory_space<hbm>> -> memref<1x32xf32, #tpu.memory_space<hbm>>
      %dma_start3A_730 = tpu.memref_squeeze %dma_start3A_729 : memref<1x32xf32, #tpu.memory_space<hbm>> -> memref<32xf32, #tpu.memory_space<hbm>>
      %dma_start3A_731 = tpu.memref_slice %arg11[%select_n3A_691, %mul3A_725] : memref<128x128xf32, #tpu.memory_space<vmem>> -> memref<1x32xf32, #tpu.memory_space<vmem>>
      %dma_start3A_732 = tpu.memref_squeeze %dma_start3A_731 : memref<1x32xf32, #tpu.memory_space<vmem>> -> memref<32xf32, #tpu.memory_space<vmem>>
      %dma_start3A_733 = arith.constant 0 : i32
      %dma_start3A_734 = tpu.memref_slice %arg5[%squeeze3A_723, %dma_start3A_733] : memref<1000000x32xf32, #tpu.memory_space<hbm>> -> memref<1x32xf32, #tpu.memory_space<hbm>>
      %dma_start3A_735 = tpu.memref_squeeze %dma_start3A_734 : memref<1x32xf32, #tpu.memory_space<hbm>> -> memref<32xf32, #tpu.memory_space<hbm>>
      tpu.enqueue_dma source(%dma_start3A_735 : memref<32xf32, #tpu.memory_space<hbm>>) target(%dma_start3A_732 : memref<32xf32, #tpu.memory_space<vmem>>) target_semaphore(%arg13 : memref<!tpu.dma_semaphore, #tpu.memory_space<semaphore_mem>>)
      %mul3A_736 = arith.constant 16 : i32
      %mul3A_737 = arith.muli %scan3A_18, %mul3A_736 : i32
      %add3A_738 = arith.constant 10 : i32
      %add3A_739 = arith.addi %mul3A_737, %add3A_738 : i32
      %jit3A_740 = arith.constant 4 : i32
      %div3A_741 = arith.divsi %add3A_739, %jit3A_740 : i32
      %sign3A_742 = arith.constant 0 : i32
      %sign3A_743 = arith.cmpi sgt, %add3A_739, %sign3A_742 : i32
      %sign3A_744 = arith.extui %sign3A_743 : i1 to i32
      %sign3A_745 = arith.constant 0 : i32
      %sign3A_746 = arith.cmpi slt, %add3A_739, %sign3A_745 : i32
      %sign3A_747 = arith.extui %sign3A_746 : i1 to i32
      %sign3A_748 = arith.subi %sign3A_744, %sign3A_747 : i32
      %sign3A_749 = arith.constant 0 : i32
      %sign3A_750 = arith.cmpi sgt, %jit3A_740, %sign3A_749 : i32
      %sign3A_751 = arith.extui %sign3A_750 : i1 to i32
      %sign3A_752 = arith.constant 0 : i32
      %sign3A_753 = arith.cmpi slt, %jit3A_740, %sign3A_752 : i32
      %sign3A_754 = arith.extui %sign3A_753 : i1 to i32
      %sign3A_755 = arith.subi %sign3A_751, %sign3A_754 : i32
      %ne3A_756 = arith.cmpi ne, %sign3A_748, %sign3A_755 : i32
      %rem3A_757 = arith.remsi %add3A_739, %jit3A_740 : i32
      %ne3A_758 = arith.constant 0 : i32
      %ne3A_759 = arith.cmpi ne, %rem3A_757, %ne3A_758 : i32
      %and3A_760 = arith.andi %ne3A_756, %ne3A_759 : i1
      %sub3A_761 = arith.constant 1 : i32
      %sub3A_762 = arith.subi %div3A_741, %sub3A_761 : i32
      %select_n3A_763 = arith.select %and3A_760, %sub3A_762, %div3A_741 : i32
      %jit3A_764 = arith.constant 4 : i32
      %eq3A_765 = arith.constant 0 : i32
      %eq3A_766 = arith.cmpi eq, %jit3A_764, %eq3A_765 : i32
      %jit3A_767 = arith.constant 1 : i32
      %select_n3A_768 = arith.select %eq3A_766, %jit3A_767, %jit3A_764 : i32
      %rem3A_769 = arith.remsi %add3A_739, %select_n3A_768 : i32
      %ne3A_770 = arith.constant 0 : i32
      %ne3A_771 = arith.cmpi ne, %rem3A_769, %ne3A_770 : i32
      %lt3A_772 = arith.constant 0 : i32
      %lt3A_773 = arith.cmpi slt, %rem3A_769, %lt3A_772 : i32
      %lt3A_774 = arith.constant 0 : i32
      %lt3A_775 = arith.cmpi slt, %select_n3A_768, %lt3A_774 : i32
      %ne3A_776 = arith.xori %lt3A_773, %lt3A_775 : i1
      %and3A_777 = arith.andi %ne3A_776, %ne3A_771 : i1
      %add3A_778 = arith.addi %rem3A_769, %select_n3A_768 : i32
      %select_n3A_779 = arith.select %and3A_777, %add3A_778, %rem3A_769 : i32
      %slice3A_780 = vector.extract_strided_slice %get3A_23 {offsets = [10], sizes = [1], strides = [1]} : vector<16xi32> to vector<1xi32>
      %squeeze3A_781 = vector.extract %slice3A_780[0] : i32 from vector<1xi32>
      %mul3A_782 = arith.constant 32 : i32
      %mul3A_783 = arith.muli %select_n3A_779, %mul3A_782 : i32
      %dma_start3A_784 = tpu.memref_slice %arg10[%select_n3A_763, %mul3A_783] : memref<128x128xf32, #tpu.memory_space<vmem>> -> memref<1x32xf32, #tpu.memory_space<vmem>>
      %dma_start3A_785 = tpu.memref_squeeze %dma_start3A_784 : memref<1x32xf32, #tpu.memory_space<vmem>> -> memref<32xf32, #tpu.memory_space<vmem>>
      %dma_start3A_786 = arith.constant 0 : i32
      %dma_start3A_787 = tpu.memref_slice %arg4[%squeeze3A_781, %dma_start3A_786] : memref<1000000x32xf32, #tpu.memory_space<hbm>> -> memref<1x32xf32, #tpu.memory_space<hbm>>
      %dma_start3A_788 = tpu.memref_squeeze %dma_start3A_787 : memref<1x32xf32, #tpu.memory_space<hbm>> -> memref<32xf32, #tpu.memory_space<hbm>>
      %dma_start3A_789 = tpu.memref_slice %arg10[%select_n3A_763, %mul3A_783] : memref<128x128xf32, #tpu.memory_space<vmem>> -> memref<1x32xf32, #tpu.memory_space<vmem>>
      %dma_start3A_790 = tpu.memref_squeeze %dma_start3A_789 : memref<1x32xf32, #tpu.memory_space<vmem>> -> memref<32xf32, #tpu.memory_space<vmem>>
      %dma_start3A_791 = arith.constant 0 : i32
      %dma_start3A_792 = tpu.memref_slice %arg4[%squeeze3A_781, %dma_start3A_791] : memref<1000000x32xf32, #tpu.memory_space<hbm>> -> memref<1x32xf32, #tpu.memory_space<hbm>>
      %dma_start3A_793 = tpu.memref_squeeze %dma_start3A_792 : memref<1x32xf32, #tpu.memory_space<hbm>> -> memref<32xf32, #tpu.memory_space<hbm>>
      tpu.enqueue_dma source(%dma_start3A_793 : memref<32xf32, #tpu.memory_space<hbm>>) target(%dma_start3A_790 : memref<32xf32, #tpu.memory_space<vmem>>) target_semaphore(%arg12 : memref<!tpu.dma_semaphore, #tpu.memory_space<semaphore_mem>>)
      %slice3A_794 = vector.extract_strided_slice %get3A_28 {offsets = [10], sizes = [1], strides = [1]} : vector<16xi32> to vector<1xi32>
      %squeeze3A_795 = vector.extract %slice3A_794[0] : i32 from vector<1xi32>
      %mul3A_796 = arith.constant 32 : i32
      %mul3A_797 = arith.muli %select_n3A_779, %mul3A_796 : i32
      %dma_start3A_798 = tpu.memref_slice %arg11[%select_n3A_763, %mul3A_797] : memref<128x128xf32, #tpu.memory_space<vmem>> -> memref<1x32xf32, #tpu.memory_space<vmem>>
      %dma_start3A_799 = tpu.memref_squeeze %dma_start3A_798 : memref<1x32xf32, #tpu.memory_space<vmem>> -> memref<32xf32, #tpu.memory_space<vmem>>
      %dma_start3A_800 = arith.constant 0 : i32
      %dma_start3A_801 = tpu.memref_slice %arg5[%squeeze3A_795, %dma_start3A_800] : memref<1000000x32xf32, #tpu.memory_space<hbm>> -> memref<1x32xf32, #tpu.memory_space<hbm>>
      %dma_start3A_802 = tpu.memref_squeeze %dma_start3A_801 : memref<1x32xf32, #tpu.memory_space<hbm>> -> memref<32xf32, #tpu.memory_space<hbm>>
      %dma_start3A_803 = tpu.memref_slice %arg11[%select_n3A_763, %mul3A_797] : memref<128x128xf32, #tpu.memory_space<vmem>> -> memref<1x32xf32, #tpu.memory_space<vmem>>
      %dma_start3A_804 = tpu.memref_squeeze %dma_start3A_803 : memref<1x32xf32, #tpu.memory_space<vmem>> -> memref<32xf32, #tpu.memory_space<vmem>>
      %dma_start3A_805 = arith.constant 0 : i32
      %dma_start3A_806 = tpu.memref_slice %arg5[%squeeze3A_795, %dma_start3A_805] : memref<1000000x32xf32, #tpu.memory_space<hbm>> -> memref<1x32xf32, #tpu.memory_space<hbm>>
      %dma_start3A_807 = tpu.memref_squeeze %dma_start3A_806 : memref<1x32xf32, #tpu.memory_space<hbm>> -> memref<32xf32, #tpu.memory_space<hbm>>
      tpu.enqueue_dma source(%dma_start3A_807 : memref<32xf32, #tpu.memory_space<hbm>>) target(%dma_start3A_804 : memref<32xf32, #tpu.memory_space<vmem>>) target_semaphore(%arg13 : memref<!tpu.dma_semaphore, #tpu.memory_space<semaphore_mem>>)
      %mul3A_808 = arith.constant 16 : i32
      %mul3A_809 = arith.muli %scan3A_18, %mul3A_808 : i32
      %add3A_810 = arith.constant 11 : i32
      %add3A_811 = arith.addi %mul3A_809, %add3A_810 : i32
      %jit3A_812 = arith.constant 4 : i32
      %div3A_813 = arith.divsi %add3A_811, %jit3A_812 : i32
      %sign3A_814 = arith.constant 0 : i32
      %sign3A_815 = arith.cmpi sgt, %add3A_811, %sign3A_814 : i32
      %sign3A_816 = arith.extui %sign3A_815 : i1 to i32
      %sign3A_817 = arith.constant 0 : i32
      %sign3A_818 = arith.cmpi slt, %add3A_811, %sign3A_817 : i32
      %sign3A_819 = arith.extui %sign3A_818 : i1 to i32
      %sign3A_820 = arith.subi %sign3A_816, %sign3A_819 : i32
      %sign3A_821 = arith.constant 0 : i32
      %sign3A_822 = arith.cmpi sgt, %jit3A_812, %sign3A_821 : i32
      %sign3A_823 = arith.extui %sign3A_822 : i1 to i32
      %sign3A_824 = arith.constant 0 : i32
      %sign3A_825 = arith.cmpi slt, %jit3A_812, %sign3A_824 : i32
      %sign3A_826 = arith.extui %sign3A_825 : i1 to i32
      %sign3A_827 = arith.subi %sign3A_823, %sign3A_826 : i32
      %ne3A_828 = arith.cmpi ne, %sign3A_820, %sign3A_827 : i32
      %rem3A_829 = arith.remsi %add3A_811, %jit3A_812 : i32
      %ne3A_830 = arith.constant 0 : i32
      %ne3A_831 = arith.cmpi ne, %rem3A_829, %ne3A_830 : i32
      %and3A_832 = arith.andi %ne3A_828, %ne3A_831 : i1
      %sub3A_833 = arith.constant 1 : i32
      %sub3A_834 = arith.subi %div3A_813, %sub3A_833 : i32
      %select_n3A_835 = arith.select %and3A_832, %sub3A_834, %div3A_813 : i32
      %jit3A_836 = arith.constant 4 : i32
      %eq3A_837 = arith.constant 0 : i32
      %eq3A_838 = arith.cmpi eq, %jit3A_836, %eq3A_837 : i32
      %jit3A_839 = arith.constant 1 : i32
      %select_n3A_840 = arith.select %eq3A_838, %jit3A_839, %jit3A_836 : i32
      %rem3A_841 = arith.remsi %add3A_811, %select_n3A_840 : i32
      %ne3A_842 = arith.constant 0 : i32
      %ne3A_843 = arith.cmpi ne, %rem3A_841, %ne3A_842 : i32
      %lt3A_844 = arith.constant 0 : i32
      %lt3A_845 = arith.cmpi slt, %rem3A_841, %lt3A_844 : i32
      %lt3A_846 = arith.constant 0 : i32
      %lt3A_847 = arith.cmpi slt, %select_n3A_840, %lt3A_846 : i32
      %ne3A_848 = arith.xori %lt3A_845, %lt3A_847 : i1
      %and3A_849 = arith.andi %ne3A_848, %ne3A_843 : i1
      %add3A_850 = arith.addi %rem3A_841, %select_n3A_840 : i32
      %select_n3A_851 = arith.select %and3A_849, %add3A_850, %rem3A_841 : i32
      %slice3A_852 = vector.extract_strided_slice %get3A_23 {offsets = [11], sizes = [1], strides = [1]} : vector<16xi32> to vector<1xi32>
      %squeeze3A_853 = vector.extract %slice3A_852[0] : i32 from vector<1xi32>
      %mul3A_854 = arith.constant 32 : i32
      %mul3A_855 = arith.muli %select_n3A_851, %mul3A_854 : i32
      %dma_start3A_856 = tpu.memref_slice %arg10[%select_n3A_835, %mul3A_855] : memref<128x128xf32, #tpu.memory_space<vmem>> -> memref<1x32xf32, #tpu.memory_space<vmem>>
      %dma_start3A_857 = tpu.memref_squeeze %dma_start3A_856 : memref<1x32xf32, #tpu.memory_space<vmem>> -> memref<32xf32, #tpu.memory_space<vmem>>
      %dma_start3A_858 = arith.constant 0 : i32
      %dma_start3A_859 = tpu.memref_slice %arg4[%squeeze3A_853, %dma_start3A_858] : memref<1000000x32xf32, #tpu.memory_space<hbm>> -> memref<1x32xf32, #tpu.memory_space<hbm>>
      %dma_start3A_860 = tpu.memref_squeeze %dma_start3A_859 : memref<1x32xf32, #tpu.memory_space<hbm>> -> memref<32xf32, #tpu.memory_space<hbm>>
      %dma_start3A_861 = tpu.memref_slice %arg10[%select_n3A_835, %mul3A_855] : memref<128x128xf32, #tpu.memory_space<vmem>> -> memref<1x32xf32, #tpu.memory_space<vmem>>
      %dma_start3A_862 = tpu.memref_squeeze %dma_start3A_861 : memref<1x32xf32, #tpu.memory_space<vmem>> -> memref<32xf32, #tpu.memory_space<vmem>>
      %dma_start3A_863 = arith.constant 0 : i32
      %dma_start3A_864 = tpu.memref_slice %arg4[%squeeze3A_853, %dma_start3A_863] : memref<1000000x32xf32, #tpu.memory_space<hbm>> -> memref<1x32xf32, #tpu.memory_space<hbm>>
      %dma_start3A_865 = tpu.memref_squeeze %dma_start3A_864 : memref<1x32xf32, #tpu.memory_space<hbm>> -> memref<32xf32, #tpu.memory_space<hbm>>
      tpu.enqueue_dma source(%dma_start3A_865 : memref<32xf32, #tpu.memory_space<hbm>>) target(%dma_start3A_862 : memref<32xf32, #tpu.memory_space<vmem>>) target_semaphore(%arg12 : memref<!tpu.dma_semaphore, #tpu.memory_space<semaphore_mem>>)
      %slice3A_866 = vector.extract_strided_slice %get3A_28 {offsets = [11], sizes = [1], strides = [1]} : vector<16xi32> to vector<1xi32>
      %squeeze3A_867 = vector.extract %slice3A_866[0] : i32 from vector<1xi32>
      %mul3A_868 = arith.constant 32 : i32
      %mul3A_869 = arith.muli %select_n3A_851, %mul3A_868 : i32
      %dma_start3A_870 = tpu.memref_slice %arg11[%select_n3A_835, %mul3A_869] : memref<128x128xf32, #tpu.memory_space<vmem>> -> memref<1x32xf32, #tpu.memory_space<vmem>>
      %dma_start3A_871 = tpu.memref_squeeze %dma_start3A_870 : memref<1x32xf32, #tpu.memory_space<vmem>> -> memref<32xf32, #tpu.memory_space<vmem>>
      %dma_start3A_872 = arith.constant 0 : i32
      %dma_start3A_873 = tpu.memref_slice %arg5[%squeeze3A_867, %dma_start3A_872] : memref<1000000x32xf32, #tpu.memory_space<hbm>> -> memref<1x32xf32, #tpu.memory_space<hbm>>
      %dma_start3A_874 = tpu.memref_squeeze %dma_start3A_873 : memref<1x32xf32, #tpu.memory_space<hbm>> -> memref<32xf32, #tpu.memory_space<hbm>>
      %dma_start3A_875 = tpu.memref_slice %arg11[%select_n3A_835, %mul3A_869] : memref<128x128xf32, #tpu.memory_space<vmem>> -> memref<1x32xf32, #tpu.memory_space<vmem>>
      %dma_start3A_876 = tpu.memref_squeeze %dma_start3A_875 : memref<1x32xf32, #tpu.memory_space<vmem>> -> memref<32xf32, #tpu.memory_space<vmem>>
      %dma_start3A_877 = arith.constant 0 : i32
      %dma_start3A_878 = tpu.memref_slice %arg5[%squeeze3A_867, %dma_start3A_877] : memref<1000000x32xf32, #tpu.memory_space<hbm>> -> memref<1x32xf32, #tpu.memory_space<hbm>>
      %dma_start3A_879 = tpu.memref_squeeze %dma_start3A_878 : memref<1x32xf32, #tpu.memory_space<hbm>> -> memref<32xf32, #tpu.memory_space<hbm>>
      tpu.enqueue_dma source(%dma_start3A_879 : memref<32xf32, #tpu.memory_space<hbm>>) target(%dma_start3A_876 : memref<32xf32, #tpu.memory_space<vmem>>) target_semaphore(%arg13 : memref<!tpu.dma_semaphore, #tpu.memory_space<semaphore_mem>>)
      %mul3A_880 = arith.constant 16 : i32
      %mul3A_881 = arith.muli %scan3A_18, %mul3A_880 : i32
      %add3A_882 = arith.constant 12 : i32
      %add3A_883 = arith.addi %mul3A_881, %add3A_882 : i32
      %jit3A_884 = arith.constant 4 : i32
      %div3A_885 = arith.divsi %add3A_883, %jit3A_884 : i32
      %sign3A_886 = arith.constant 0 : i32
      %sign3A_887 = arith.cmpi sgt, %add3A_883, %sign3A_886 : i32
      %sign3A_888 = arith.extui %sign3A_887 : i1 to i32
      %sign3A_889 = arith.constant 0 : i32
      %sign3A_890 = arith.cmpi slt, %add3A_883, %sign3A_889 : i32
      %sign3A_891 = arith.extui %sign3A_890 : i1 to i32
      %sign3A_892 = arith.subi %sign3A_888, %sign3A_891 : i32
      %sign3A_893 = arith.constant 0 : i32
      %sign3A_894 = arith.cmpi sgt, %jit3A_884, %sign3A_893 : i32
      %sign3A_895 = arith.extui %sign3A_894 : i1 to i32
      %sign3A_896 = arith.constant 0 : i32
      %sign3A_897 = arith.cmpi slt, %jit3A_884, %sign3A_896 : i32
      %sign3A_898 = arith.extui %sign3A_897 : i1 to i32
      %sign3A_899 = arith.subi %sign3A_895, %sign3A_898 : i32
      %ne3A_900 = arith.cmpi ne, %sign3A_892, %sign3A_899 : i32
      %rem3A_901 = arith.remsi %add3A_883, %jit3A_884 : i32
      %ne3A_902 = arith.constant 0 : i32
      %ne3A_903 = arith.cmpi ne, %rem3A_901, %ne3A_902 : i32
      %and3A_904 = arith.andi %ne3A_900, %ne3A_903 : i1
      %sub3A_905 = arith.constant 1 : i32
      %sub3A_906 = arith.subi %div3A_885, %sub3A_905 : i32
      %select_n3A_907 = arith.select %and3A_904, %sub3A_906, %div3A_885 : i32
      %jit3A_908 = arith.constant 4 : i32
      %eq3A_909 = arith.constant 0 : i32
      %eq3A_910 = arith.cmpi eq, %jit3A_908, %eq3A_909 : i32
      %jit3A_911 = arith.constant 1 : i32
      %select_n3A_912 = arith.select %eq3A_910, %jit3A_911, %jit3A_908 : i32
      %rem3A_913 = arith.remsi %add3A_883, %select_n3A_912 : i32
      %ne3A_914 = arith.constant 0 : i32
      %ne3A_915 = arith.cmpi ne, %rem3A_913, %ne3A_914 : i32
      %lt3A_916 = arith.constant 0 : i32
      %lt3A_917 = arith.cmpi slt, %rem3A_913, %lt3A_916 : i32
      %lt3A_918 = arith.constant 0 : i32
      %lt3A_919 = arith.cmpi slt, %select_n3A_912, %lt3A_918 : i32
      %ne3A_920 = arith.xori %lt3A_917, %lt3A_919 : i1
      %and3A_921 = arith.andi %ne3A_920, %ne3A_915 : i1
      %add3A_922 = arith.addi %rem3A_913, %select_n3A_912 : i32
      %select_n3A_923 = arith.select %and3A_921, %add3A_922, %rem3A_913 : i32
      %slice3A_924 = vector.extract_strided_slice %get3A_23 {offsets = [12], sizes = [1], strides = [1]} : vector<16xi32> to vector<1xi32>
      %squeeze3A_925 = vector.extract %slice3A_924[0] : i32 from vector<1xi32>
      %mul3A_926 = arith.constant 32 : i32
      %mul3A_927 = arith.muli %select_n3A_923, %mul3A_926 : i32
      %dma_start3A_928 = tpu.memref_slice %arg10[%select_n3A_907, %mul3A_927] : memref<128x128xf32, #tpu.memory_space<vmem>> -> memref<1x32xf32, #tpu.memory_space<vmem>>
      %dma_start3A_929 = tpu.memref_squeeze %dma_start3A_928 : memref<1x32xf32, #tpu.memory_space<vmem>> -> memref<32xf32, #tpu.memory_space<vmem>>
      %dma_start3A_930 = arith.constant 0 : i32
      %dma_start3A_931 = tpu.memref_slice %arg4[%squeeze3A_925, %dma_start3A_930] : memref<1000000x32xf32, #tpu.memory_space<hbm>> -> memref<1x32xf32, #tpu.memory_space<hbm>>
      %dma_start3A_932 = tpu.memref_squeeze %dma_start3A_931 : memref<1x32xf32, #tpu.memory_space<hbm>> -> memref<32xf32, #tpu.memory_space<hbm>>
      %dma_start3A_933 = tpu.memref_slice %arg10[%select_n3A_907, %mul3A_927] : memref<128x128xf32, #tpu.memory_space<vmem>> -> memref<1x32xf32, #tpu.memory_space<vmem>>
      %dma_start3A_934 = tpu.memref_squeeze %dma_start3A_933 : memref<1x32xf32, #tpu.memory_space<vmem>> -> memref<32xf32, #tpu.memory_space<vmem>>
      %dma_start3A_935 = arith.constant 0 : i32
      %dma_start3A_936 = tpu.memref_slice %arg4[%squeeze3A_925, %dma_start3A_935] : memref<1000000x32xf32, #tpu.memory_space<hbm>> -> memref<1x32xf32, #tpu.memory_space<hbm>>
      %dma_start3A_937 = tpu.memref_squeeze %dma_start3A_936 : memref<1x32xf32, #tpu.memory_space<hbm>> -> memref<32xf32, #tpu.memory_space<hbm>>
      tpu.enqueue_dma source(%dma_start3A_937 : memref<32xf32, #tpu.memory_space<hbm>>) target(%dma_start3A_934 : memref<32xf32, #tpu.memory_space<vmem>>) target_semaphore(%arg12 : memref<!tpu.dma_semaphore, #tpu.memory_space<semaphore_mem>>)
      %slice3A_938 = vector.extract_strided_slice %get3A_28 {offsets = [12], sizes = [1], strides = [1]} : vector<16xi32> to vector<1xi32>
      %squeeze3A_939 = vector.extract %slice3A_938[0] : i32 from vector<1xi32>
      %mul3A_940 = arith.constant 32 : i32
      %mul3A_941 = arith.muli %select_n3A_923, %mul3A_940 : i32
      %dma_start3A_942 = tpu.memref_slice %arg11[%select_n3A_907, %mul3A_941] : memref<128x128xf32, #tpu.memory_space<vmem>> -> memref<1x32xf32, #tpu.memory_space<vmem>>
      %dma_start3A_943 = tpu.memref_squeeze %dma_start3A_942 : memref<1x32xf32, #tpu.memory_space<vmem>> -> memref<32xf32, #tpu.memory_space<vmem>>
      %dma_start3A_944 = arith.constant 0 : i32
      %dma_start3A_945 = tpu.memref_slice %arg5[%squeeze3A_939, %dma_start3A_944] : memref<1000000x32xf32, #tpu.memory_space<hbm>> -> memref<1x32xf32, #tpu.memory_space<hbm>>
      %dma_start3A_946 = tpu.memref_squeeze %dma_start3A_945 : memref<1x32xf32, #tpu.memory_space<hbm>> -> memref<32xf32, #tpu.memory_space<hbm>>
      %dma_start3A_947 = tpu.memref_slice %arg11[%select_n3A_907, %mul3A_941] : memref<128x128xf32, #tpu.memory_space<vmem>> -> memref<1x32xf32, #tpu.memory_space<vmem>>
      %dma_start3A_948 = tpu.memref_squeeze %dma_start3A_947 : memref<1x32xf32, #tpu.memory_space<vmem>> -> memref<32xf32, #tpu.memory_space<vmem>>
      %dma_start3A_949 = arith.constant 0 : i32
      %dma_start3A_950 = tpu.memref_slice %arg5[%squeeze3A_939, %dma_start3A_949] : memref<1000000x32xf32, #tpu.memory_space<hbm>> -> memref<1x32xf32, #tpu.memory_space<hbm>>
      %dma_start3A_951 = tpu.memref_squeeze %dma_start3A_950 : memref<1x32xf32, #tpu.memory_space<hbm>> -> memref<32xf32, #tpu.memory_space<hbm>>
      tpu.enqueue_dma source(%dma_start3A_951 : memref<32xf32, #tpu.memory_space<hbm>>) target(%dma_start3A_948 : memref<32xf32, #tpu.memory_space<vmem>>) target_semaphore(%arg13 : memref<!tpu.dma_semaphore, #tpu.memory_space<semaphore_mem>>)
      %mul3A_952 = arith.constant 16 : i32
      %mul3A_953 = arith.muli %scan3A_18, %mul3A_952 : i32
      %add3A_954 = arith.constant 13 : i32
      %add3A_955 = arith.addi %mul3A_953, %add3A_954 : i32
      %jit3A_956 = arith.constant 4 : i32
      %div3A_957 = arith.divsi %add3A_955, %jit3A_956 : i32
      %sign3A_958 = arith.constant 0 : i32
      %sign3A_959 = arith.cmpi sgt, %add3A_955, %sign3A_958 : i32
      %sign3A_960 = arith.extui %sign3A_959 : i1 to i32
      %sign3A_961 = arith.constant 0 : i32
      %sign3A_962 = arith.cmpi slt, %add3A_955, %sign3A_961 : i32
      %sign3A_963 = arith.extui %sign3A_962 : i1 to i32
      %sign3A_964 = arith.subi %sign3A_960, %sign3A_963 : i32
      %sign3A_965 = arith.constant 0 : i32
      %sign3A_966 = arith.cmpi sgt, %jit3A_956, %sign3A_965 : i32
      %sign3A_967 = arith.extui %sign3A_966 : i1 to i32
      %sign3A_968 = arith.constant 0 : i32
      %sign3A_969 = arith.cmpi slt, %jit3A_956, %sign3A_968 : i32
      %sign3A_970 = arith.extui %sign3A_969 : i1 to i32
      %sign3A_971 = arith.subi %sign3A_967, %sign3A_970 : i32
      %ne3A_972 = arith.cmpi ne, %sign3A_964, %sign3A_971 : i32
      %rem3A_973 = arith.remsi %add3A_955, %jit3A_956 : i32
      %ne3A_974 = arith.constant 0 : i32
      %ne3A_975 = arith.cmpi ne, %rem3A_973, %ne3A_974 : i32
      %and3A_976 = arith.andi %ne3A_972, %ne3A_975 : i1
      %sub3A_977 = arith.constant 1 : i32
      %sub3A_978 = arith.subi %div3A_957, %sub3A_977 : i32
      %select_n3A_979 = arith.select %and3A_976, %sub3A_978, %div3A_957 : i32
      %jit3A_980 = arith.constant 4 : i32
      %eq3A_981 = arith.constant 0 : i32
      %eq3A_982 = arith.cmpi eq, %jit3A_980, %eq3A_981 : i32
      %jit3A_983 = arith.constant 1 : i32
      %select_n3A_984 = arith.select %eq3A_982, %jit3A_983, %jit3A_980 : i32
      %rem3A_985 = arith.remsi %add3A_955, %select_n3A_984 : i32
      %ne3A_986 = arith.constant 0 : i32
      %ne3A_987 = arith.cmpi ne, %rem3A_985, %ne3A_986 : i32
      %lt3A_988 = arith.constant 0 : i32
      %lt3A_989 = arith.cmpi slt, %rem3A_985, %lt3A_988 : i32
      %lt3A_990 = arith.constant 0 : i32
      %lt3A_991 = arith.cmpi slt, %select_n3A_984, %lt3A_990 : i32
      %ne3A_992 = arith.xori %lt3A_989, %lt3A_991 : i1
      %and3A_993 = arith.andi %ne3A_992, %ne3A_987 : i1
      %add3A_994 = arith.addi %rem3A_985, %select_n3A_984 : i32
      %select_n3A_995 = arith.select %and3A_993, %add3A_994, %rem3A_985 : i32
      %slice3A_996 = vector.extract_strided_slice %get3A_23 {offsets = [13], sizes = [1], strides = [1]} : vector<16xi32> to vector<1xi32>
      %squeeze3A_997 = vector.extract %slice3A_996[0] : i32 from vector<1xi32>
      %mul3A_998 = arith.constant 32 : i32
      %mul3A_999 = arith.muli %select_n3A_995, %mul3A_998 : i32
      %dma_start3A_1000 = tpu.memref_slice %arg10[%select_n3A_979, %mul3A_999] : memref<128x128xf32, #tpu.memory_space<vmem>> -> memref<1x32xf32, #tpu.memory_space<vmem>>
      %dma_start3A_1001 = tpu.memref_squeeze %dma_start3A_1000 : memref<1x32xf32, #tpu.memory_space<vmem>> -> memref<32xf32, #tpu.memory_space<vmem>>
      %dma_start3A_1002 = arith.constant 0 : i32
      %dma_start3A_1003 = tpu.memref_slice %arg4[%squeeze3A_997, %dma_start3A_1002] : memref<1000000x32xf32, #tpu.memory_space<hbm>> -> memref<1x32xf32, #tpu.memory_space<hbm>>
      %dma_start3A_1004 = tpu.memref_squeeze %dma_start3A_1003 : memref<1x32xf32, #tpu.memory_space<hbm>> -> memref<32xf32, #tpu.memory_space<hbm>>
      %dma_start3A_1005 = tpu.memref_slice %arg10[%select_n3A_979, %mul3A_999] : memref<128x128xf32, #tpu.memory_space<vmem>> -> memref<1x32xf32, #tpu.memory_space<vmem>>
      %dma_start3A_1006 = tpu.memref_squeeze %dma_start3A_1005 : memref<1x32xf32, #tpu.memory_space<vmem>> -> memref<32xf32, #tpu.memory_space<vmem>>
      %dma_start3A_1007 = arith.constant 0 : i32
      %dma_start3A_1008 = tpu.memref_slice %arg4[%squeeze3A_997, %dma_start3A_1007] : memref<1000000x32xf32, #tpu.memory_space<hbm>> -> memref<1x32xf32, #tpu.memory_space<hbm>>
      %dma_start3A_1009 = tpu.memref_squeeze %dma_start3A_1008 : memref<1x32xf32, #tpu.memory_space<hbm>> -> memref<32xf32, #tpu.memory_space<hbm>>
      tpu.enqueue_dma source(%dma_start3A_1009 : memref<32xf32, #tpu.memory_space<hbm>>) target(%dma_start3A_1006 : memref<32xf32, #tpu.memory_space<vmem>>) target_semaphore(%arg12 : memref<!tpu.dma_semaphore, #tpu.memory_space<semaphore_mem>>)
      %slice3A_1010 = vector.extract_strided_slice %get3A_28 {offsets = [13], sizes = [1], strides = [1]} : vector<16xi32> to vector<1xi32>
      %squeeze3A_1011 = vector.extract %slice3A_1010[0] : i32 from vector<1xi32>
      %mul3A_1012 = arith.constant 32 : i32
      %mul3A_1013 = arith.muli %select_n3A_995, %mul3A_1012 : i32
      %dma_start3A_1014 = tpu.memref_slice %arg11[%select_n3A_979, %mul3A_1013] : memref<128x128xf32, #tpu.memory_space<vmem>> -> memref<1x32xf32, #tpu.memory_space<vmem>>
      %dma_start3A_1015 = tpu.memref_squeeze %dma_start3A_1014 : memref<1x32xf32, #tpu.memory_space<vmem>> -> memref<32xf32, #tpu.memory_space<vmem>>
      %dma_start3A_1016 = arith.constant 0 : i32
      %dma_start3A_1017 = tpu.memref_slice %arg5[%squeeze3A_1011, %dma_start3A_1016] : memref<1000000x32xf32, #tpu.memory_space<hbm>> -> memref<1x32xf32, #tpu.memory_space<hbm>>
      %dma_start3A_1018 = tpu.memref_squeeze %dma_start3A_1017 : memref<1x32xf32, #tpu.memory_space<hbm>> -> memref<32xf32, #tpu.memory_space<hbm>>
      %dma_start3A_1019 = tpu.memref_slice %arg11[%select_n3A_979, %mul3A_1013] : memref<128x128xf32, #tpu.memory_space<vmem>> -> memref<1x32xf32, #tpu.memory_space<vmem>>
      %dma_start3A_1020 = tpu.memref_squeeze %dma_start3A_1019 : memref<1x32xf32, #tpu.memory_space<vmem>> -> memref<32xf32, #tpu.memory_space<vmem>>
      %dma_start3A_1021 = arith.constant 0 : i32
      %dma_start3A_1022 = tpu.memref_slice %arg5[%squeeze3A_1011, %dma_start3A_1021] : memref<1000000x32xf32, #tpu.memory_space<hbm>> -> memref<1x32xf32, #tpu.memory_space<hbm>>
      %dma_start3A_1023 = tpu.memref_squeeze %dma_start3A_1022 : memref<1x32xf32, #tpu.memory_space<hbm>> -> memref<32xf32, #tpu.memory_space<hbm>>
      tpu.enqueue_dma source(%dma_start3A_1023 : memref<32xf32, #tpu.memory_space<hbm>>) target(%dma_start3A_1020 : memref<32xf32, #tpu.memory_space<vmem>>) target_semaphore(%arg13 : memref<!tpu.dma_semaphore, #tpu.memory_space<semaphore_mem>>)
      %mul3A_1024 = arith.constant 16 : i32
      %mul3A_1025 = arith.muli %scan3A_18, %mul3A_1024 : i32
      %add3A_1026 = arith.constant 14 : i32
      %add3A_1027 = arith.addi %mul3A_1025, %add3A_1026 : i32
      %jit3A_1028 = arith.constant 4 : i32
      %div3A_1029 = arith.divsi %add3A_1027, %jit3A_1028 : i32
      %sign3A_1030 = arith.constant 0 : i32
      %sign3A_1031 = arith.cmpi sgt, %add3A_1027, %sign3A_1030 : i32
      %sign3A_1032 = arith.extui %sign3A_1031 : i1 to i32
      %sign3A_1033 = arith.constant 0 : i32
      %sign3A_1034 = arith.cmpi slt, %add3A_1027, %sign3A_1033 : i32
      %sign3A_1035 = arith.extui %sign3A_1034 : i1 to i32
      %sign3A_1036 = arith.subi %sign3A_1032, %sign3A_1035 : i32
      %sign3A_1037 = arith.constant 0 : i32
      %sign3A_1038 = arith.cmpi sgt, %jit3A_1028, %sign3A_1037 : i32
      %sign3A_1039 = arith.extui %sign3A_1038 : i1 to i32
      %sign3A_1040 = arith.constant 0 : i32
      %sign3A_1041 = arith.cmpi slt, %jit3A_1028, %sign3A_1040 : i32
      %sign3A_1042 = arith.extui %sign3A_1041 : i1 to i32
      %sign3A_1043 = arith.subi %sign3A_1039, %sign3A_1042 : i32
      %ne3A_1044 = arith.cmpi ne, %sign3A_1036, %sign3A_1043 : i32
      %rem3A_1045 = arith.remsi %add3A_1027, %jit3A_1028 : i32
      %ne3A_1046 = arith.constant 0 : i32
      %ne3A_1047 = arith.cmpi ne, %rem3A_1045, %ne3A_1046 : i32
      %and3A_1048 = arith.andi %ne3A_1044, %ne3A_1047 : i1
      %sub3A_1049 = arith.constant 1 : i32
      %sub3A_1050 = arith.subi %div3A_1029, %sub3A_1049 : i32
      %select_n3A_1051 = arith.select %and3A_1048, %sub3A_1050, %div3A_1029 : i32
      %jit3A_1052 = arith.constant 4 : i32
      %eq3A_1053 = arith.constant 0 : i32
      %eq3A_1054 = arith.cmpi eq, %jit3A_1052, %eq3A_1053 : i32
      %jit3A_1055 = arith.constant 1 : i32
      %select_n3A_1056 = arith.select %eq3A_1054, %jit3A_1055, %jit3A_1052 : i32
      %rem3A_1057 = arith.remsi %add3A_1027, %select_n3A_1056 : i32
      %ne3A_1058 = arith.constant 0 : i32
      %ne3A_1059 = arith.cmpi ne, %rem3A_1057, %ne3A_1058 : i32
      %lt3A_1060 = arith.constant 0 : i32
      %lt3A_1061 = arith.cmpi slt, %rem3A_1057, %lt3A_1060 : i32
      %lt3A_1062 = arith.constant 0 : i32
      %lt3A_1063 = arith.cmpi slt, %select_n3A_1056, %lt3A_1062 : i32
      %ne3A_1064 = arith.xori %lt3A_1061, %lt3A_1063 : i1
      %and3A_1065 = arith.andi %ne3A_1064, %ne3A_1059 : i1
      %add3A_1066 = arith.addi %rem3A_1057, %select_n3A_1056 : i32
      %select_n3A_1067 = arith.select %and3A_1065, %add3A_1066, %rem3A_1057 : i32
      %slice3A_1068 = vector.extract_strided_slice %get3A_23 {offsets = [14], sizes = [1], strides = [1]} : vector<16xi32> to vector<1xi32>
      %squeeze3A_1069 = vector.extract %slice3A_1068[0] : i32 from vector<1xi32>
      %mul3A_1070 = arith.constant 32 : i32
      %mul3A_1071 = arith.muli %select_n3A_1067, %mul3A_1070 : i32
      %dma_start3A_1072 = tpu.memref_slice %arg10[%select_n3A_1051, %mul3A_1071] : memref<128x128xf32, #tpu.memory_space<vmem>> -> memref<1x32xf32, #tpu.memory_space<vmem>>
      %dma_start3A_1073 = tpu.memref_squeeze %dma_start3A_1072 : memref<1x32xf32, #tpu.memory_space<vmem>> -> memref<32xf32, #tpu.memory_space<vmem>>
      %dma_start3A_1074 = arith.constant 0 : i32
      %dma_start3A_1075 = tpu.memref_slice %arg4[%squeeze3A_1069, %dma_start3A_1074] : memref<1000000x32xf32, #tpu.memory_space<hbm>> -> memref<1x32xf32, #tpu.memory_space<hbm>>
      %dma_start3A_1076 = tpu.memref_squeeze %dma_start3A_1075 : memref<1x32xf32, #tpu.memory_space<hbm>> -> memref<32xf32, #tpu.memory_space<hbm>>
      %dma_start3A_1077 = tpu.memref_slice %arg10[%select_n3A_1051, %mul3A_1071] : memref<128x128xf32, #tpu.memory_space<vmem>> -> memref<1x32xf32, #tpu.memory_space<vmem>>
      %dma_start3A_1078 = tpu.memref_squeeze %dma_start3A_1077 : memref<1x32xf32, #tpu.memory_space<vmem>> -> memref<32xf32, #tpu.memory_space<vmem>>
      %dma_start3A_1079 = arith.constant 0 : i32
      %dma_start3A_1080 = tpu.memref_slice %arg4[%squeeze3A_1069, %dma_start3A_1079] : memref<1000000x32xf32, #tpu.memory_space<hbm>> -> memref<1x32xf32, #tpu.memory_space<hbm>>
      %dma_start3A_1081 = tpu.memref_squeeze %dma_start3A_1080 : memref<1x32xf32, #tpu.memory_space<hbm>> -> memref<32xf32, #tpu.memory_space<hbm>>
      tpu.enqueue_dma source(%dma_start3A_1081 : memref<32xf32, #tpu.memory_space<hbm>>) target(%dma_start3A_1078 : memref<32xf32, #tpu.memory_space<vmem>>) target_semaphore(%arg12 : memref<!tpu.dma_semaphore, #tpu.memory_space<semaphore_mem>>)
      %slice3A_1082 = vector.extract_strided_slice %get3A_28 {offsets = [14], sizes = [1], strides = [1]} : vector<16xi32> to vector<1xi32>
      %squeeze3A_1083 = vector.extract %slice3A_1082[0] : i32 from vector<1xi32>
      %mul3A_1084 = arith.constant 32 : i32
      %mul3A_1085 = arith.muli %select_n3A_1067, %mul3A_1084 : i32
      %dma_start3A_1086 = tpu.memref_slice %arg11[%select_n3A_1051, %mul3A_1085] : memref<128x128xf32, #tpu.memory_space<vmem>> -> memref<1x32xf32, #tpu.memory_space<vmem>>
      %dma_start3A_1087 = tpu.memref_squeeze %dma_start3A_1086 : memref<1x32xf32, #tpu.memory_space<vmem>> -> memref<32xf32, #tpu.memory_space<vmem>>
      %dma_start3A_1088 = arith.constant 0 : i32
      %dma_start3A_1089 = tpu.memref_slice %arg5[%squeeze3A_1083, %dma_start3A_1088] : memref<1000000x32xf32, #tpu.memory_space<hbm>> -> memref<1x32xf32, #tpu.memory_space<hbm>>
      %dma_start3A_1090 = tpu.memref_squeeze %dma_start3A_1089 : memref<1x32xf32, #tpu.memory_space<hbm>> -> memref<32xf32, #tpu.memory_space<hbm>>
      %dma_start3A_1091 = tpu.memref_slice %arg11[%select_n3A_1051, %mul3A_1085] : memref<128x128xf32, #tpu.memory_space<vmem>> -> memref<1x32xf32, #tpu.memory_space<vmem>>
      %dma_start3A_1092 = tpu.memref_squeeze %dma_start3A_1091 : memref<1x32xf32, #tpu.memory_space<vmem>> -> memref<32xf32, #tpu.memory_space<vmem>>
      %dma_start3A_1093 = arith.constant 0 : i32
      %dma_start3A_1094 = tpu.memref_slice %arg5[%squeeze3A_1083, %dma_start3A_1093] : memref<1000000x32xf32, #tpu.memory_space<hbm>> -> memref<1x32xf32, #tpu.memory_space<hbm>>
      %dma_start3A_1095 = tpu.memref_squeeze %dma_start3A_1094 : memref<1x32xf32, #tpu.memory_space<hbm>> -> memref<32xf32, #tpu.memory_space<hbm>>
      tpu.enqueue_dma source(%dma_start3A_1095 : memref<32xf32, #tpu.memory_space<hbm>>) target(%dma_start3A_1092 : memref<32xf32, #tpu.memory_space<vmem>>) target_semaphore(%arg13 : memref<!tpu.dma_semaphore, #tpu.memory_space<semaphore_mem>>)
      %mul3A_1096 = arith.constant 16 : i32
      %mul3A_1097 = arith.muli %scan3A_18, %mul3A_1096 : i32
      %add3A_1098 = arith.constant 15 : i32
      %add3A_1099 = arith.addi %mul3A_1097, %add3A_1098 : i32
      %jit3A_1100 = arith.constant 4 : i32
      %div3A_1101 = arith.divsi %add3A_1099, %jit3A_1100 : i32
      %sign3A_1102 = arith.constant 0 : i32
      %sign3A_1103 = arith.cmpi sgt, %add3A_1099, %sign3A_1102 : i32
      %sign3A_1104 = arith.extui %sign3A_1103 : i1 to i32
      %sign3A_1105 = arith.constant 0 : i32
      %sign3A_1106 = arith.cmpi slt, %add3A_1099, %sign3A_1105 : i32
      %sign3A_1107 = arith.extui %sign3A_1106 : i1 to i32
      %sign3A_1108 = arith.subi %sign3A_1104, %sign3A_1107 : i32
      %sign3A_1109 = arith.constant 0 : i32
      %sign3A_1110 = arith.cmpi sgt, %jit3A_1100, %sign3A_1109 : i32
      %sign3A_1111 = arith.extui %sign3A_1110 : i1 to i32
      %sign3A_1112 = arith.constant 0 : i32
      %sign3A_1113 = arith.cmpi slt, %jit3A_1100, %sign3A_1112 : i32
      %sign3A_1114 = arith.extui %sign3A_1113 : i1 to i32
      %sign3A_1115 = arith.subi %sign3A_1111, %sign3A_1114 : i32
      %ne3A_1116 = arith.cmpi ne, %sign3A_1108, %sign3A_1115 : i32
      %rem3A_1117 = arith.remsi %add3A_1099, %jit3A_1100 : i32
      %ne3A_1118 = arith.constant 0 : i32
      %ne3A_1119 = arith.cmpi ne, %rem3A_1117, %ne3A_1118 : i32
      %and3A_1120 = arith.andi %ne3A_1116, %ne3A_1119 : i1
      %sub3A_1121 = arith.constant 1 : i32
      %sub3A_1122 = arith.subi %div3A_1101, %sub3A_1121 : i32
      %select_n3A_1123 = arith.select %and3A_1120, %sub3A_1122, %div3A_1101 : i32
      %jit3A_1124 = arith.constant 4 : i32
      %eq3A_1125 = arith.constant 0 : i32
      %eq3A_1126 = arith.cmpi eq, %jit3A_1124, %eq3A_1125 : i32
      %jit3A_1127 = arith.constant 1 : i32
      %select_n3A_1128 = arith.select %eq3A_1126, %jit3A_1127, %jit3A_1124 : i32
      %rem3A_1129 = arith.remsi %add3A_1099, %select_n3A_1128 : i32
      %ne3A_1130 = arith.constant 0 : i32
      %ne3A_1131 = arith.cmpi ne, %rem3A_1129, %ne3A_1130 : i32
      %lt3A_1132 = arith.constant 0 : i32
      %lt3A_1133 = arith.cmpi slt, %rem3A_1129, %lt3A_1132 : i32
      %lt3A_1134 = arith.constant 0 : i32
      %lt3A_1135 = arith.cmpi slt, %select_n3A_1128, %lt3A_1134 : i32
      %ne3A_1136 = arith.xori %lt3A_1133, %lt3A_1135 : i1
      %and3A_1137 = arith.andi %ne3A_1136, %ne3A_1131 : i1
      %add3A_1138 = arith.addi %rem3A_1129, %select_n3A_1128 : i32
      %select_n3A_1139 = arith.select %and3A_1137, %add3A_1138, %rem3A_1129 : i32
      %slice3A_1140 = vector.extract_strided_slice %get3A_23 {offsets = [15], sizes = [1], strides = [1]} : vector<16xi32> to vector<1xi32>
      %squeeze3A_1141 = vector.extract %slice3A_1140[0] : i32 from vector<1xi32>
      %mul3A_1142 = arith.constant 32 : i32
      %mul3A_1143 = arith.muli %select_n3A_1139, %mul3A_1142 : i32
      %dma_start3A_1144 = tpu.memref_slice %arg10[%select_n3A_1123, %mul3A_1143] : memref<128x128xf32, #tpu.memory_space<vmem>> -> memref<1x32xf32, #tpu.memory_space<vmem>>
      %dma_start3A_1145 = tpu.memref_squeeze %dma_start3A_1144 : memref<1x32xf32, #tpu.memory_space<vmem>> -> memref<32xf32, #tpu.memory_space<vmem>>
      %dma_start3A_1146 = arith.constant 0 : i32
      %dma_start3A_1147 = tpu.memref_slice %arg4[%squeeze3A_1141, %dma_start3A_1146] : memref<1000000x32xf32, #tpu.memory_space<hbm>> -> memref<1x32xf32, #tpu.memory_space<hbm>>
      %dma_start3A_1148 = tpu.memref_squeeze %dma_start3A_1147 : memref<1x32xf32, #tpu.memory_space<hbm>> -> memref<32xf32, #tpu.memory_space<hbm>>
      %dma_start3A_1149 = tpu.memref_slice %arg10[%select_n3A_1123, %mul3A_1143] : memref<128x128xf32, #tpu.memory_space<vmem>> -> memref<1x32xf32, #tpu.memory_space<vmem>>
      %dma_start3A_1150 = tpu.memref_squeeze %dma_start3A_1149 : memref<1x32xf32, #tpu.memory_space<vmem>> -> memref<32xf32, #tpu.memory_space<vmem>>
      %dma_start3A_1151 = arith.constant 0 : i32
      %dma_start3A_1152 = tpu.memref_slice %arg4[%squeeze3A_1141, %dma_start3A_1151] : memref<1000000x32xf32, #tpu.memory_space<hbm>> -> memref<1x32xf32, #tpu.memory_space<hbm>>
      %dma_start3A_1153 = tpu.memref_squeeze %dma_start3A_1152 : memref<1x32xf32, #tpu.memory_space<hbm>> -> memref<32xf32, #tpu.memory_space<hbm>>
      tpu.enqueue_dma source(%dma_start3A_1153 : memref<32xf32, #tpu.memory_space<hbm>>) target(%dma_start3A_1150 : memref<32xf32, #tpu.memory_space<vmem>>) target_semaphore(%arg12 : memref<!tpu.dma_semaphore, #tpu.memory_space<semaphore_mem>>)
      %slice3A_1154 = vector.extract_strided_slice %get3A_28 {offsets = [15], sizes = [1], strides = [1]} : vector<16xi32> to vector<1xi32>
      %squeeze3A_1155 = vector.extract %slice3A_1154[0] : i32 from vector<1xi32>
      %mul3A_1156 = arith.constant 32 : i32
      %mul3A_1157 = arith.muli %select_n3A_1139, %mul3A_1156 : i32
      %dma_start3A_1158 = tpu.memref_slice %arg11[%select_n3A_1123, %mul3A_1157] : memref<128x128xf32, #tpu.memory_space<vmem>> -> memref<1x32xf32, #tpu.memory_space<vmem>>
      %dma_start3A_1159 = tpu.memref_squeeze %dma_start3A_1158 : memref<1x32xf32, #tpu.memory_space<vmem>> -> memref<32xf32, #tpu.memory_space<vmem>>
      %dma_start3A_1160 = arith.constant 0 : i32
      %dma_start3A_1161 = tpu.memref_slice %arg5[%squeeze3A_1155, %dma_start3A_1160] : memref<1000000x32xf32, #tpu.memory_space<hbm>> -> memref<1x32xf32, #tpu.memory_space<hbm>>
      %dma_start3A_1162 = tpu.memref_squeeze %dma_start3A_1161 : memref<1x32xf32, #tpu.memory_space<hbm>> -> memref<32xf32, #tpu.memory_space<hbm>>
      %dma_start3A_1163 = tpu.memref_slice %arg11[%select_n3A_1123, %mul3A_1157] : memref<128x128xf32, #tpu.memory_space<vmem>> -> memref<1x32xf32, #tpu.memory_space<vmem>>
      %dma_start3A_1164 = tpu.memref_squeeze %dma_start3A_1163 : memref<1x32xf32, #tpu.memory_space<vmem>> -> memref<32xf32, #tpu.memory_space<vmem>>
      %dma_start3A_1165 = arith.constant 0 : i32
      %dma_start3A_1166 = tpu.memref_slice %arg5[%squeeze3A_1155, %dma_start3A_1165] : memref<1000000x32xf32, #tpu.memory_space<hbm>> -> memref<1x32xf32, #tpu.memory_space<hbm>>
      %dma_start3A_1167 = tpu.memref_squeeze %dma_start3A_1166 : memref<1x32xf32, #tpu.memory_space<hbm>> -> memref<32xf32, #tpu.memory_space<hbm>>
      tpu.enqueue_dma source(%dma_start3A_1167 : memref<32xf32, #tpu.memory_space<hbm>>) target(%dma_start3A_1164 : memref<32xf32, #tpu.memory_space<vmem>>) target_semaphore(%arg13 : memref<!tpu.dma_semaphore, #tpu.memory_space<semaphore_mem>>)
      %scan3A_1168 = arith.constant 0 : i32
      scf.yield %scan3A_1168 : i32
    }
    %scan3A_6 = arith.constant 32 : i32
    %scan3A_7 = arith.constant 0 : i32
    %scan3A_8 = arith.constant 0 : i32
    %scan3A_9 = arith.constant 32 : i32
    %scan3A_10 = arith.addi %scan3A_8, %scan3A_9 : i32
    %scan3A_11 = arith.constant 1 : i32
    %scan3A_12 = scf.for %scan3A_18 = %scan3A_8 to %scan3A_10 step %scan3A_11 iter_args(%scan3A_19 = %scan3A_7) -> (i32)  : i32 {
      %dma_wait3A = arith.constant 0 : i32
      %dma_wait3A_20 = arith.constant 0 : i32
      %dma_wait3A_21 = arith.constant 0 : i32
      %dma_wait3A_22 = tpu.memref_slice %arg10[%dma_wait3A_20, %dma_wait3A_21] : memref<128x128xf32, #tpu.memory_space<vmem>> -> memref<1x32xf32, #tpu.memory_space<vmem>>
      %dma_wait3A_23 = tpu.memref_squeeze %dma_wait3A_22 : memref<1x32xf32, #tpu.memory_space<vmem>> -> memref<32xf32, #tpu.memory_space<vmem>>
      %dma_wait3A_24 = arith.constant 0 : i32
      %dma_wait3A_25 = tpu.memref_slice %arg4[%dma_wait3A, %dma_wait3A_24] : memref<1000000x32xf32, #tpu.memory_space<hbm>> -> memref<1x32xf32, #tpu.memory_space<hbm>>
      %dma_wait3A_26 = tpu.memref_squeeze %dma_wait3A_25 : memref<1x32xf32, #tpu.memory_space<hbm>> -> memref<32xf32, #tpu.memory_space<hbm>>
      %dma_wait3A_27 = arith.constant 0 : i32
      %dma_wait3A_28 = tpu.memref_slice %arg10[%dma_wait3A_20, %dma_wait3A_27] : memref<128x128xf32, #tpu.memory_space<vmem>> -> memref<1x32xf32, #tpu.memory_space<vmem>>
      %dma_wait3A_29 = tpu.memref_squeeze %dma_wait3A_28 : memref<1x32xf32, #tpu.memory_space<vmem>> -> memref<32xf32, #tpu.memory_space<vmem>>
      %dma_wait3A_30 = arith.constant 0 : i32
      %dma_wait3A_31 = tpu.memref_slice %arg4[%dma_wait3A, %dma_wait3A_30] : memref<1000000x32xf32, #tpu.memory_space<hbm>> -> memref<1x32xf32, #tpu.memory_space<hbm>>
      %dma_wait3A_32 = tpu.memref_squeeze %dma_wait3A_31 : memref<1x32xf32, #tpu.memory_space<hbm>> -> memref<32xf32, #tpu.memory_space<hbm>>
      tpu.wait_dma2 semaphore(%arg12 : memref<!tpu.dma_semaphore, #tpu.memory_space<semaphore_mem>>) src(%dma_wait3A_32 : memref<32xf32, #tpu.memory_space<hbm>>) dst(%dma_wait3A_29 : memref<32xf32, #tpu.memory_space<vmem>>)
      %dma_wait3A_33 = arith.constant 0 : i32
      %dma_wait3A_34 = arith.constant 0 : i32
      %dma_wait3A_35 = arith.constant 0 : i32
      %dma_wait3A_36 = tpu.memref_slice %arg11[%dma_wait3A_34, %dma_wait3A_35] : memref<128x128xf32, #tpu.memory_space<vmem>> -> memref<1x32xf32, #tpu.memory_space<vmem>>
      %dma_wait3A_37 = tpu.memref_squeeze %dma_wait3A_36 : memref<1x32xf32, #tpu.memory_space<vmem>> -> memref<32xf32, #tpu.memory_space<vmem>>
      %dma_wait3A_38 = arith.constant 0 : i32
      %dma_wait3A_39 = tpu.memref_slice %arg5[%dma_wait3A_33, %dma_wait3A_38] : memref<1000000x32xf32, #tpu.memory_space<hbm>> -> memref<1x32xf32, #tpu.memory_space<hbm>>
      %dma_wait3A_40 = tpu.memref_squeeze %dma_wait3A_39 : memref<1x32xf32, #tpu.memory_space<hbm>> -> memref<32xf32, #tpu.memory_space<hbm>>
      %dma_wait3A_41 = arith.constant 0 : i32
      %dma_wait3A_42 = tpu.memref_slice %arg11[%dma_wait3A_34, %dma_wait3A_41] : memref<128x128xf32, #tpu.memory_space<vmem>> -> memref<1x32xf32, #tpu.memory_space<vmem>>
      %dma_wait3A_43 = tpu.memref_squeeze %dma_wait3A_42 : memref<1x32xf32, #tpu.memory_space<vmem>> -> memref<32xf32, #tpu.memory_space<vmem>>
      %dma_wait3A_44 = arith.constant 0 : i32
      %dma_wait3A_45 = tpu.memref_slice %arg5[%dma_wait3A_33, %dma_wait3A_44] : memref<1000000x32xf32, #tpu.memory_space<hbm>> -> memref<1x32xf32, #tpu.memory_space<hbm>>
      %dma_wait3A_46 = tpu.memref_squeeze %dma_wait3A_45 : memref<1x32xf32, #tpu.memory_space<hbm>> -> memref<32xf32, #tpu.memory_space<hbm>>
      tpu.wait_dma2 semaphore(%arg13 : memref<!tpu.dma_semaphore, #tpu.memory_space<semaphore_mem>>) src(%dma_wait3A_46 : memref<32xf32, #tpu.memory_space<hbm>>) dst(%dma_wait3A_43 : memref<32xf32, #tpu.memory_space<vmem>>)
      %dma_wait3A_47 = arith.constant 0 : i32
      %dma_wait3A_48 = arith.constant 0 : i32
      %dma_wait3A_49 = arith.constant 0 : i32
      %dma_wait3A_50 = tpu.memref_slice %arg10[%dma_wait3A_48, %dma_wait3A_49] : memref<128x128xf32, #tpu.memory_space<vmem>> -> memref<1x32xf32, #tpu.memory_space<vmem>>
      %dma_wait3A_51 = tpu.memref_squeeze %dma_wait3A_50 : memref<1x32xf32, #tpu.memory_space<vmem>> -> memref<32xf32, #tpu.memory_space<vmem>>
      %dma_wait3A_52 = arith.constant 0 : i32
      %dma_wait3A_53 = tpu.memref_slice %arg4[%dma_wait3A_47, %dma_wait3A_52] : memref<1000000x32xf32, #tpu.memory_space<hbm>> -> memref<1x32xf32, #tpu.memory_space<hbm>>
      %dma_wait3A_54 = tpu.memref_squeeze %dma_wait3A_53 : memref<1x32xf32, #tpu.memory_space<hbm>> -> memref<32xf32, #tpu.memory_space<hbm>>
      %dma_wait3A_55 = arith.constant 0 : i32
      %dma_wait3A_56 = tpu.memref_slice %arg10[%dma_wait3A_48, %dma_wait3A_55] : memref<128x128xf32, #tpu.memory_space<vmem>> -> memref<1x32xf32, #tpu.memory_space<vmem>>
      %dma_wait3A_57 = tpu.memref_squeeze %dma_wait3A_56 : memref<1x32xf32, #tpu.memory_space<vmem>> -> memref<32xf32, #tpu.memory_space<vmem>>
      %dma_wait3A_58 = arith.constant 0 : i32
      %dma_wait3A_59 = tpu.memref_slice %arg4[%dma_wait3A_47, %dma_wait3A_58] : memref<1000000x32xf32, #tpu.memory_space<hbm>> -> memref<1x32xf32, #tpu.memory_space<hbm>>
      %dma_wait3A_60 = tpu.memref_squeeze %dma_wait3A_59 : memref<1x32xf32, #tpu.memory_space<hbm>> -> memref<32xf32, #tpu.memory_space<hbm>>
      tpu.wait_dma2 semaphore(%arg12 : memref<!tpu.dma_semaphore, #tpu.memory_space<semaphore_mem>>) src(%dma_wait3A_60 : memref<32xf32, #tpu.memory_space<hbm>>) dst(%dma_wait3A_57 : memref<32xf32, #tpu.memory_space<vmem>>)
      %dma_wait3A_61 = arith.constant 0 : i32
      %dma_wait3A_62 = arith.constant 0 : i32
      %dma_wait3A_63 = arith.constant 0 : i32
      %dma_wait3A_64 = tpu.memref_slice %arg11[%dma_wait3A_62, %dma_wait3A_63] : memref<128x128xf32, #tpu.memory_space<vmem>> -> memref<1x32xf32, #tpu.memory_space<vmem>>
      %dma_wait3A_65 = tpu.memref_squeeze %dma_wait3A_64 : memref<1x32xf32, #tpu.memory_space<vmem>> -> memref<32xf32, #tpu.memory_space<vmem>>
      %dma_wait3A_66 = arith.constant 0 : i32
      %dma_wait3A_67 = tpu.memref_slice %arg5[%dma_wait3A_61, %dma_wait3A_66] : memref<1000000x32xf32, #tpu.memory_space<hbm>> -> memref<1x32xf32, #tpu.memory_space<hbm>>
      %dma_wait3A_68 = tpu.memref_squeeze %dma_wait3A_67 : memref<1x32xf32, #tpu.memory_space<hbm>> -> memref<32xf32, #tpu.memory_space<hbm>>
      %dma_wait3A_69 = arith.constant 0 : i32
      %dma_wait3A_70 = tpu.memref_slice %arg11[%dma_wait3A_62, %dma_wait3A_69] : memref<128x128xf32, #tpu.memory_space<vmem>> -> memref<1x32xf32, #tpu.memory_space<vmem>>
      %dma_wait3A_71 = tpu.memref_squeeze %dma_wait3A_70 : memref<1x32xf32, #tpu.memory_space<vmem>> -> memref<32xf32, #tpu.memory_space<vmem>>
      %dma_wait3A_72 = arith.constant 0 : i32
      %dma_wait3A_73 = tpu.memref_slice %arg5[%dma_wait3A_61, %dma_wait3A_72] : memref<1000000x32xf32, #tpu.memory_space<hbm>> -> memref<1x32xf32, #tpu.memory_space<hbm>>
      %dma_wait3A_74 = tpu.memref_squeeze %dma_wait3A_73 : memref<1x32xf32, #tpu.memory_space<hbm>> -> memref<32xf32, #tpu.memory_space<hbm>>
      tpu.wait_dma2 semaphore(%arg13 : memref<!tpu.dma_semaphore, #tpu.memory_space<semaphore_mem>>) src(%dma_wait3A_74 : memref<32xf32, #tpu.memory_space<hbm>>) dst(%dma_wait3A_71 : memref<32xf32, #tpu.memory_space<vmem>>)
      %dma_wait3A_75 = arith.constant 0 : i32
      %dma_wait3A_76 = arith.constant 0 : i32
      %dma_wait3A_77 = arith.constant 0 : i32
      %dma_wait3A_78 = tpu.memref_slice %arg10[%dma_wait3A_76, %dma_wait3A_77] : memref<128x128xf32, #tpu.memory_space<vmem>> -> memref<1x32xf32, #tpu.memory_space<vmem>>
      %dma_wait3A_79 = tpu.memref_squeeze %dma_wait3A_78 : memref<1x32xf32, #tpu.memory_space<vmem>> -> memref<32xf32, #tpu.memory_space<vmem>>
      %dma_wait3A_80 = arith.constant 0 : i32
      %dma_wait3A_81 = tpu.memref_slice %arg4[%dma_wait3A_75, %dma_wait3A_80] : memref<1000000x32xf32, #tpu.memory_space<hbm>> -> memref<1x32xf32, #tpu.memory_space<hbm>>
      %dma_wait3A_82 = tpu.memref_squeeze %dma_wait3A_81 : memref<1x32xf32, #tpu.memory_space<hbm>> -> memref<32xf32, #tpu.memory_space<hbm>>
      %dma_wait3A_83 = arith.constant 0 : i32
      %dma_wait3A_84 = tpu.memref_slice %arg10[%dma_wait3A_76, %dma_wait3A_83] : memref<128x128xf32, #tpu.memory_space<vmem>> -> memref<1x32xf32, #tpu.memory_space<vmem>>
      %dma_wait3A_85 = tpu.memref_squeeze %dma_wait3A_84 : memref<1x32xf32, #tpu.memory_space<vmem>> -> memref<32xf32, #tpu.memory_space<vmem>>
      %dma_wait3A_86 = arith.constant 0 : i32
      %dma_wait3A_87 = tpu.memref_slice %arg4[%dma_wait3A_75, %dma_wait3A_86] : memref<1000000x32xf32, #tpu.memory_space<hbm>> -> memref<1x32xf32, #tpu.memory_space<hbm>>
      %dma_wait3A_88 = tpu.memref_squeeze %dma_wait3A_87 : memref<1x32xf32, #tpu.memory_space<hbm>> -> memref<32xf32, #tpu.memory_space<hbm>>
      tpu.wait_dma2 semaphore(%arg12 : memref<!tpu.dma_semaphore, #tpu.memory_space<semaphore_mem>>) src(%dma_wait3A_88 : memref<32xf32, #tpu.memory_space<hbm>>) dst(%dma_wait3A_85 : memref<32xf32, #tpu.memory_space<vmem>>)
      %dma_wait3A_89 = arith.constant 0 : i32
      %dma_wait3A_90 = arith.constant 0 : i32
      %dma_wait3A_91 = arith.constant 0 : i32
      %dma_wait3A_92 = tpu.memref_slice %arg11[%dma_wait3A_90, %dma_wait3A_91] : memref<128x128xf32, #tpu.memory_space<vmem>> -> memref<1x32xf32, #tpu.memory_space<vmem>>
      %dma_wait3A_93 = tpu.memref_squeeze %dma_wait3A_92 : memref<1x32xf32, #tpu.memory_space<vmem>> -> memref<32xf32, #tpu.memory_space<vmem>>
      %dma_wait3A_94 = arith.constant 0 : i32
      %dma_wait3A_95 = tpu.memref_slice %arg5[%dma_wait3A_89, %dma_wait3A_94] : memref<1000000x32xf32, #tpu.memory_space<hbm>> -> memref<1x32xf32, #tpu.memory_space<hbm>>
      %dma_wait3A_96 = tpu.memref_squeeze %dma_wait3A_95 : memref<1x32xf32, #tpu.memory_space<hbm>> -> memref<32xf32, #tpu.memory_space<hbm>>
      %dma_wait3A_97 = arith.constant 0 : i32
      %dma_wait3A_98 = tpu.memref_slice %arg11[%dma_wait3A_90, %dma_wait3A_97] : memref<128x128xf32, #tpu.memory_space<vmem>> -> memref<1x32xf32, #tpu.memory_space<vmem>>
      %dma_wait3A_99 = tpu.memref_squeeze %dma_wait3A_98 : memref<1x32xf32, #tpu.memory_space<vmem>> -> memref<32xf32, #tpu.memory_space<vmem>>
      %dma_wait3A_100 = arith.constant 0 : i32
      %dma_wait3A_101 = tpu.memref_slice %arg5[%dma_wait3A_89, %dma_wait3A_100] : memref<1000000x32xf32, #tpu.memory_space<hbm>> -> memref<1x32xf32, #tpu.memory_space<hbm>>
      %dma_wait3A_102 = tpu.memref_squeeze %dma_wait3A_101 : memref<1x32xf32, #tpu.memory_space<hbm>> -> memref<32xf32, #tpu.memory_space<hbm>>
      tpu.wait_dma2 semaphore(%arg13 : memref<!tpu.dma_semaphore, #tpu.memory_space<semaphore_mem>>) src(%dma_wait3A_102 : memref<32xf32, #tpu.memory_space<hbm>>) dst(%dma_wait3A_99 : memref<32xf32, #tpu.memory_space<vmem>>)
      %dma_wait3A_103 = arith.constant 0 : i32
      %dma_wait3A_104 = arith.constant 0 : i32
      %dma_wait3A_105 = arith.constant 0 : i32
      %dma_wait3A_106 = tpu.memref_slice %arg10[%dma_wait3A_104, %dma_wait3A_105] : memref<128x128xf32, #tpu.memory_space<vmem>> -> memref<1x32xf32, #tpu.memory_space<vmem>>
      %dma_wait3A_107 = tpu.memref_squeeze %dma_wait3A_106 : memref<1x32xf32, #tpu.memory_space<vmem>> -> memref<32xf32, #tpu.memory_space<vmem>>
      %dma_wait3A_108 = arith.constant 0 : i32
      %dma_wait3A_109 = tpu.memref_slice %arg4[%dma_wait3A_103, %dma_wait3A_108] : memref<1000000x32xf32, #tpu.memory_space<hbm>> -> memref<1x32xf32, #tpu.memory_space<hbm>>
      %dma_wait3A_110 = tpu.memref_squeeze %dma_wait3A_109 : memref<1x32xf32, #tpu.memory_space<hbm>> -> memref<32xf32, #tpu.memory_space<hbm>>
      %dma_wait3A_111 = arith.constant 0 : i32
      %dma_wait3A_112 = tpu.memref_slice %arg10[%dma_wait3A_104, %dma_wait3A_111] : memref<128x128xf32, #tpu.memory_space<vmem>> -> memref<1x32xf32, #tpu.memory_space<vmem>>
      %dma_wait3A_113 = tpu.memref_squeeze %dma_wait3A_112 : memref<1x32xf32, #tpu.memory_space<vmem>> -> memref<32xf32, #tpu.memory_space<vmem>>
      %dma_wait3A_114 = arith.constant 0 : i32
      %dma_wait3A_115 = tpu.memref_slice %arg4[%dma_wait3A_103, %dma_wait3A_114] : memref<1000000x32xf32, #tpu.memory_space<hbm>> -> memref<1x32xf32, #tpu.memory_space<hbm>>
      %dma_wait3A_116 = tpu.memref_squeeze %dma_wait3A_115 : memref<1x32xf32, #tpu.memory_space<hbm>> -> memref<32xf32, #tpu.memory_space<hbm>>
      tpu.wait_dma2 semaphore(%arg12 : memref<!tpu.dma_semaphore, #tpu.memory_space<semaphore_mem>>) src(%dma_wait3A_116 : memref<32xf32, #tpu.memory_space<hbm>>) dst(%dma_wait3A_113 : memref<32xf32, #tpu.memory_space<vmem>>)
      %dma_wait3A_117 = arith.constant 0 : i32
      %dma_wait3A_118 = arith.constant 0 : i32
      %dma_wait3A_119 = arith.constant 0 : i32
      %dma_wait3A_120 = tpu.memref_slice %arg11[%dma_wait3A_118, %dma_wait3A_119] : memref<128x128xf32, #tpu.memory_space<vmem>> -> memref<1x32xf32, #tpu.memory_space<vmem>>
      %dma_wait3A_121 = tpu.memref_squeeze %dma_wait3A_120 : memref<1x32xf32, #tpu.memory_space<vmem>> -> memref<32xf32, #tpu.memory_space<vmem>>
      %dma_wait3A_122 = arith.constant 0 : i32
      %dma_wait3A_123 = tpu.memref_slice %arg5[%dma_wait3A_117, %dma_wait3A_122] : memref<1000000x32xf32, #tpu.memory_space<hbm>> -> memref<1x32xf32, #tpu.memory_space<hbm>>
      %dma_wait3A_124 = tpu.memref_squeeze %dma_wait3A_123 : memref<1x32xf32, #tpu.memory_space<hbm>> -> memref<32xf32, #tpu.memory_space<hbm>>
      %dma_wait3A_125 = arith.constant 0 : i32
      %dma_wait3A_126 = tpu.memref_slice %arg11[%dma_wait3A_118, %dma_wait3A_125] : memref<128x128xf32, #tpu.memory_space<vmem>> -> memref<1x32xf32, #tpu.memory_space<vmem>>
      %dma_wait3A_127 = tpu.memref_squeeze %dma_wait3A_126 : memref<1x32xf32, #tpu.memory_space<vmem>> -> memref<32xf32, #tpu.memory_space<vmem>>
      %dma_wait3A_128 = arith.constant 0 : i32
      %dma_wait3A_129 = tpu.memref_slice %arg5[%dma_wait3A_117, %dma_wait3A_128] : memref<1000000x32xf32, #tpu.memory_space<hbm>> -> memref<1x32xf32, #tpu.memory_space<hbm>>
      %dma_wait3A_130 = tpu.memref_squeeze %dma_wait3A_129 : memref<1x32xf32, #tpu.memory_space<hbm>> -> memref<32xf32, #tpu.memory_space<hbm>>
      tpu.wait_dma2 semaphore(%arg13 : memref<!tpu.dma_semaphore, #tpu.memory_space<semaphore_mem>>) src(%dma_wait3A_130 : memref<32xf32, #tpu.memory_space<hbm>>) dst(%dma_wait3A_127 : memref<32xf32, #tpu.memory_space<vmem>>)
      %dma_wait3A_131 = arith.constant 0 : i32
      %dma_wait3A_132 = arith.constant 0 : i32
      %dma_wait3A_133 = arith.constant 0 : i32
      %dma_wait3A_134 = tpu.memref_slice %arg10[%dma_wait3A_132, %dma_wait3A_133] : memref<128x128xf32, #tpu.memory_space<vmem>> -> memref<1x32xf32, #tpu.memory_space<vmem>>
      %dma_wait3A_135 = tpu.memref_squeeze %dma_wait3A_134 : memref<1x32xf32, #tpu.memory_space<vmem>> -> memref<32xf32, #tpu.memory_space<vmem>>
      %dma_wait3A_136 = arith.constant 0 : i32
      %dma_wait3A_137 = tpu.memref_slice %arg4[%dma_wait3A_131, %dma_wait3A_136] : memref<1000000x32xf32, #tpu.memory_space<hbm>> -> memref<1x32xf32, #tpu.memory_space<hbm>>
      %dma_wait3A_138 = tpu.memref_squeeze %dma_wait3A_137 : memref<1x32xf32, #tpu.memory_space<hbm>> -> memref<32xf32, #tpu.memory_space<hbm>>
      %dma_wait3A_139 = arith.constant 0 : i32
      %dma_wait3A_140 = tpu.memref_slice %arg10[%dma_wait3A_132, %dma_wait3A_139] : memref<128x128xf32, #tpu.memory_space<vmem>> -> memref<1x32xf32, #tpu.memory_space<vmem>>
      %dma_wait3A_141 = tpu.memref_squeeze %dma_wait3A_140 : memref<1x32xf32, #tpu.memory_space<vmem>> -> memref<32xf32, #tpu.memory_space<vmem>>
      %dma_wait3A_142 = arith.constant 0 : i32
      %dma_wait3A_143 = tpu.memref_slice %arg4[%dma_wait3A_131, %dma_wait3A_142] : memref<1000000x32xf32, #tpu.memory_space<hbm>> -> memref<1x32xf32, #tpu.memory_space<hbm>>
      %dma_wait3A_144 = tpu.memref_squeeze %dma_wait3A_143 : memref<1x32xf32, #tpu.memory_space<hbm>> -> memref<32xf32, #tpu.memory_space<hbm>>
      tpu.wait_dma2 semaphore(%arg12 : memref<!tpu.dma_semaphore, #tpu.memory_space<semaphore_mem>>) src(%dma_wait3A_144 : memref<32xf32, #tpu.memory_space<hbm>>) dst(%dma_wait3A_141 : memref<32xf32, #tpu.memory_space<vmem>>)
      %dma_wait3A_145 = arith.constant 0 : i32
      %dma_wait3A_146 = arith.constant 0 : i32
      %dma_wait3A_147 = arith.constant 0 : i32
      %dma_wait3A_148 = tpu.memref_slice %arg11[%dma_wait3A_146, %dma_wait3A_147] : memref<128x128xf32, #tpu.memory_space<vmem>> -> memref<1x32xf32, #tpu.memory_space<vmem>>
      %dma_wait3A_149 = tpu.memref_squeeze %dma_wait3A_148 : memref<1x32xf32, #tpu.memory_space<vmem>> -> memref<32xf32, #tpu.memory_space<vmem>>
      %dma_wait3A_150 = arith.constant 0 : i32
      %dma_wait3A_151 = tpu.memref_slice %arg5[%dma_wait3A_145, %dma_wait3A_150] : memref<1000000x32xf32, #tpu.memory_space<hbm>> -> memref<1x32xf32, #tpu.memory_space<hbm>>
      %dma_wait3A_152 = tpu.memref_squeeze %dma_wait3A_151 : memref<1x32xf32, #tpu.memory_space<hbm>> -> memref<32xf32, #tpu.memory_space<hbm>>
      %dma_wait3A_153 = arith.constant 0 : i32
      %dma_wait3A_154 = tpu.memref_slice %arg11[%dma_wait3A_146, %dma_wait3A_153] : memref<128x128xf32, #tpu.memory_space<vmem>> -> memref<1x32xf32, #tpu.memory_space<vmem>>
      %dma_wait3A_155 = tpu.memref_squeeze %dma_wait3A_154 : memref<1x32xf32, #tpu.memory_space<vmem>> -> memref<32xf32, #tpu.memory_space<vmem>>
      %dma_wait3A_156 = arith.constant 0 : i32
      %dma_wait3A_157 = tpu.memref_slice %arg5[%dma_wait3A_145, %dma_wait3A_156] : memref<1000000x32xf32, #tpu.memory_space<hbm>> -> memref<1x32xf32, #tpu.memory_space<hbm>>
      %dma_wait3A_158 = tpu.memref_squeeze %dma_wait3A_157 : memref<1x32xf32, #tpu.memory_space<hbm>> -> memref<32xf32, #tpu.memory_space<hbm>>
      tpu.wait_dma2 semaphore(%arg13 : memref<!tpu.dma_semaphore, #tpu.memory_space<semaphore_mem>>) src(%dma_wait3A_158 : memref<32xf32, #tpu.memory_space<hbm>>) dst(%dma_wait3A_155 : memref<32xf32, #tpu.memory_space<vmem>>)
      %dma_wait3A_159 = arith.constant 0 : i32
      %dma_wait3A_160 = arith.constant 0 : i32
      %dma_wait3A_161 = arith.constant 0 : i32
      %dma_wait3A_162 = tpu.memref_slice %arg10[%dma_wait3A_160, %dma_wait3A_161] : memref<128x128xf32, #tpu.memory_space<vmem>> -> memref<1x32xf32, #tpu.memory_space<vmem>>
      %dma_wait3A_163 = tpu.memref_squeeze %dma_wait3A_162 : memref<1x32xf32, #tpu.memory_space<vmem>> -> memref<32xf32, #tpu.memory_space<vmem>>
      %dma_wait3A_164 = arith.constant 0 : i32
      %dma_wait3A_165 = tpu.memref_slice %arg4[%dma_wait3A_159, %dma_wait3A_164] : memref<1000000x32xf32, #tpu.memory_space<hbm>> -> memref<1x32xf32, #tpu.memory_space<hbm>>
      %dma_wait3A_166 = tpu.memref_squeeze %dma_wait3A_165 : memref<1x32xf32, #tpu.memory_space<hbm>> -> memref<32xf32, #tpu.memory_space<hbm>>
      %dma_wait3A_167 = arith.constant 0 : i32
      %dma_wait3A_168 = tpu.memref_slice %arg10[%dma_wait3A_160, %dma_wait3A_167] : memref<128x128xf32, #tpu.memory_space<vmem>> -> memref<1x32xf32, #tpu.memory_space<vmem>>
      %dma_wait3A_169 = tpu.memref_squeeze %dma_wait3A_168 : memref<1x32xf32, #tpu.memory_space<vmem>> -> memref<32xf32, #tpu.memory_space<vmem>>
      %dma_wait3A_170 = arith.constant 0 : i32
      %dma_wait3A_171 = tpu.memref_slice %arg4[%dma_wait3A_159, %dma_wait3A_170] : memref<1000000x32xf32, #tpu.memory_space<hbm>> -> memref<1x32xf32, #tpu.memory_space<hbm>>
      %dma_wait3A_172 = tpu.memref_squeeze %dma_wait3A_171 : memref<1x32xf32, #tpu.memory_space<hbm>> -> memref<32xf32, #tpu.memory_space<hbm>>
      tpu.wait_dma2 semaphore(%arg12 : memref<!tpu.dma_semaphore, #tpu.memory_space<semaphore_mem>>) src(%dma_wait3A_172 : memref<32xf32, #tpu.memory_space<hbm>>) dst(%dma_wait3A_169 : memref<32xf32, #tpu.memory_space<vmem>>)
      %dma_wait3A_173 = arith.constant 0 : i32
      %dma_wait3A_174 = arith.constant 0 : i32
      %dma_wait3A_175 = arith.constant 0 : i32
      %dma_wait3A_176 = tpu.memref_slice %arg11[%dma_wait3A_174, %dma_wait3A_175] : memref<128x128xf32, #tpu.memory_space<vmem>> -> memref<1x32xf32, #tpu.memory_space<vmem>>
      %dma_wait3A_177 = tpu.memref_squeeze %dma_wait3A_176 : memref<1x32xf32, #tpu.memory_space<vmem>> -> memref<32xf32, #tpu.memory_space<vmem>>
      %dma_wait3A_178 = arith.constant 0 : i32
      %dma_wait3A_179 = tpu.memref_slice %arg5[%dma_wait3A_173, %dma_wait3A_178] : memref<1000000x32xf32, #tpu.memory_space<hbm>> -> memref<1x32xf32, #tpu.memory_space<hbm>>
      %dma_wait3A_180 = tpu.memref_squeeze %dma_wait3A_179 : memref<1x32xf32, #tpu.memory_space<hbm>> -> memref<32xf32, #tpu.memory_space<hbm>>
      %dma_wait3A_181 = arith.constant 0 : i32
      %dma_wait3A_182 = tpu.memref_slice %arg11[%dma_wait3A_174, %dma_wait3A_181] : memref<128x128xf32, #tpu.memory_space<vmem>> -> memref<1x32xf32, #tpu.memory_space<vmem>>
      %dma_wait3A_183 = tpu.memref_squeeze %dma_wait3A_182 : memref<1x32xf32, #tpu.memory_space<vmem>> -> memref<32xf32, #tpu.memory_space<vmem>>
      %dma_wait3A_184 = arith.constant 0 : i32
      %dma_wait3A_185 = tpu.memref_slice %arg5[%dma_wait3A_173, %dma_wait3A_184] : memref<1000000x32xf32, #tpu.memory_space<hbm>> -> memref<1x32xf32, #tpu.memory_space<hbm>>
      %dma_wait3A_186 = tpu.memref_squeeze %dma_wait3A_185 : memref<1x32xf32, #tpu.memory_space<hbm>> -> memref<32xf32, #tpu.memory_space<hbm>>
      tpu.wait_dma2 semaphore(%arg13 : memref<!tpu.dma_semaphore, #tpu.memory_space<semaphore_mem>>) src(%dma_wait3A_186 : memref<32xf32, #tpu.memory_space<hbm>>) dst(%dma_wait3A_183 : memref<32xf32, #tpu.memory_space<vmem>>)
      %dma_wait3A_187 = arith.constant 0 : i32
      %dma_wait3A_188 = arith.constant 0 : i32
      %dma_wait3A_189 = arith.constant 0 : i32
      %dma_wait3A_190 = tpu.memref_slice %arg10[%dma_wait3A_188, %dma_wait3A_189] : memref<128x128xf32, #tpu.memory_space<vmem>> -> memref<1x32xf32, #tpu.memory_space<vmem>>
      %dma_wait3A_191 = tpu.memref_squeeze %dma_wait3A_190 : memref<1x32xf32, #tpu.memory_space<vmem>> -> memref<32xf32, #tpu.memory_space<vmem>>
      %dma_wait3A_192 = arith.constant 0 : i32
      %dma_wait3A_193 = tpu.memref_slice %arg4[%dma_wait3A_187, %dma_wait3A_192] : memref<1000000x32xf32, #tpu.memory_space<hbm>> -> memref<1x32xf32, #tpu.memory_space<hbm>>
      %dma_wait3A_194 = tpu.memref_squeeze %dma_wait3A_193 : memref<1x32xf32, #tpu.memory_space<hbm>> -> memref<32xf32, #tpu.memory_space<hbm>>
      %dma_wait3A_195 = arith.constant 0 : i32
      %dma_wait3A_196 = tpu.memref_slice %arg10[%dma_wait3A_188, %dma_wait3A_195] : memref<128x128xf32, #tpu.memory_space<vmem>> -> memref<1x32xf32, #tpu.memory_space<vmem>>
      %dma_wait3A_197 = tpu.memref_squeeze %dma_wait3A_196 : memref<1x32xf32, #tpu.memory_space<vmem>> -> memref<32xf32, #tpu.memory_space<vmem>>
      %dma_wait3A_198 = arith.constant 0 : i32
      %dma_wait3A_199 = tpu.memref_slice %arg4[%dma_wait3A_187, %dma_wait3A_198] : memref<1000000x32xf32, #tpu.memory_space<hbm>> -> memref<1x32xf32, #tpu.memory_space<hbm>>
      %dma_wait3A_200 = tpu.memref_squeeze %dma_wait3A_199 : memref<1x32xf32, #tpu.memory_space<hbm>> -> memref<32xf32, #tpu.memory_space<hbm>>
      tpu.wait_dma2 semaphore(%arg12 : memref<!tpu.dma_semaphore, #tpu.memory_space<semaphore_mem>>) src(%dma_wait3A_200 : memref<32xf32, #tpu.memory_space<hbm>>) dst(%dma_wait3A_197 : memref<32xf32, #tpu.memory_space<vmem>>)
      %dma_wait3A_201 = arith.constant 0 : i32
      %dma_wait3A_202 = arith.constant 0 : i32
      %dma_wait3A_203 = arith.constant 0 : i32
      %dma_wait3A_204 = tpu.memref_slice %arg11[%dma_wait3A_202, %dma_wait3A_203] : memref<128x128xf32, #tpu.memory_space<vmem>> -> memref<1x32xf32, #tpu.memory_space<vmem>>
      %dma_wait3A_205 = tpu.memref_squeeze %dma_wait3A_204 : memref<1x32xf32, #tpu.memory_space<vmem>> -> memref<32xf32, #tpu.memory_space<vmem>>
      %dma_wait3A_206 = arith.constant 0 : i32
      %dma_wait3A_207 = tpu.memref_slice %arg5[%dma_wait3A_201, %dma_wait3A_206] : memref<1000000x32xf32, #tpu.memory_space<hbm>> -> memref<1x32xf32, #tpu.memory_space<hbm>>
      %dma_wait3A_208 = tpu.memref_squeeze %dma_wait3A_207 : memref<1x32xf32, #tpu.memory_space<hbm>> -> memref<32xf32, #tpu.memory_space<hbm>>
      %dma_wait3A_209 = arith.constant 0 : i32
      %dma_wait3A_210 = tpu.memref_slice %arg11[%dma_wait3A_202, %dma_wait3A_209] : memref<128x128xf32, #tpu.memory_space<vmem>> -> memref<1x32xf32, #tpu.memory_space<vmem>>
      %dma_wait3A_211 = tpu.memref_squeeze %dma_wait3A_210 : memref<1x32xf32, #tpu.memory_space<vmem>> -> memref<32xf32, #tpu.memory_space<vmem>>
      %dma_wait3A_212 = arith.constant 0 : i32
      %dma_wait3A_213 = tpu.memref_slice %arg5[%dma_wait3A_201, %dma_wait3A_212] : memref<1000000x32xf32, #tpu.memory_space<hbm>> -> memref<1x32xf32, #tpu.memory_space<hbm>>
      %dma_wait3A_214 = tpu.memref_squeeze %dma_wait3A_213 : memref<1x32xf32, #tpu.memory_space<hbm>> -> memref<32xf32, #tpu.memory_space<hbm>>
      tpu.wait_dma2 semaphore(%arg13 : memref<!tpu.dma_semaphore, #tpu.memory_space<semaphore_mem>>) src(%dma_wait3A_214 : memref<32xf32, #tpu.memory_space<hbm>>) dst(%dma_wait3A_211 : memref<32xf32, #tpu.memory_space<vmem>>)
      %dma_wait3A_215 = arith.constant 0 : i32
      %dma_wait3A_216 = arith.constant 0 : i32
      %dma_wait3A_217 = arith.constant 0 : i32
      %dma_wait3A_218 = tpu.memref_slice %arg10[%dma_wait3A_216, %dma_wait3A_217] : memref<128x128xf32, #tpu.memory_space<vmem>> -> memref<1x32xf32, #tpu.memory_space<vmem>>
      %dma_wait3A_219 = tpu.memref_squeeze %dma_wait3A_218 : memref<1x32xf32, #tpu.memory_space<vmem>> -> memref<32xf32, #tpu.memory_space<vmem>>
      %dma_wait3A_220 = arith.constant 0 : i32
      %dma_wait3A_221 = tpu.memref_slice %arg4[%dma_wait3A_215, %dma_wait3A_220] : memref<1000000x32xf32, #tpu.memory_space<hbm>> -> memref<1x32xf32, #tpu.memory_space<hbm>>
      %dma_wait3A_222 = tpu.memref_squeeze %dma_wait3A_221 : memref<1x32xf32, #tpu.memory_space<hbm>> -> memref<32xf32, #tpu.memory_space<hbm>>
      %dma_wait3A_223 = arith.constant 0 : i32
      %dma_wait3A_224 = tpu.memref_slice %arg10[%dma_wait3A_216, %dma_wait3A_223] : memref<128x128xf32, #tpu.memory_space<vmem>> -> memref<1x32xf32, #tpu.memory_space<vmem>>
      %dma_wait3A_225 = tpu.memref_squeeze %dma_wait3A_224 : memref<1x32xf32, #tpu.memory_space<vmem>> -> memref<32xf32, #tpu.memory_space<vmem>>
      %dma_wait3A_226 = arith.constant 0 : i32
      %dma_wait3A_227 = tpu.memref_slice %arg4[%dma_wait3A_215, %dma_wait3A_226] : memref<1000000x32xf32, #tpu.memory_space<hbm>> -> memref<1x32xf32, #tpu.memory_space<hbm>>
      %dma_wait3A_228 = tpu.memref_squeeze %dma_wait3A_227 : memref<1x32xf32, #tpu.memory_space<hbm>> -> memref<32xf32, #tpu.memory_space<hbm>>
      tpu.wait_dma2 semaphore(%arg12 : memref<!tpu.dma_semaphore, #tpu.memory_space<semaphore_mem>>) src(%dma_wait3A_228 : memref<32xf32, #tpu.memory_space<hbm>>) dst(%dma_wait3A_225 : memref<32xf32, #tpu.memory_space<vmem>>)
      %dma_wait3A_229 = arith.constant 0 : i32
      %dma_wait3A_230 = arith.constant 0 : i32
      %dma_wait3A_231 = arith.constant 0 : i32
      %dma_wait3A_232 = tpu.memref_slice %arg11[%dma_wait3A_230, %dma_wait3A_231] : memref<128x128xf32, #tpu.memory_space<vmem>> -> memref<1x32xf32, #tpu.memory_space<vmem>>
      %dma_wait3A_233 = tpu.memref_squeeze %dma_wait3A_232 : memref<1x32xf32, #tpu.memory_space<vmem>> -> memref<32xf32, #tpu.memory_space<vmem>>
      %dma_wait3A_234 = arith.constant 0 : i32
      %dma_wait3A_235 = tpu.memref_slice %arg5[%dma_wait3A_229, %dma_wait3A_234] : memref<1000000x32xf32, #tpu.memory_space<hbm>> -> memref<1x32xf32, #tpu.memory_space<hbm>>
      %dma_wait3A_236 = tpu.memref_squeeze %dma_wait3A_235 : memref<1x32xf32, #tpu.memory_space<hbm>> -> memref<32xf32, #tpu.memory_space<hbm>>
      %dma_wait3A_237 = arith.constant 0 : i32
      %dma_wait3A_238 = tpu.memref_slice %arg11[%dma_wait3A_230, %dma_wait3A_237] : memref<128x128xf32, #tpu.memory_space<vmem>> -> memref<1x32xf32, #tpu.memory_space<vmem>>
      %dma_wait3A_239 = tpu.memref_squeeze %dma_wait3A_238 : memref<1x32xf32, #tpu.memory_space<vmem>> -> memref<32xf32, #tpu.memory_space<vmem>>
      %dma_wait3A_240 = arith.constant 0 : i32
      %dma_wait3A_241 = tpu.memref_slice %arg5[%dma_wait3A_229, %dma_wait3A_240] : memref<1000000x32xf32, #tpu.memory_space<hbm>> -> memref<1x32xf32, #tpu.memory_space<hbm>>
      %dma_wait3A_242 = tpu.memref_squeeze %dma_wait3A_241 : memref<1x32xf32, #tpu.memory_space<hbm>> -> memref<32xf32, #tpu.memory_space<hbm>>
      tpu.wait_dma2 semaphore(%arg13 : memref<!tpu.dma_semaphore, #tpu.memory_space<semaphore_mem>>) src(%dma_wait3A_242 : memref<32xf32, #tpu.memory_space<hbm>>) dst(%dma_wait3A_239 : memref<32xf32, #tpu.memory_space<vmem>>)
      %dma_wait3A_243 = arith.constant 0 : i32
      %dma_wait3A_244 = arith.constant 0 : i32
      %dma_wait3A_245 = arith.constant 0 : i32
      %dma_wait3A_246 = tpu.memref_slice %arg10[%dma_wait3A_244, %dma_wait3A_245] : memref<128x128xf32, #tpu.memory_space<vmem>> -> memref<1x32xf32, #tpu.memory_space<vmem>>
      %dma_wait3A_247 = tpu.memref_squeeze %dma_wait3A_246 : memref<1x32xf32, #tpu.memory_space<vmem>> -> memref<32xf32, #tpu.memory_space<vmem>>
      %dma_wait3A_248 = arith.constant 0 : i32
      %dma_wait3A_249 = tpu.memref_slice %arg4[%dma_wait3A_243, %dma_wait3A_248] : memref<1000000x32xf32, #tpu.memory_space<hbm>> -> memref<1x32xf32, #tpu.memory_space<hbm>>
      %dma_wait3A_250 = tpu.memref_squeeze %dma_wait3A_249 : memref<1x32xf32, #tpu.memory_space<hbm>> -> memref<32xf32, #tpu.memory_space<hbm>>
      %dma_wait3A_251 = arith.constant 0 : i32
      %dma_wait3A_252 = tpu.memref_slice %arg10[%dma_wait3A_244, %dma_wait3A_251] : memref<128x128xf32, #tpu.memory_space<vmem>> -> memref<1x32xf32, #tpu.memory_space<vmem>>
      %dma_wait3A_253 = tpu.memref_squeeze %dma_wait3A_252 : memref<1x32xf32, #tpu.memory_space<vmem>> -> memref<32xf32, #tpu.memory_space<vmem>>
      %dma_wait3A_254 = arith.constant 0 : i32
      %dma_wait3A_255 = tpu.memref_slice %arg4[%dma_wait3A_243, %dma_wait3A_254] : memref<1000000x32xf32, #tpu.memory_space<hbm>> -> memref<1x32xf32, #tpu.memory_space<hbm>>
      %dma_wait3A_256 = tpu.memref_squeeze %dma_wait3A_255 : memref<1x32xf32, #tpu.memory_space<hbm>> -> memref<32xf32, #tpu.memory_space<hbm>>
      tpu.wait_dma2 semaphore(%arg12 : memref<!tpu.dma_semaphore, #tpu.memory_space<semaphore_mem>>) src(%dma_wait3A_256 : memref<32xf32, #tpu.memory_space<hbm>>) dst(%dma_wait3A_253 : memref<32xf32, #tpu.memory_space<vmem>>)
      %dma_wait3A_257 = arith.constant 0 : i32
      %dma_wait3A_258 = arith.constant 0 : i32
      %dma_wait3A_259 = arith.constant 0 : i32
      %dma_wait3A_260 = tpu.memref_slice %arg11[%dma_wait3A_258, %dma_wait3A_259] : memref<128x128xf32, #tpu.memory_space<vmem>> -> memref<1x32xf32, #tpu.memory_space<vmem>>
      %dma_wait3A_261 = tpu.memref_squeeze %dma_wait3A_260 : memref<1x32xf32, #tpu.memory_space<vmem>> -> memref<32xf32, #tpu.memory_space<vmem>>
      %dma_wait3A_262 = arith.constant 0 : i32
      %dma_wait3A_263 = tpu.memref_slice %arg5[%dma_wait3A_257, %dma_wait3A_262] : memref<1000000x32xf32, #tpu.memory_space<hbm>> -> memref<1x32xf32, #tpu.memory_space<hbm>>
      %dma_wait3A_264 = tpu.memref_squeeze %dma_wait3A_263 : memref<1x32xf32, #tpu.memory_space<hbm>> -> memref<32xf32, #tpu.memory_space<hbm>>
      %dma_wait3A_265 = arith.constant 0 : i32
      %dma_wait3A_266 = tpu.memref_slice %arg11[%dma_wait3A_258, %dma_wait3A_265] : memref<128x128xf32, #tpu.memory_space<vmem>> -> memref<1x32xf32, #tpu.memory_space<vmem>>
      %dma_wait3A_267 = tpu.memref_squeeze %dma_wait3A_266 : memref<1x32xf32, #tpu.memory_space<vmem>> -> memref<32xf32, #tpu.memory_space<vmem>>
      %dma_wait3A_268 = arith.constant 0 : i32
      %dma_wait3A_269 = tpu.memref_slice %arg5[%dma_wait3A_257, %dma_wait3A_268] : memref<1000000x32xf32, #tpu.memory_space<hbm>> -> memref<1x32xf32, #tpu.memory_space<hbm>>
      %dma_wait3A_270 = tpu.memref_squeeze %dma_wait3A_269 : memref<1x32xf32, #tpu.memory_space<hbm>> -> memref<32xf32, #tpu.memory_space<hbm>>
      tpu.wait_dma2 semaphore(%arg13 : memref<!tpu.dma_semaphore, #tpu.memory_space<semaphore_mem>>) src(%dma_wait3A_270 : memref<32xf32, #tpu.memory_space<hbm>>) dst(%dma_wait3A_267 : memref<32xf32, #tpu.memory_space<vmem>>)
      %dma_wait3A_271 = arith.constant 0 : i32
      %dma_wait3A_272 = arith.constant 0 : i32
      %dma_wait3A_273 = arith.constant 0 : i32
      %dma_wait3A_274 = tpu.memref_slice %arg10[%dma_wait3A_272, %dma_wait3A_273] : memref<128x128xf32, #tpu.memory_space<vmem>> -> memref<1x32xf32, #tpu.memory_space<vmem>>
      %dma_wait3A_275 = tpu.memref_squeeze %dma_wait3A_274 : memref<1x32xf32, #tpu.memory_space<vmem>> -> memref<32xf32, #tpu.memory_space<vmem>>
      %dma_wait3A_276 = arith.constant 0 : i32
      %dma_wait3A_277 = tpu.memref_slice %arg4[%dma_wait3A_271, %dma_wait3A_276] : memref<1000000x32xf32, #tpu.memory_space<hbm>> -> memref<1x32xf32, #tpu.memory_space<hbm>>
      %dma_wait3A_278 = tpu.memref_squeeze %dma_wait3A_277 : memref<1x32xf32, #tpu.memory_space<hbm>> -> memref<32xf32, #tpu.memory_space<hbm>>
      %dma_wait3A_279 = arith.constant 0 : i32
      %dma_wait3A_280 = tpu.memref_slice %arg10[%dma_wait3A_272, %dma_wait3A_279] : memref<128x128xf32, #tpu.memory_space<vmem>> -> memref<1x32xf32, #tpu.memory_space<vmem>>
      %dma_wait3A_281 = tpu.memref_squeeze %dma_wait3A_280 : memref<1x32xf32, #tpu.memory_space<vmem>> -> memref<32xf32, #tpu.memory_space<vmem>>
      %dma_wait3A_282 = arith.constant 0 : i32
      %dma_wait3A_283 = tpu.memref_slice %arg4[%dma_wait3A_271, %dma_wait3A_282] : memref<1000000x32xf32, #tpu.memory_space<hbm>> -> memref<1x32xf32, #tpu.memory_space<hbm>>
      %dma_wait3A_284 = tpu.memref_squeeze %dma_wait3A_283 : memref<1x32xf32, #tpu.memory_space<hbm>> -> memref<32xf32, #tpu.memory_space<hbm>>
      tpu.wait_dma2 semaphore(%arg12 : memref<!tpu.dma_semaphore, #tpu.memory_space<semaphore_mem>>) src(%dma_wait3A_284 : memref<32xf32, #tpu.memory_space<hbm>>) dst(%dma_wait3A_281 : memref<32xf32, #tpu.memory_space<vmem>>)
      %dma_wait3A_285 = arith.constant 0 : i32
      %dma_wait3A_286 = arith.constant 0 : i32
      %dma_wait3A_287 = arith.constant 0 : i32
      %dma_wait3A_288 = tpu.memref_slice %arg11[%dma_wait3A_286, %dma_wait3A_287] : memref<128x128xf32, #tpu.memory_space<vmem>> -> memref<1x32xf32, #tpu.memory_space<vmem>>
      %dma_wait3A_289 = tpu.memref_squeeze %dma_wait3A_288 : memref<1x32xf32, #tpu.memory_space<vmem>> -> memref<32xf32, #tpu.memory_space<vmem>>
      %dma_wait3A_290 = arith.constant 0 : i32
      %dma_wait3A_291 = tpu.memref_slice %arg5[%dma_wait3A_285, %dma_wait3A_290] : memref<1000000x32xf32, #tpu.memory_space<hbm>> -> memref<1x32xf32, #tpu.memory_space<hbm>>
      %dma_wait3A_292 = tpu.memref_squeeze %dma_wait3A_291 : memref<1x32xf32, #tpu.memory_space<hbm>> -> memref<32xf32, #tpu.memory_space<hbm>>
      %dma_wait3A_293 = arith.constant 0 : i32
      %dma_wait3A_294 = tpu.memref_slice %arg11[%dma_wait3A_286, %dma_wait3A_293] : memref<128x128xf32, #tpu.memory_space<vmem>> -> memref<1x32xf32, #tpu.memory_space<vmem>>
      %dma_wait3A_295 = tpu.memref_squeeze %dma_wait3A_294 : memref<1x32xf32, #tpu.memory_space<vmem>> -> memref<32xf32, #tpu.memory_space<vmem>>
      %dma_wait3A_296 = arith.constant 0 : i32
      %dma_wait3A_297 = tpu.memref_slice %arg5[%dma_wait3A_285, %dma_wait3A_296] : memref<1000000x32xf32, #tpu.memory_space<hbm>> -> memref<1x32xf32, #tpu.memory_space<hbm>>
      %dma_wait3A_298 = tpu.memref_squeeze %dma_wait3A_297 : memref<1x32xf32, #tpu.memory_space<hbm>> -> memref<32xf32, #tpu.memory_space<hbm>>
      tpu.wait_dma2 semaphore(%arg13 : memref<!tpu.dma_semaphore, #tpu.memory_space<semaphore_mem>>) src(%dma_wait3A_298 : memref<32xf32, #tpu.memory_space<hbm>>) dst(%dma_wait3A_295 : memref<32xf32, #tpu.memory_space<vmem>>)
      %dma_wait3A_299 = arith.constant 0 : i32
      %dma_wait3A_300 = arith.constant 0 : i32
      %dma_wait3A_301 = arith.constant 0 : i32
      %dma_wait3A_302 = tpu.memref_slice %arg10[%dma_wait3A_300, %dma_wait3A_301] : memref<128x128xf32, #tpu.memory_space<vmem>> -> memref<1x32xf32, #tpu.memory_space<vmem>>
      %dma_wait3A_303 = tpu.memref_squeeze %dma_wait3A_302 : memref<1x32xf32, #tpu.memory_space<vmem>> -> memref<32xf32, #tpu.memory_space<vmem>>
      %dma_wait3A_304 = arith.constant 0 : i32
      %dma_wait3A_305 = tpu.memref_slice %arg4[%dma_wait3A_299, %dma_wait3A_304] : memref<1000000x32xf32, #tpu.memory_space<hbm>> -> memref<1x32xf32, #tpu.memory_space<hbm>>
      %dma_wait3A_306 = tpu.memref_squeeze %dma_wait3A_305 : memref<1x32xf32, #tpu.memory_space<hbm>> -> memref<32xf32, #tpu.memory_space<hbm>>
      %dma_wait3A_307 = arith.constant 0 : i32
      %dma_wait3A_308 = tpu.memref_slice %arg10[%dma_wait3A_300, %dma_wait3A_307] : memref<128x128xf32, #tpu.memory_space<vmem>> -> memref<1x32xf32, #tpu.memory_space<vmem>>
      %dma_wait3A_309 = tpu.memref_squeeze %dma_wait3A_308 : memref<1x32xf32, #tpu.memory_space<vmem>> -> memref<32xf32, #tpu.memory_space<vmem>>
      %dma_wait3A_310 = arith.constant 0 : i32
      %dma_wait3A_311 = tpu.memref_slice %arg4[%dma_wait3A_299, %dma_wait3A_310] : memref<1000000x32xf32, #tpu.memory_space<hbm>> -> memref<1x32xf32, #tpu.memory_space<hbm>>
      %dma_wait3A_312 = tpu.memref_squeeze %dma_wait3A_311 : memref<1x32xf32, #tpu.memory_space<hbm>> -> memref<32xf32, #tpu.memory_space<hbm>>
      tpu.wait_dma2 semaphore(%arg12 : memref<!tpu.dma_semaphore, #tpu.memory_space<semaphore_mem>>) src(%dma_wait3A_312 : memref<32xf32, #tpu.memory_space<hbm>>) dst(%dma_wait3A_309 : memref<32xf32, #tpu.memory_space<vmem>>)
      %dma_wait3A_313 = arith.constant 0 : i32
      %dma_wait3A_314 = arith.constant 0 : i32
      %dma_wait3A_315 = arith.constant 0 : i32
      %dma_wait3A_316 = tpu.memref_slice %arg11[%dma_wait3A_314, %dma_wait3A_315] : memref<128x128xf32, #tpu.memory_space<vmem>> -> memref<1x32xf32, #tpu.memory_space<vmem>>
      %dma_wait3A_317 = tpu.memref_squeeze %dma_wait3A_316 : memref<1x32xf32, #tpu.memory_space<vmem>> -> memref<32xf32, #tpu.memory_space<vmem>>
      %dma_wait3A_318 = arith.constant 0 : i32
      %dma_wait3A_319 = tpu.memref_slice %arg5[%dma_wait3A_313, %dma_wait3A_318] : memref<1000000x32xf32, #tpu.memory_space<hbm>> -> memref<1x32xf32, #tpu.memory_space<hbm>>
      %dma_wait3A_320 = tpu.memref_squeeze %dma_wait3A_319 : memref<1x32xf32, #tpu.memory_space<hbm>> -> memref<32xf32, #tpu.memory_space<hbm>>
      %dma_wait3A_321 = arith.constant 0 : i32
      %dma_wait3A_322 = tpu.memref_slice %arg11[%dma_wait3A_314, %dma_wait3A_321] : memref<128x128xf32, #tpu.memory_space<vmem>> -> memref<1x32xf32, #tpu.memory_space<vmem>>
      %dma_wait3A_323 = tpu.memref_squeeze %dma_wait3A_322 : memref<1x32xf32, #tpu.memory_space<vmem>> -> memref<32xf32, #tpu.memory_space<vmem>>
      %dma_wait3A_324 = arith.constant 0 : i32
      %dma_wait3A_325 = tpu.memref_slice %arg5[%dma_wait3A_313, %dma_wait3A_324] : memref<1000000x32xf32, #tpu.memory_space<hbm>> -> memref<1x32xf32, #tpu.memory_space<hbm>>
      %dma_wait3A_326 = tpu.memref_squeeze %dma_wait3A_325 : memref<1x32xf32, #tpu.memory_space<hbm>> -> memref<32xf32, #tpu.memory_space<hbm>>
      tpu.wait_dma2 semaphore(%arg13 : memref<!tpu.dma_semaphore, #tpu.memory_space<semaphore_mem>>) src(%dma_wait3A_326 : memref<32xf32, #tpu.memory_space<hbm>>) dst(%dma_wait3A_323 : memref<32xf32, #tpu.memory_space<vmem>>)
      %dma_wait3A_327 = arith.constant 0 : i32
      %dma_wait3A_328 = arith.constant 0 : i32
      %dma_wait3A_329 = arith.constant 0 : i32
      %dma_wait3A_330 = tpu.memref_slice %arg10[%dma_wait3A_328, %dma_wait3A_329] : memref<128x128xf32, #tpu.memory_space<vmem>> -> memref<1x32xf32, #tpu.memory_space<vmem>>
      %dma_wait3A_331 = tpu.memref_squeeze %dma_wait3A_330 : memref<1x32xf32, #tpu.memory_space<vmem>> -> memref<32xf32, #tpu.memory_space<vmem>>
      %dma_wait3A_332 = arith.constant 0 : i32
      %dma_wait3A_333 = tpu.memref_slice %arg4[%dma_wait3A_327, %dma_wait3A_332] : memref<1000000x32xf32, #tpu.memory_space<hbm>> -> memref<1x32xf32, #tpu.memory_space<hbm>>
      %dma_wait3A_334 = tpu.memref_squeeze %dma_wait3A_333 : memref<1x32xf32, #tpu.memory_space<hbm>> -> memref<32xf32, #tpu.memory_space<hbm>>
      %dma_wait3A_335 = arith.constant 0 : i32
      %dma_wait3A_336 = tpu.memref_slice %arg10[%dma_wait3A_328, %dma_wait3A_335] : memref<128x128xf32, #tpu.memory_space<vmem>> -> memref<1x32xf32, #tpu.memory_space<vmem>>
      %dma_wait3A_337 = tpu.memref_squeeze %dma_wait3A_336 : memref<1x32xf32, #tpu.memory_space<vmem>> -> memref<32xf32, #tpu.memory_space<vmem>>
      %dma_wait3A_338 = arith.constant 0 : i32
      %dma_wait3A_339 = tpu.memref_slice %arg4[%dma_wait3A_327, %dma_wait3A_338] : memref<1000000x32xf32, #tpu.memory_space<hbm>> -> memref<1x32xf32, #tpu.memory_space<hbm>>
      %dma_wait3A_340 = tpu.memref_squeeze %dma_wait3A_339 : memref<1x32xf32, #tpu.memory_space<hbm>> -> memref<32xf32, #tpu.memory_space<hbm>>
      tpu.wait_dma2 semaphore(%arg12 : memref<!tpu.dma_semaphore, #tpu.memory_space<semaphore_mem>>) src(%dma_wait3A_340 : memref<32xf32, #tpu.memory_space<hbm>>) dst(%dma_wait3A_337 : memref<32xf32, #tpu.memory_space<vmem>>)
      %dma_wait3A_341 = arith.constant 0 : i32
      %dma_wait3A_342 = arith.constant 0 : i32
      %dma_wait3A_343 = arith.constant 0 : i32
      %dma_wait3A_344 = tpu.memref_slice %arg11[%dma_wait3A_342, %dma_wait3A_343] : memref<128x128xf32, #tpu.memory_space<vmem>> -> memref<1x32xf32, #tpu.memory_space<vmem>>
      %dma_wait3A_345 = tpu.memref_squeeze %dma_wait3A_344 : memref<1x32xf32, #tpu.memory_space<vmem>> -> memref<32xf32, #tpu.memory_space<vmem>>
      %dma_wait3A_346 = arith.constant 0 : i32
      %dma_wait3A_347 = tpu.memref_slice %arg5[%dma_wait3A_341, %dma_wait3A_346] : memref<1000000x32xf32, #tpu.memory_space<hbm>> -> memref<1x32xf32, #tpu.memory_space<hbm>>
      %dma_wait3A_348 = tpu.memref_squeeze %dma_wait3A_347 : memref<1x32xf32, #tpu.memory_space<hbm>> -> memref<32xf32, #tpu.memory_space<hbm>>
      %dma_wait3A_349 = arith.constant 0 : i32
      %dma_wait3A_350 = tpu.memref_slice %arg11[%dma_wait3A_342, %dma_wait3A_349] : memref<128x128xf32, #tpu.memory_space<vmem>> -> memref<1x32xf32, #tpu.memory_space<vmem>>
      %dma_wait3A_351 = tpu.memref_squeeze %dma_wait3A_350 : memref<1x32xf32, #tpu.memory_space<vmem>> -> memref<32xf32, #tpu.memory_space<vmem>>
      %dma_wait3A_352 = arith.constant 0 : i32
      %dma_wait3A_353 = tpu.memref_slice %arg5[%dma_wait3A_341, %dma_wait3A_352] : memref<1000000x32xf32, #tpu.memory_space<hbm>> -> memref<1x32xf32, #tpu.memory_space<hbm>>
      %dma_wait3A_354 = tpu.memref_squeeze %dma_wait3A_353 : memref<1x32xf32, #tpu.memory_space<hbm>> -> memref<32xf32, #tpu.memory_space<hbm>>
      tpu.wait_dma2 semaphore(%arg13 : memref<!tpu.dma_semaphore, #tpu.memory_space<semaphore_mem>>) src(%dma_wait3A_354 : memref<32xf32, #tpu.memory_space<hbm>>) dst(%dma_wait3A_351 : memref<32xf32, #tpu.memory_space<vmem>>)
      %dma_wait3A_355 = arith.constant 0 : i32
      %dma_wait3A_356 = arith.constant 0 : i32
      %dma_wait3A_357 = arith.constant 0 : i32
      %dma_wait3A_358 = tpu.memref_slice %arg10[%dma_wait3A_356, %dma_wait3A_357] : memref<128x128xf32, #tpu.memory_space<vmem>> -> memref<1x32xf32, #tpu.memory_space<vmem>>
      %dma_wait3A_359 = tpu.memref_squeeze %dma_wait3A_358 : memref<1x32xf32, #tpu.memory_space<vmem>> -> memref<32xf32, #tpu.memory_space<vmem>>
      %dma_wait3A_360 = arith.constant 0 : i32
      %dma_wait3A_361 = tpu.memref_slice %arg4[%dma_wait3A_355, %dma_wait3A_360] : memref<1000000x32xf32, #tpu.memory_space<hbm>> -> memref<1x32xf32, #tpu.memory_space<hbm>>
      %dma_wait3A_362 = tpu.memref_squeeze %dma_wait3A_361 : memref<1x32xf32, #tpu.memory_space<hbm>> -> memref<32xf32, #tpu.memory_space<hbm>>
      %dma_wait3A_363 = arith.constant 0 : i32
      %dma_wait3A_364 = tpu.memref_slice %arg10[%dma_wait3A_356, %dma_wait3A_363] : memref<128x128xf32, #tpu.memory_space<vmem>> -> memref<1x32xf32, #tpu.memory_space<vmem>>
      %dma_wait3A_365 = tpu.memref_squeeze %dma_wait3A_364 : memref<1x32xf32, #tpu.memory_space<vmem>> -> memref<32xf32, #tpu.memory_space<vmem>>
      %dma_wait3A_366 = arith.constant 0 : i32
      %dma_wait3A_367 = tpu.memref_slice %arg4[%dma_wait3A_355, %dma_wait3A_366] : memref<1000000x32xf32, #tpu.memory_space<hbm>> -> memref<1x32xf32, #tpu.memory_space<hbm>>
      %dma_wait3A_368 = tpu.memref_squeeze %dma_wait3A_367 : memref<1x32xf32, #tpu.memory_space<hbm>> -> memref<32xf32, #tpu.memory_space<hbm>>
      tpu.wait_dma2 semaphore(%arg12 : memref<!tpu.dma_semaphore, #tpu.memory_space<semaphore_mem>>) src(%dma_wait3A_368 : memref<32xf32, #tpu.memory_space<hbm>>) dst(%dma_wait3A_365 : memref<32xf32, #tpu.memory_space<vmem>>)
      %dma_wait3A_369 = arith.constant 0 : i32
      %dma_wait3A_370 = arith.constant 0 : i32
      %dma_wait3A_371 = arith.constant 0 : i32
      %dma_wait3A_372 = tpu.memref_slice %arg11[%dma_wait3A_370, %dma_wait3A_371] : memref<128x128xf32, #tpu.memory_space<vmem>> -> memref<1x32xf32, #tpu.memory_space<vmem>>
      %dma_wait3A_373 = tpu.memref_squeeze %dma_wait3A_372 : memref<1x32xf32, #tpu.memory_space<vmem>> -> memref<32xf32, #tpu.memory_space<vmem>>
      %dma_wait3A_374 = arith.constant 0 : i32
      %dma_wait3A_375 = tpu.memref_slice %arg5[%dma_wait3A_369, %dma_wait3A_374] : memref<1000000x32xf32, #tpu.memory_space<hbm>> -> memref<1x32xf32, #tpu.memory_space<hbm>>
      %dma_wait3A_376 = tpu.memref_squeeze %dma_wait3A_375 : memref<1x32xf32, #tpu.memory_space<hbm>> -> memref<32xf32, #tpu.memory_space<hbm>>
      %dma_wait3A_377 = arith.constant 0 : i32
      %dma_wait3A_378 = tpu.memref_slice %arg11[%dma_wait3A_370, %dma_wait3A_377] : memref<128x128xf32, #tpu.memory_space<vmem>> -> memref<1x32xf32, #tpu.memory_space<vmem>>
      %dma_wait3A_379 = tpu.memref_squeeze %dma_wait3A_378 : memref<1x32xf32, #tpu.memory_space<vmem>> -> memref<32xf32, #tpu.memory_space<vmem>>
      %dma_wait3A_380 = arith.constant 0 : i32
      %dma_wait3A_381 = tpu.memref_slice %arg5[%dma_wait3A_369, %dma_wait3A_380] : memref<1000000x32xf32, #tpu.memory_space<hbm>> -> memref<1x32xf32, #tpu.memory_space<hbm>>
      %dma_wait3A_382 = tpu.memref_squeeze %dma_wait3A_381 : memref<1x32xf32, #tpu.memory_space<hbm>> -> memref<32xf32, #tpu.memory_space<hbm>>
      tpu.wait_dma2 semaphore(%arg13 : memref<!tpu.dma_semaphore, #tpu.memory_space<semaphore_mem>>) src(%dma_wait3A_382 : memref<32xf32, #tpu.memory_space<hbm>>) dst(%dma_wait3A_379 : memref<32xf32, #tpu.memory_space<vmem>>)
      %dma_wait3A_383 = arith.constant 0 : i32
      %dma_wait3A_384 = arith.constant 0 : i32
      %dma_wait3A_385 = arith.constant 0 : i32
      %dma_wait3A_386 = tpu.memref_slice %arg10[%dma_wait3A_384, %dma_wait3A_385] : memref<128x128xf32, #tpu.memory_space<vmem>> -> memref<1x32xf32, #tpu.memory_space<vmem>>
      %dma_wait3A_387 = tpu.memref_squeeze %dma_wait3A_386 : memref<1x32xf32, #tpu.memory_space<vmem>> -> memref<32xf32, #tpu.memory_space<vmem>>
      %dma_wait3A_388 = arith.constant 0 : i32
      %dma_wait3A_389 = tpu.memref_slice %arg4[%dma_wait3A_383, %dma_wait3A_388] : memref<1000000x32xf32, #tpu.memory_space<hbm>> -> memref<1x32xf32, #tpu.memory_space<hbm>>
      %dma_wait3A_390 = tpu.memref_squeeze %dma_wait3A_389 : memref<1x32xf32, #tpu.memory_space<hbm>> -> memref<32xf32, #tpu.memory_space<hbm>>
      %dma_wait3A_391 = arith.constant 0 : i32
      %dma_wait3A_392 = tpu.memref_slice %arg10[%dma_wait3A_384, %dma_wait3A_391] : memref<128x128xf32, #tpu.memory_space<vmem>> -> memref<1x32xf32, #tpu.memory_space<vmem>>
      %dma_wait3A_393 = tpu.memref_squeeze %dma_wait3A_392 : memref<1x32xf32, #tpu.memory_space<vmem>> -> memref<32xf32, #tpu.memory_space<vmem>>
      %dma_wait3A_394 = arith.constant 0 : i32
      %dma_wait3A_395 = tpu.memref_slice %arg4[%dma_wait3A_383, %dma_wait3A_394] : memref<1000000x32xf32, #tpu.memory_space<hbm>> -> memref<1x32xf32, #tpu.memory_space<hbm>>
      %dma_wait3A_396 = tpu.memref_squeeze %dma_wait3A_395 : memref<1x32xf32, #tpu.memory_space<hbm>> -> memref<32xf32, #tpu.memory_space<hbm>>
      tpu.wait_dma2 semaphore(%arg12 : memref<!tpu.dma_semaphore, #tpu.memory_space<semaphore_mem>>) src(%dma_wait3A_396 : memref<32xf32, #tpu.memory_space<hbm>>) dst(%dma_wait3A_393 : memref<32xf32, #tpu.memory_space<vmem>>)
      %dma_wait3A_397 = arith.constant 0 : i32
      %dma_wait3A_398 = arith.constant 0 : i32
      %dma_wait3A_399 = arith.constant 0 : i32
      %dma_wait3A_400 = tpu.memref_slice %arg11[%dma_wait3A_398, %dma_wait3A_399] : memref<128x128xf32, #tpu.memory_space<vmem>> -> memref<1x32xf32, #tpu.memory_space<vmem>>
      %dma_wait3A_401 = tpu.memref_squeeze %dma_wait3A_400 : memref<1x32xf32, #tpu.memory_space<vmem>> -> memref<32xf32, #tpu.memory_space<vmem>>
      %dma_wait3A_402 = arith.constant 0 : i32
      %dma_wait3A_403 = tpu.memref_slice %arg5[%dma_wait3A_397, %dma_wait3A_402] : memref<1000000x32xf32, #tpu.memory_space<hbm>> -> memref<1x32xf32, #tpu.memory_space<hbm>>
      %dma_wait3A_404 = tpu.memref_squeeze %dma_wait3A_403 : memref<1x32xf32, #tpu.memory_space<hbm>> -> memref<32xf32, #tpu.memory_space<hbm>>
      %dma_wait3A_405 = arith.constant 0 : i32
      %dma_wait3A_406 = tpu.memref_slice %arg11[%dma_wait3A_398, %dma_wait3A_405] : memref<128x128xf32, #tpu.memory_space<vmem>> -> memref<1x32xf32, #tpu.memory_space<vmem>>
      %dma_wait3A_407 = tpu.memref_squeeze %dma_wait3A_406 : memref<1x32xf32, #tpu.memory_space<vmem>> -> memref<32xf32, #tpu.memory_space<vmem>>
      %dma_wait3A_408 = arith.constant 0 : i32
      %dma_wait3A_409 = tpu.memref_slice %arg5[%dma_wait3A_397, %dma_wait3A_408] : memref<1000000x32xf32, #tpu.memory_space<hbm>> -> memref<1x32xf32, #tpu.memory_space<hbm>>
      %dma_wait3A_410 = tpu.memref_squeeze %dma_wait3A_409 : memref<1x32xf32, #tpu.memory_space<hbm>> -> memref<32xf32, #tpu.memory_space<hbm>>
      tpu.wait_dma2 semaphore(%arg13 : memref<!tpu.dma_semaphore, #tpu.memory_space<semaphore_mem>>) src(%dma_wait3A_410 : memref<32xf32, #tpu.memory_space<hbm>>) dst(%dma_wait3A_407 : memref<32xf32, #tpu.memory_space<vmem>>)
      %dma_wait3A_411 = arith.constant 0 : i32
      %dma_wait3A_412 = arith.constant 0 : i32
      %dma_wait3A_413 = arith.constant 0 : i32
      %dma_wait3A_414 = tpu.memref_slice %arg10[%dma_wait3A_412, %dma_wait3A_413] : memref<128x128xf32, #tpu.memory_space<vmem>> -> memref<1x32xf32, #tpu.memory_space<vmem>>
      %dma_wait3A_415 = tpu.memref_squeeze %dma_wait3A_414 : memref<1x32xf32, #tpu.memory_space<vmem>> -> memref<32xf32, #tpu.memory_space<vmem>>
      %dma_wait3A_416 = arith.constant 0 : i32
      %dma_wait3A_417 = tpu.memref_slice %arg4[%dma_wait3A_411, %dma_wait3A_416] : memref<1000000x32xf32, #tpu.memory_space<hbm>> -> memref<1x32xf32, #tpu.memory_space<hbm>>
      %dma_wait3A_418 = tpu.memref_squeeze %dma_wait3A_417 : memref<1x32xf32, #tpu.memory_space<hbm>> -> memref<32xf32, #tpu.memory_space<hbm>>
      %dma_wait3A_419 = arith.constant 0 : i32
      %dma_wait3A_420 = tpu.memref_slice %arg10[%dma_wait3A_412, %dma_wait3A_419] : memref<128x128xf32, #tpu.memory_space<vmem>> -> memref<1x32xf32, #tpu.memory_space<vmem>>
      %dma_wait3A_421 = tpu.memref_squeeze %dma_wait3A_420 : memref<1x32xf32, #tpu.memory_space<vmem>> -> memref<32xf32, #tpu.memory_space<vmem>>
      %dma_wait3A_422 = arith.constant 0 : i32
      %dma_wait3A_423 = tpu.memref_slice %arg4[%dma_wait3A_411, %dma_wait3A_422] : memref<1000000x32xf32, #tpu.memory_space<hbm>> -> memref<1x32xf32, #tpu.memory_space<hbm>>
      %dma_wait3A_424 = tpu.memref_squeeze %dma_wait3A_423 : memref<1x32xf32, #tpu.memory_space<hbm>> -> memref<32xf32, #tpu.memory_space<hbm>>
      tpu.wait_dma2 semaphore(%arg12 : memref<!tpu.dma_semaphore, #tpu.memory_space<semaphore_mem>>) src(%dma_wait3A_424 : memref<32xf32, #tpu.memory_space<hbm>>) dst(%dma_wait3A_421 : memref<32xf32, #tpu.memory_space<vmem>>)
      %dma_wait3A_425 = arith.constant 0 : i32
      %dma_wait3A_426 = arith.constant 0 : i32
      %dma_wait3A_427 = arith.constant 0 : i32
      %dma_wait3A_428 = tpu.memref_slice %arg11[%dma_wait3A_426, %dma_wait3A_427] : memref<128x128xf32, #tpu.memory_space<vmem>> -> memref<1x32xf32, #tpu.memory_space<vmem>>
      %dma_wait3A_429 = tpu.memref_squeeze %dma_wait3A_428 : memref<1x32xf32, #tpu.memory_space<vmem>> -> memref<32xf32, #tpu.memory_space<vmem>>
      %dma_wait3A_430 = arith.constant 0 : i32
      %dma_wait3A_431 = tpu.memref_slice %arg5[%dma_wait3A_425, %dma_wait3A_430] : memref<1000000x32xf32, #tpu.memory_space<hbm>> -> memref<1x32xf32, #tpu.memory_space<hbm>>
      %dma_wait3A_432 = tpu.memref_squeeze %dma_wait3A_431 : memref<1x32xf32, #tpu.memory_space<hbm>> -> memref<32xf32, #tpu.memory_space<hbm>>
      %dma_wait3A_433 = arith.constant 0 : i32
      %dma_wait3A_434 = tpu.memref_slice %arg11[%dma_wait3A_426, %dma_wait3A_433] : memref<128x128xf32, #tpu.memory_space<vmem>> -> memref<1x32xf32, #tpu.memory_space<vmem>>
      %dma_wait3A_435 = tpu.memref_squeeze %dma_wait3A_434 : memref<1x32xf32, #tpu.memory_space<vmem>> -> memref<32xf32, #tpu.memory_space<vmem>>
      %dma_wait3A_436 = arith.constant 0 : i32
      %dma_wait3A_437 = tpu.memref_slice %arg5[%dma_wait3A_425, %dma_wait3A_436] : memref<1000000x32xf32, #tpu.memory_space<hbm>> -> memref<1x32xf32, #tpu.memory_space<hbm>>
      %dma_wait3A_438 = tpu.memref_squeeze %dma_wait3A_437 : memref<1x32xf32, #tpu.memory_space<hbm>> -> memref<32xf32, #tpu.memory_space<hbm>>
      tpu.wait_dma2 semaphore(%arg13 : memref<!tpu.dma_semaphore, #tpu.memory_space<semaphore_mem>>) src(%dma_wait3A_438 : memref<32xf32, #tpu.memory_space<hbm>>) dst(%dma_wait3A_435 : memref<32xf32, #tpu.memory_space<vmem>>)
      %dma_wait3A_439 = arith.constant 0 : i32
      %dma_wait3A_440 = arith.constant 0 : i32
      %dma_wait3A_441 = arith.constant 0 : i32
      %dma_wait3A_442 = tpu.memref_slice %arg10[%dma_wait3A_440, %dma_wait3A_441] : memref<128x128xf32, #tpu.memory_space<vmem>> -> memref<1x32xf32, #tpu.memory_space<vmem>>
      %dma_wait3A_443 = tpu.memref_squeeze %dma_wait3A_442 : memref<1x32xf32, #tpu.memory_space<vmem>> -> memref<32xf32, #tpu.memory_space<vmem>>
      %dma_wait3A_444 = arith.constant 0 : i32
      %dma_wait3A_445 = tpu.memref_slice %arg4[%dma_wait3A_439, %dma_wait3A_444] : memref<1000000x32xf32, #tpu.memory_space<hbm>> -> memref<1x32xf32, #tpu.memory_space<hbm>>
      %dma_wait3A_446 = tpu.memref_squeeze %dma_wait3A_445 : memref<1x32xf32, #tpu.memory_space<hbm>> -> memref<32xf32, #tpu.memory_space<hbm>>
      %dma_wait3A_447 = arith.constant 0 : i32
      %dma_wait3A_448 = tpu.memref_slice %arg10[%dma_wait3A_440, %dma_wait3A_447] : memref<128x128xf32, #tpu.memory_space<vmem>> -> memref<1x32xf32, #tpu.memory_space<vmem>>
      %dma_wait3A_449 = tpu.memref_squeeze %dma_wait3A_448 : memref<1x32xf32, #tpu.memory_space<vmem>> -> memref<32xf32, #tpu.memory_space<vmem>>
      %dma_wait3A_450 = arith.constant 0 : i32
      %dma_wait3A_451 = tpu.memref_slice %arg4[%dma_wait3A_439, %dma_wait3A_450] : memref<1000000x32xf32, #tpu.memory_space<hbm>> -> memref<1x32xf32, #tpu.memory_space<hbm>>
      %dma_wait3A_452 = tpu.memref_squeeze %dma_wait3A_451 : memref<1x32xf32, #tpu.memory_space<hbm>> -> memref<32xf32, #tpu.memory_space<hbm>>
      tpu.wait_dma2 semaphore(%arg12 : memref<!tpu.dma_semaphore, #tpu.memory_space<semaphore_mem>>) src(%dma_wait3A_452 : memref<32xf32, #tpu.memory_space<hbm>>) dst(%dma_wait3A_449 : memref<32xf32, #tpu.memory_space<vmem>>)
      %dma_wait3A_453 = arith.constant 0 : i32
      %dma_wait3A_454 = arith.constant 0 : i32
      %dma_wait3A_455 = arith.constant 0 : i32
      %dma_wait3A_456 = tpu.memref_slice %arg11[%dma_wait3A_454, %dma_wait3A_455] : memref<128x128xf32, #tpu.memory_space<vmem>> -> memref<1x32xf32, #tpu.memory_space<vmem>>
      %dma_wait3A_457 = tpu.memref_squeeze %dma_wait3A_456 : memref<1x32xf32, #tpu.memory_space<vmem>> -> memref<32xf32, #tpu.memory_space<vmem>>
      %dma_wait3A_458 = arith.constant 0 : i32
      %dma_wait3A_459 = tpu.memref_slice %arg5[%dma_wait3A_453, %dma_wait3A_458] : memref<1000000x32xf32, #tpu.memory_space<hbm>> -> memref<1x32xf32, #tpu.memory_space<hbm>>
      %dma_wait3A_460 = tpu.memref_squeeze %dma_wait3A_459 : memref<1x32xf32, #tpu.memory_space<hbm>> -> memref<32xf32, #tpu.memory_space<hbm>>
      %dma_wait3A_461 = arith.constant 0 : i32
      %dma_wait3A_462 = tpu.memref_slice %arg11[%dma_wait3A_454, %dma_wait3A_461] : memref<128x128xf32, #tpu.memory_space<vmem>> -> memref<1x32xf32, #tpu.memory_space<vmem>>
      %dma_wait3A_463 = tpu.memref_squeeze %dma_wait3A_462 : memref<1x32xf32, #tpu.memory_space<vmem>> -> memref<32xf32, #tpu.memory_space<vmem>>
      %dma_wait3A_464 = arith.constant 0 : i32
      %dma_wait3A_465 = tpu.memref_slice %arg5[%dma_wait3A_453, %dma_wait3A_464] : memref<1000000x32xf32, #tpu.memory_space<hbm>> -> memref<1x32xf32, #tpu.memory_space<hbm>>
      %dma_wait3A_466 = tpu.memref_squeeze %dma_wait3A_465 : memref<1x32xf32, #tpu.memory_space<hbm>> -> memref<32xf32, #tpu.memory_space<hbm>>
      tpu.wait_dma2 semaphore(%arg13 : memref<!tpu.dma_semaphore, #tpu.memory_space<semaphore_mem>>) src(%dma_wait3A_466 : memref<32xf32, #tpu.memory_space<hbm>>) dst(%dma_wait3A_463 : memref<32xf32, #tpu.memory_space<vmem>>)
      %scan3A_467 = arith.constant 0 : i32
      scf.yield %scan3A_467 : i32
    }
    %scan3A_13 = arith.constant 32 : i32
    %mul3A_14 = arith.constant 128 : i32
    %mul3A_15 = arith.muli %add3A, %mul3A_14 : i32
    "tpu.region"() ({
      %run_scoped3A = tpu.sem_alloc : memref<!tpu.dma_semaphore, #tpu.memory_space<semaphore_mem>>
      %dma_start3A = arith.constant 0 : i32
      %dma_start3A_18 = tpu.memref_slice %arg6[%mul3A_15, %dma_start3A] : memref<4096x128xf32, #tpu.memory_space<hbm>> -> memref<128x128xf32, #tpu.memory_space<hbm>>
      %dma_start3A_19 = arith.constant 0 : i32
      %dma_start3A_20 = tpu.memref_slice %arg6[%mul3A_15, %dma_start3A_19] : memref<4096x128xf32, #tpu.memory_space<hbm>> -> memref<128x128xf32, #tpu.memory_space<hbm>>
      tpu.enqueue_dma source(%arg10 : memref<128x128xf32, #tpu.memory_space<vmem>>) target(%dma_start3A_20 : memref<128x128xf32, #tpu.memory_space<hbm>>) target_semaphore(%run_scoped3A : memref<!tpu.dma_semaphore, #tpu.memory_space<semaphore_mem>>)
      %dma_wait3A = arith.constant 0 : i32
      %dma_wait3A_21 = tpu.memref_slice %arg6[%mul3A_15, %dma_wait3A] : memref<4096x128xf32, #tpu.memory_space<hbm>> -> memref<128x128xf32, #tpu.memory_space<hbm>>
      %dma_wait3A_22 = arith.constant 0 : i32
      %dma_wait3A_23 = tpu.memref_slice %arg6[%mul3A_15, %dma_wait3A_22] : memref<4096x128xf32, #tpu.memory_space<hbm>> -> memref<128x128xf32, #tpu.memory_space<hbm>>
      tpu.wait_dma2 semaphore(%run_scoped3A : memref<!tpu.dma_semaphore, #tpu.memory_space<semaphore_mem>>) src(%arg10 : memref<128x128xf32, #tpu.memory_space<vmem>>) dst(%dma_wait3A_23 : memref<128x128xf32, #tpu.memory_space<hbm>>)
      tpu.yield
    }) : () -> ()
    %mul3A_16 = arith.constant 128 : i32
    %mul3A_17 = arith.muli %add3A, %mul3A_16 : i32
    "tpu.region"() ({
      %run_scoped3A = tpu.sem_alloc : memref<!tpu.dma_semaphore, #tpu.memory_space<semaphore_mem>>
      %dma_start3A = arith.constant 0 : i32
      %dma_start3A_18 = tpu.memref_slice %arg7[%mul3A_17, %dma_start3A] : memref<4096x128xf32, #tpu.memory_space<hbm>> -> memref<128x128xf32, #tpu.memory_space<hbm>>
      %dma_start3A_19 = arith.constant 0 : i32
      %dma_start3A_20 = tpu.memref_slice %arg7[%mul3A_17, %dma_start3A_19] : memref<4096x128xf32, #tpu.memory_space<hbm>> -> memref<128x128xf32, #tpu.memory_space<hbm>>
      tpu.enqueue_dma source(%arg11 : memref<128x128xf32, #tpu.memory_space<vmem>>) target(%dma_start3A_20 : memref<128x128xf32, #tpu.memory_space<hbm>>) target_semaphore(%run_scoped3A : memref<!tpu.dma_semaphore, #tpu.memory_space<semaphore_mem>>)
      %dma_wait3A = arith.constant 0 : i32
      %dma_wait3A_21 = tpu.memref_slice %arg7[%mul3A_17, %dma_wait3A] : memref<4096x128xf32, #tpu.memory_space<hbm>> -> memref<128x128xf32, #tpu.memory_space<hbm>>
      %dma_wait3A_22 = arith.constant 0 : i32
      %dma_wait3A_23 = tpu.memref_slice %arg7[%mul3A_17, %dma_wait3A_22] : memref<4096x128xf32, #tpu.memory_space<hbm>> -> memref<128x128xf32, #tpu.memory_space<hbm>>
      tpu.wait_dma2 semaphore(%run_scoped3A : memref<!tpu.dma_semaphore, #tpu.memory_space<semaphore_mem>>) src(%arg11 : memref<128x128xf32, #tpu.memory_space<vmem>>) dst(%dma_wait3A_23 : memref<128x128xf32, #tpu.memory_space<hbm>>)
      tpu.yield
    }) : () -> ()
    return
  }
}

module attributes {stable_mosaic.version = 14 : i64} {
  func.func @_mlp_body(%arg0: i32, %arg1: memref<512x128xf32, #tpu.memory_space<vmem>>, %arg2: memref<512x128xf32, #tpu.memory_space<vmem>>, %arg3: memref<128x256xf32, #tpu.memory_space<vmem>>, %arg4: memref<128x256xf32, #tpu.memory_space<vmem>>, %arg5: memref<1x256xf32, #tpu.memory_space<vmem>>, %arg6: memref<256x128xf32, #tpu.memory_space<vmem>>, %arg7: memref<1x128xf32, #tpu.memory_space<vmem>>, %arg8: memref<128x4xf32, #tpu.memory_space<vmem>>, %arg9: memref<1x4xf32, #tpu.memory_space<vmem>>, %arg10: memref<512x4xf32, #tpu.memory_space<vmem>>) attributes {dimension_semantics = [#tpu.dimension_semantics<arbitrary>], iteration_bounds = array<i64: 8>, scalar_prefetch = 0 : i64, scratch_operands = 0 : i64, tpu.core_type = #tpu.core_type<tc>, window_params = [{transform_indices = @transform_0, window_bounds = array<i64: 512, 128>}, {transform_indices = @transform_1, window_bounds = array<i64: 512, 128>}, {pipeline_mode = #tpu.pipeline_mode<synchronous>, transform_indices = @transform_2, window_bounds = array<i64: 128, 256>}, {pipeline_mode = #tpu.pipeline_mode<synchronous>, transform_indices = @transform_3, window_bounds = array<i64: 128, 256>}, {pipeline_mode = #tpu.pipeline_mode<synchronous>, transform_indices = @transform_4, window_bounds = array<i64: 1, 256>}, {pipeline_mode = #tpu.pipeline_mode<synchronous>, transform_indices = @transform_5, window_bounds = array<i64: 256, 128>}, {pipeline_mode = #tpu.pipeline_mode<synchronous>, transform_indices = @transform_6, window_bounds = array<i64: 1, 128>}, {pipeline_mode = #tpu.pipeline_mode<synchronous>, transform_indices = @transform_7, window_bounds = array<i64: 128, 4>}, {pipeline_mode = #tpu.pipeline_mode<synchronous>, transform_indices = @transform_8, window_bounds = array<i64: 1, 4>}, {transform_indices = @transform_9, window_bounds = array<i64: 512, 4>}]} {
    %get3A = arith.constant 0 : index
    %get3A_0 = arith.constant 0 : index
    %get3A_1 = vector.load %arg1[%get3A, %get3A_0] : memref<512x128xf32, #tpu.memory_space<vmem>>, vector<512x128xf32>
    %get3A_2 = arith.constant 0 : index
    %get3A_3 = arith.constant 0 : index
    %get3A_4 = vector.load %arg3[%get3A_2, %get3A_3] : memref<128x256xf32, #tpu.memory_space<vmem>>, vector<128x256xf32>
    %dot_general3A = arith.constant dense<0.000000e+00> : vector<512x256xf32>
    %dot_general3A_5 = tpu.matmul %get3A_1, %get3A_4, %dot_general3A {dimension_numbers = #tpu.dot_dimension_numbers<[1], [0], [0], [1], [0, 0, 1, 1], [], []>, transpose_lhs_hint = false} : vector<512x128xf32>, vector<128x256xf32>, vector<512x256xf32> -> vector<512x256xf32>
    %get3A_6 = arith.constant 0 : index
    %get3A_7 = arith.constant 0 : index
    %get3A_8 = vector.load %arg2[%get3A_6, %get3A_7] : memref<512x128xf32, #tpu.memory_space<vmem>>, vector<512x128xf32>
    %get3A_9 = arith.constant 0 : index
    %get3A_10 = arith.constant 0 : index
    %get3A_11 = vector.load %arg4[%get3A_9, %get3A_10] : memref<128x256xf32, #tpu.memory_space<vmem>>, vector<128x256xf32>
    %dot_general3A_12 = arith.constant dense<0.000000e+00> : vector<512x256xf32>
    %dot_general3A_13 = tpu.matmul %get3A_8, %get3A_11, %dot_general3A_12 {dimension_numbers = #tpu.dot_dimension_numbers<[1], [0], [0], [1], [0, 0, 1, 1], [], []>, transpose_lhs_hint = false} : vector<512x128xf32>, vector<128x256xf32>, vector<512x256xf32> -> vector<512x256xf32>
    %add3A = arith.addf %dot_general3A_5, %dot_general3A_13 : vector<512x256xf32>
    %get3A_14 = arith.constant 0 : index
    %get3A_15 = arith.constant 0 : index
    %get3A_16 = vector.load %arg5[%get3A_14, %get3A_15] : memref<1x256xf32, #tpu.memory_space<vmem>>, vector<1x256xf32>
    %add3A_17 = vector.broadcast %get3A_16 : vector<1x256xf32> to vector<512x256xf32>
    %add3A_18 = arith.addf %add3A, %add3A_17 : vector<512x256xf32>
    %max3A = arith.constant 0.000000e+00 : f32
    %max3A_19 = vector.broadcast %max3A : f32 to vector<512x256xf32>
    %max3A_20 = arith.maximumf %add3A_18, %max3A_19 : vector<512x256xf32>
    %get3A_21 = arith.constant 0 : index
    %get3A_22 = arith.constant 0 : index
    %get3A_23 = vector.load %arg6[%get3A_21, %get3A_22] : memref<256x128xf32, #tpu.memory_space<vmem>>, vector<256x128xf32>
    %dot_general3A_24 = arith.constant dense<0.000000e+00> : vector<512x128xf32>
    %dot_general3A_25 = tpu.matmul %max3A_20, %get3A_23, %dot_general3A_24 {dimension_numbers = #tpu.dot_dimension_numbers<[1], [0], [0], [1], [0, 0, 1, 1], [], []>, transpose_lhs_hint = false} : vector<512x256xf32>, vector<256x128xf32>, vector<512x128xf32> -> vector<512x128xf32>
    %get3A_26 = arith.constant 0 : index
    %get3A_27 = arith.constant 0 : index
    %get3A_28 = vector.load %arg7[%get3A_26, %get3A_27] : memref<1x128xf32, #tpu.memory_space<vmem>>, vector<1x128xf32>
    %add3A_29 = vector.broadcast %get3A_28 : vector<1x128xf32> to vector<512x128xf32>
    %add3A_30 = arith.addf %dot_general3A_25, %add3A_29 : vector<512x128xf32>
    %max3A_31 = arith.constant 0.000000e+00 : f32
    %max3A_32 = vector.broadcast %max3A_31 : f32 to vector<512x128xf32>
    %max3A_33 = arith.maximumf %add3A_30, %max3A_32 : vector<512x128xf32>
    %get3A_34 = arith.constant 0 : index
    %get3A_35 = arith.constant 0 : index
    %get3A_36 = vector.load %arg8[%get3A_34, %get3A_35] : memref<128x4xf32, #tpu.memory_space<vmem>>, vector<128x4xf32>
    %dot_general3A_37 = arith.constant dense<0.000000e+00> : vector<512x4xf32>
    %dot_general3A_38 = tpu.matmul %max3A_33, %get3A_36, %dot_general3A_37 {dimension_numbers = #tpu.dot_dimension_numbers<[1], [0], [0], [1], [0, 0, 1, 1], [], []>, transpose_lhs_hint = false} : vector<512x128xf32>, vector<128x4xf32>, vector<512x4xf32> -> vector<512x4xf32>
    %get3A_39 = arith.constant 0 : index
    %get3A_40 = arith.constant 0 : index
    %get3A_41 = vector.load %arg9[%get3A_39, %get3A_40] : memref<1x4xf32, #tpu.memory_space<vmem>>, vector<1x4xf32>
    %add3A_42 = vector.broadcast %get3A_41 : vector<1x4xf32> to vector<512x4xf32>
    %add3A_43 = arith.addf %dot_general3A_38, %add3A_42 : vector<512x4xf32>
    %logistic3A = arith.negf %add3A_43 : vector<512x4xf32>
    %logistic3A_44 = math.exp %logistic3A : vector<512x4xf32>
    %logistic3A_45 = arith.constant 1.000000e+00 : f32
    %logistic3A_46 = vector.broadcast %logistic3A_45 : f32 to vector<512x4xf32>
    %logistic3A_47 = arith.addf %logistic3A_46, %logistic3A_44 : vector<512x4xf32>
    %logistic3A_48 = arith.divf %logistic3A_46, %logistic3A_47 : vector<512x4xf32>
    %swap3A = arith.constant 0 : index
    %swap3A_49 = arith.constant 0 : index
    %swap3A_50 = vector.load %arg10[%swap3A, %swap3A_49] : memref<512x4xf32, #tpu.memory_space<vmem>>, vector<512x4xf32>
    tpu.vector_store %arg10[%swap3A, %swap3A_49], %logistic3A_48 {strides = array<i32>} : memref<512x4xf32, #tpu.memory_space<vmem>>, vector<512x4xf32>,
    return
  }
  func.func @transform_0(%arg0: i32) -> (i32, i32) {
    %c0_i32 = arith.constant 0 : i32
    %c0_i32_0 = arith.constant 0 : i32
    return %arg0, %c0_i32 : i32, i32
  }
  func.func @transform_1(%arg0: i32) -> (i32, i32) {
    %c0_i32 = arith.constant 0 : i32
    %c0_i32_0 = arith.constant 0 : i32
    return %arg0, %c0_i32 : i32, i32
  }
  func.func @transform_2(%arg0: i32) -> (i32, i32) {
    %c0_i32 = arith.constant 0 : i32
    %c0_i32_0 = arith.constant 0 : i32
    %c0_i32_1 = arith.constant 0 : i32
    return %c0_i32, %c0_i32_0 : i32, i32
  }
  func.func @transform_3(%arg0: i32) -> (i32, i32) {
    %c0_i32 = arith.constant 0 : i32
    %c0_i32_0 = arith.constant 0 : i32
    %c0_i32_1 = arith.constant 0 : i32
    return %c0_i32, %c0_i32_0 : i32, i32
  }
  func.func @transform_4(%arg0: i32) -> (i32, i32) {
    %c0_i32 = arith.constant 0 : i32
    %c0_i32_0 = arith.constant 0 : i32
    %c0_i32_1 = arith.constant 0 : i32
    return %c0_i32, %c0_i32_0 : i32, i32
  }
  func.func @transform_5(%arg0: i32) -> (i32, i32) {
    %c0_i32 = arith.constant 0 : i32
    %c0_i32_0 = arith.constant 0 : i32
    %c0_i32_1 = arith.constant 0 : i32
    return %c0_i32, %c0_i32_0 : i32, i32
  }
  func.func @transform_6(%arg0: i32) -> (i32, i32) {
    %c0_i32 = arith.constant 0 : i32
    %c0_i32_0 = arith.constant 0 : i32
    %c0_i32_1 = arith.constant 0 : i32
    return %c0_i32, %c0_i32_0 : i32, i32
  }
  func.func @transform_7(%arg0: i32) -> (i32, i32) {
    %c0_i32 = arith.constant 0 : i32
    %c0_i32_0 = arith.constant 0 : i32
    %c0_i32_1 = arith.constant 0 : i32
    return %c0_i32, %c0_i32_0 : i32, i32
  }
  func.func @transform_8(%arg0: i32) -> (i32, i32) {
    %c0_i32 = arith.constant 0 : i32
    %c0_i32_0 = arith.constant 0 : i32
    %c0_i32_1 = arith.constant 0 : i32
    return %c0_i32, %c0_i32_0 : i32, i32
  }
  func.func @transform_9(%arg0: i32) -> (i32, i32) {
    %c0_i32 = arith.constant 0 : i32
    %c0_i32_0 = arith.constant 0 : i32
    return %arg0, %c0_i32 : i32, i32
  }
}

</mosaic_0001>

<sc_bundles>
// kernel: kernel.4.cloned.1.call-start
scs
__scs_entry_jumppad:
0x0: {  	(pc) =	sbr.rel $0x88, $3  }
0x1: {  	(tag) =	ssettag $0x0;
	lr =	simm.s32 $0x1  }
0x2: {  	[smem:$0x3F97] =	sst lr;
	_ =	strace $0xD0000000  }
0x3: {  	_ = 	snop  }
0x4: {  	_ = 	snop  }
0x5: {  	_ = 	snop  }
0x6: {  	_ = 	snop  }
0x7: {  	_ = 	snop  }
__scs_overlays_trampoline_lowered:
0x8: {  	[smem:$0x3FA6] =	sst s0  }
0x9: {  	[smem:$0x3FA7] =	sst s1  }
0xa: {  	[smem:$0x3FA8] =	sst s2  }
0xb: {  	[smem:$0x3FA9] =	sst s3  }
0xc: {  	[smem:$0x3FAA] =	sst s4  }
0xd: {  	[smem:$0x3FAB] =	sst s5  }
0xe: {  	[smem:$0x3FAC] =	sst s6  }
0xf: {  	[smem:$0x3FAD] =	sst s7  }
0x10: {  	[smem:$0x3FAE] =	sst s8  }
0x11: {  	[smem:$0x3FAF] =	sst s9;
	s0 =	simm.s32 @!p0 $0x0  }
0x12: {  	s1 =	sld [smem:$0x3F95];
	s0 =	simm.s32 @p0 $0x1  }
0x13: {  	[smem:$0x3FB0] =	sst s0;
	s0 =	simm.s32 @!p1 $0x0  }
0x14: {  	s2 =	sld [smem:$0x3F94];
	s0 =	simm.s32 @p1 $0x1  }
0x15: {  	[smem:$0x3FB1] =	sst s0;
	s0 =	simm.s32 @!p2 $0x0  }
0x16: {  	s3 =	sld [smem:$0x3FDB];
	s0 =	simm.s32 @p2 $0x1  }
0x17: {  	s4 =	simm.s32 $0x1BF5;
	[smem:$0x3FB3] =	sst s0  }
0x18: {  	s0 =	sld [smem:$0x3F96];
	_ =	swait.ge [sflag:s4], $0x0  }
0x19: {  	s7 =	sld [smem:$0x3F97]  }
0x1a: {  	s8 =	sadd.s32 $0xFFFFE003, lr  }
0x1b: {  	s9 =	sadd.s32 $0xFFFFFEF7, lr;
	s5 =	simm.s32 $0xFFFFFFFF;
	p2 =	slt.u32 s8, $0xFFFFF086  }
0x1c: {  	p1 =	slt.u32 s9, $0xF7A;
	s5 =	simm.s32 @!p2 $0x0  }
0x1d: {  	s5 =	simm.s32 @p1 $0x1;
	p0 =	seq.s32 s7, s2  }
0x1e: {  	s7 =	smul.u32 @!p0 $0xF7A, s2;
	p2 =	seq.s32 @!p0 s5, $0x0  }
0x1f: {  	s9 =	smul.u32 $0xF7A, s1;
	s8 =	simm.s32 @!p0 $0x1BF5;
	p2 =	por !p2, p0  }
0x20: {  	[sflag:s8] =	ssyncset.s32 @!p0 $0xFFFFF086;
	s6 =	sadd.s32 @!p0 s3, s7;
	s7 =	simm.s32 @!p0 $0x108  }
0x21: {  	s3 =	sadd.s32 s3, s9;
	s6 =	sadd.s32 @!p0 $0x88, s6;
	s7 =	simm.s32 @p2 $0x1082  }
0x22: {  	[simem:s7], [sflag:s8] =	dma.local @!p0 [hbm:s6], $0xF7A  }
0x23: {  	s9 =	sor.u32 $0xD0000000, s2;
	s6 =	simm.s32 $0x108;
	_ =	swait.ge @!p0 [sflag:s8], $0x0  }
0x24: {  	s3 =	sadd.s32 $0x88, s3;
	s6 =	simm.s32 @!p1 $0x1082;
	[sflag:s4] =	ssyncset.s32 $0xFFFFF086  }
0x25: {  	[simem:s6], [sflag:s4] =	dma.local [hbm:s3], $0xF7A  }
0x26: {  	[smem:$0x3F97] =	sst s1;
	(tag) =	ssettag s2;
	_ =	strace s9  }
0x27: {  	s1 =	sld [smem:$0x3FA7]  }
0x28: {  	s2 =	sld [smem:$0x3FA8]  }
0x29: {  	s4 =	sld [smem:$0x3FAA]  }
0x2a: {  	p0 =	seq.s32 s5, $0x0;
	s5 =	sld [smem:$0x3FAB]  }
0x2b: {  	s6 =	sld [smem:$0x3FAC]  }
0x2c: {  	s7 =	sld [smem:$0x3FAD]  }
0x2d: {  	s3 =	simm.s32 $0x108;
	s8 =	sld [smem:$0x3FAE]  }
0x2e: {  	s3 =	simm.s32 @!p0 $0x1082;
	s9 =	sld [smem:$0x3FAF]  }
0x2f: {  	lr =	sadd.s32 s0, s3;
	s0 =	sld [smem:$0x3FA6]  }
0x30: {  	s3 =	sld [smem:$0x3FA9]  }
0x31: {  	[smem:$0x3FB2] =	sst s10  }
0x32: {  	s10 =	sld [smem:$0x3FB0];
	_ =	sdelay $0x3  }
0x33: {  	p0 =	seq.s32 s10, $0x1;
	s10 =	sld [smem:$0x3FB2];
	_ =	sdelay $0x3  }
0x34: {  	[smem:$0x3FB2] =	sst s10  }
0x35: {  	s10 =	sld [smem:$0x3FB1];
	_ =	sdelay $0x3  }
0x36: {  	p1 =	seq.s32 s10, $0x1;
	s10 =	sld [smem:$0x3FB2];
	_ =	sdelay $0x3  }
0x37: {  	[smem:$0x3FB2] =	sst s10  }
0x38: {  	s10 =	sld [smem:$0x3FB3]  }
0x39: {  	_ = 	snop;
	(pc) =	sbr.ind lr, $3  }
0x3a: {  	_ = 	snop  }
0x3b: {  	_ = 	snop  }
0x3c: {  	p2 =	seq.s32 s10, $0x1;
	s10 =	sld [smem:$0x3FB2]  }
0x3d: {  	_ =	shalt  }
0x3e: {  	_ =	shalt  }
0x3f: {  	_ =	shalt  }
0x40: {  	_ =	shalt  }
0x41: {  	_ =	shalt  }
0x42: {  	_ =	shalt  }
0x43: {  	_ =	shalt  }
0x44: {  	_ =	shalt  }
0x45: {  	_ =	shalt  }
0x46: {  	_ =	shalt  }
0x47: {  	_ =	shalt  }
0x48: {  	_ =	shalt  }
0x49: {  	_ =	shalt  }
0x4a: {  	_ =	shalt  }
0x4b: {  	_ =	shalt  }
0x4c: {  	_ =	shalt  }
0x4d: {  	_ =	shalt  }
0x4e: {  	_ =	shalt  }
0x4f: {  	_ =	shalt  }
0x50: {  	_ =	shalt  }
0x51: {  	_ =	shalt  }
0x52: {  	_ =	shalt  }
0x53: {  	_ =	shalt  }
0x54: {  	_ =	shalt  }
0x55: {  	_ =	shalt  }
0x56: {  	_ =	shalt  }
0x57: {  	_ =	shalt  }
0x58: {  	_ =	shalt  }
0x59: {  	_ =	shalt  }
0x5a: {  	_ =	shalt  }
0x5b: {  	_ =	shalt  }
0x5c: {  	_ =	shalt  }
0x5d: {  	_ =	shalt  }
0x5e: {  	_ =	shalt  }
0x5f: {  	_ =	shalt  }
0x60: {  	_ =	shalt  }
0x61: {  	_ =	shalt  }
0x62: {  	_ =	shalt  }
0x63: {  	_ =	shalt  }
0x64: {  	_ =	shalt  }
0x65: {  	_ =	shalt  }
0x66: {  	_ =	shalt  }
0x67: {  	_ =	shalt  }
0x68: {  	_ =	shalt  }
0x69: {  	_ =	shalt  }
0x6a: {  	_ =	shalt  }
0x6b: {  	_ =	shalt  }
0x6c: {  	_ =	shalt  }
0x6d: {  	_ =	shalt  }
0x6e: {  	_ =	shalt  }
0x6f: {  	_ =	shalt  }
0x70: {  	_ =	shalt  }
0x71: {  	_ =	shalt  }
0x72: {  	_ =	shalt  }
0x73: {  	_ =	shalt  }
0x74: {  	_ =	shalt  }
0x75: {  	_ =	shalt  }
0x76: {  	_ =	shalt  }
0x77: {  	_ =	shalt  }
0x78: {  	_ =	shalt  }
0x79: {  	_ =	shalt  }
0x7a: {  	_ =	shalt  }
0x7b: {  	_ =	shalt  }
0x7c: {  	_ =	shalt  }
0x7d: {  	_ =	shalt  }
0x7e: {  	_ =	shalt  }
0x7f: {  	_ =	shalt  }
0x80: {  	_ =	shalt  }
0x81: {  	_ =	shalt  }
0x82: {  	_ =	shalt  }
0x83: {  	_ =	shalt  }
0x84: {  	_ =	shalt  }
0x85: {  	_ =	shalt  }
0x86: {  	_ =	shalt  }
0x87: {  	_ =	shalt  }
.Lfunc_end0:
.L_simem_size_0:
called_computation_lowered:
.L_overlay_start_0:
0x88: {  	s2 =	sld [smem:$0x3FD9]  }
0x89: {  	s3 =	sld [smem:$0x3FFE];
	_ =	sdelay $0x1  }
0x8a: {  	s1 =	srdreg.scid  }
0x8b: {  	s0 =	sand.u32 $0x1, s1  }
0x8c: {  	s17 =	sshll.u32 s0, $0xA;
	s2 =	sadd.s32 s3, s2  }
0x8d: {  	s2 =	sadd.s32 s2, s17  }
0x8e: {  	[smem:$0x3FBE] =	sst s2  }
0x8f: {  	_ = 	snop  }
0x90: {  	s2 =	sld [smem:$0x3FD0];
	(tm) =	ssettm $0x1  }
0x91: {  	s18 =	sld [smem:$0x3FFB];
	_ =	sdelay $0x3  }
0x92: {  	_ =	strace s18  }
0x93: {  	s3 =	sld [smem:$0x3FFC];
	_ =	sdelay $0x3  }
0x94: {  	_ =	strace s3  }
0x95: {  	s3 =	sld [smem:$0x3FFD];
	_ =	sdelay $0x3  }
0x96: {  	_ =	strace s3  }
0x97: {  	_ =	strace $0x8FFFFFFF  }
0x98: {  	s19 =	sld [smem:$0x3FDB];
	_ =	sdelay $0x1  }
0x99: {  	s4 =	simm.s32 $_scs_section_size  }
0x9a: {  	s5 =	simm.s32 $_size__tile_overlayer_lowered;
	s6 =	simm.s32 $_tile_overlayer_lowered  }
0x9b: {  	s22 =	simm.s32 $0x1BFF;
	s21 =	sshll.u32 s6, $0x1;
	s3 =	sadd.s32 s4, s19  }
0x9c: {  	s7 =	simm.s32 $0x0;
	s20 =	sshll.u32 s5, $0x1;
	s5 =	sadd.s32 s21, s3  }
0x9d: {  	[timem:s7], [sflag:s22] =	dma.local [hbm:s5], s20  }
0x9e: {  	_ =	swait.ge [sflag:s22], s20  }
0x9f: {  	s4 =	ssub.s32 $0x0, s20;
	[sflag:s22] =	ssyncset.done $0x0  }
0xa0: {  	[sflag:s22] =	ssyncadd.s32 s4;
	_ =	sdelay $0x1  }
0xa1: {  	s23 =	simm.s32 $0x1B8B  }
0xa2: {  	_ =	swait.ge [sflag:s23], $0x1  }
0xa3: {  	[sflag:s23] =	ssyncset.done $0x0  }
0xa4: {  	s25 =	simm.s32 $0x1B8E;
	s24 =	sld [smem:$0x3FFE];
	[sflag:s23] =	ssyncadd.s32 $0xFFFFFFFF  }
0xa5: {  	s26 =	simm.s32 $execute0_lowered;
	[smem:$0x3FD2] =	sst s25  }
0xa6: {  	s5 =	sshll.u32 s26, $0x1;
	_ =	strace $0x80000046;
	[dreg:$0x1] =	wrdreg $0xFFFFFFFF  }
0xa7: {  	s28 =	simm.s32 $_size_execute0_lowered;
	s3 =	sadd.s32 s3, s5;
	[dreg:$0x0] =	wrdreg $0x0  }
0xa8: {  	s5 =	sshll.u32 s28, $0x1;
	[dreg:$0x2] =	wrdreg s3  }
0xa9: {  	[dreg:$0x3] =	wrdreg s5  }
0xaa: {  	[dreg:$0x4] =	wrdreg $0xC0  }
0xab: {  	_ =	task [dreg:s7], $0x5FFFF  }
0xac: {  	[dreg:$0x1] =	wrdreg $0xFFFFFFFF  }
0xad: {  	[dreg:$0x0] =	wrdreg $0x60  }
0xae: {  	[dreg:$0x2] =	wrdreg s2  }
0xaf: {  	[dreg:$0x3] =	wrdreg s24  }
0xb0: {  	[dreg:$0x4] =	wrdreg $0x9  }
0xb1: {  	_ =	task.clear_ibuf [dreg:s7], $0x5FFFF;
	_ =	strace $0x90000046  }
0xb2: {  	s29 =	simm.s32 $0x9;
	_ =	strace $0x80000048  }
0xb3: {  	_ =	swait.ge [sflag:s29], $0x1  }
0xb4: {  	[sflag:s29] =	ssyncadd.s32 $0xFFFFFFFF  }
0xb5: {  	_ =	strace $0x90000048  }
0xb6: {  	_ =	sfence  }
0xb7: {  	s30 =	sld [smem:$0x0];
	_ =	sdelay $0x2  }
0xb8: {  	s31 =	sshll.u32 s1, $0xD;
	s1 =	sshrl.u32 s1, $0x2  }
0xb9: {  	s3 =	sand.u32 $0x4000, s31;
	s1 =	sadd.s32 s1, s30  }
0xba: {  	s0 =	sor.u32 s3, s0;
	s1 =	sshll.u32 s1, $0x11  }
0xbb: {  	s0 =	sor.u32 s1, s0  }
0xbc: {  	s0 =	sadd.s32 $0x8F2B, s0  }
0xbd: {  	[sflag:s0] =	ssyncadd.remote.s32 $0x1  }
0xbe: {  	_ =	sfence.sel $0xFFFF  }
0xbf: {  	[dreg:$0x0] =	wrdreg $0xFFFFFFFF;
	(pc) =	sbr.abs _section_cstart, $3  }
0xc0: {  	[dreg:$0x1] =	wrdreg $0xFFFFFFFF  }
0xc1: {  	_ =	task.clear_ibuf [dreg:s7], $0x2FFFF;
	_ =	strace $0x9FFFFFFF  }
0xc2: {  	(tm) =	ssettm $0x7FFFFFFF  }
0xc3: {  	_ =	shalt  }
tec
execute0_lowered:
.L_overlay_start_1:
0x0: {  	(tag) =	ssettag $0x1  }
0x1: {  	s0 =	srdreg.scid;
	s5 =	rddreg [dreg:$0x0]  }
0x2: {  	s2 =	stileid.u32;
	s6 =	rddreg [dreg:$0x1];
	s10 =	simm.s32 $0x80  }
0x3: {  	s11 =	simm.s32 $0x400;
	s12 =	simm.s32 $0x3;
	s13 =	simm.s32 $0x1  }
0x4: {  	s14 =	simm.s32 $0x2;
	s0 =	sand.u32 $0x1, s0;
	s1 =	sshll.u32 s2, $0x1  }
0x5: {  	s3 =	sshll.u32 s2, $0x7;
	s2 =	simm.s32 $0x0;
	s1 =	sor.u32 s0, s1  }
0x6: {  	[smem:$0x7FF] =	sst s2;
	s4 =	sshll.u32 s1, $0x4;
	s1 =	sshll.u32 s1, $0xB  }
0x7: {  	s0 =	ssub.s32 $0x2, s0;
	_ =	strace $0x80000047;
	s1 =	sadd.s32 s1, s6  }
0x8: {  	s9 =	sshrl.u32 s0, $0x1;
	s3 =	sor.u32 s3, s4;
	s31 =	sadd.s32 $0x1E86A00, s1  }
0x9: {  	s0 =	ssub.s32 s0, s9;
	s1 =	sadd.s32 $0x1E96A00, s1;
	[dreg:$0x5] =	wrdreg s31  }
0xa: {  	s7 =	sand.u32 $0x670, s3;
	s0 =	smax.u32 s0, $0x1;
	[dreg:$0x6] =	wrdreg s1  }
0xb: {  	s8 =	sadd.s32 s7, s6;
	s5 =	sadd.s32 s5, s7;
	[dreg:$0x7] =	wrdreg s0  }
0xc: {  	s16 =	simm.s32 $0x0;
	[dreg:$0x3] =	wrdreg s5;
	s30 =	sadd.s32 $0x1A00, s8  }
0xd: {  	s4 =	sadd.s32 $0xF44600, s6;
	s3 =	sadd.s32 $0x2200, s6;
	[dreg:$0x4] =	wrdreg s30  }
.LBB2_1:
0xe: {  	s0 =	rddreg [dreg:$0x3]  }
0xf: {  	[tilespmem:s2], [sflag:$0x3] =	stream.strided.gather [hbm4b:s0+s10], $0x200, s11, s10, $0x38;
	[tilespmem:$0x8400] =	vst v63  }
0x10: {  	_ =	swait.ge [sflag:s12], $0x200  }
0x11: {  	[sflag:s12] =	ssyncset.done $0x0  }
0x12: {  	s17 =	simm.s32 $0x200;
	s23 =	rddreg [dreg:$0x4];
	[sflag:s12] =	ssyncadd.s32 $0xFFFFFE00  }
0x13: {  	[tilespmem:s17], [sflag:$0x3] =	stream.strided.gather [hbm4b:s23+s10], $0x200, s11, s10, $0x38;
	[tilespmem:$0x8400] =	vst v63  }
0x14: {  	_ =	swait.ge [sflag:s12], $0x200  }
0x15: {  	[sflag:s12] =	ssyncset.done $0x0  }
0x16: {  	[sflag:s12] =	ssyncadd.s32 $0xFFFFFE00  }
0x17: {  	v0 =	vld [tilespmem:s2+$0x0];
	_ =	sdelay $0x3  }
0x18: {  	v63 =	vld [tilespmem:s17+$0x0]  }
0x19: {  	v1 =	vshll.u32 v0, $0x4  }
0x1a: {  	(v2sf) =	vpush v1, $0x0  }
0x1b: {  	(v2sf) =	vpush v1, $0x1  }
0x1c: {  	(v2sf) =	vpush v1, $0x2  }
0x1d: {  	v0 =	vshll.u32 v63, $0x4  }
0x1e: {  	(v2sf) =	vpush v0, $0x0;
	_ =	sdelay $0x6  }
0x1f: {  	(v2sf) =	vpush v0, $0x1;
	_ =	sdelay $0x3  }
0x20: {  	s24 =	spop (v2sf)  }
0x21: {  	s0 =	sand.u32 $0x1FFFFFF0, s24;
	s1 =	spop (v2sf)  }
0x22: {  	s5 =	simm.s32 $0x400;
	s0 =	sadd.s32 s3, s0;
	s6 =	spop (v2sf)  }
0x23: {  	[tilespmem:s5], [sflag:$0x1] =	stream.strided.gather [hbm4b:s0+s10], $0x0, s11, s10, $0x38;
	[tilespmem:$0x8400] =	vst v63  }
0x24: {  	(v2sf) =	vpush v0, $0x2;
	s25 =	spop (v2sf)  }
0x25: {  	[tilespmem:s5], [sflag:$0x1] =	stream.linear.gather [hbm4b:s0+s2], $0x20, $0x38;
	[tilespmem:$0x8400] =	vst v63  }
0x26: {  	s0 =	sand.u32 $0x1FFFFFF0, s25  }
0x27: {  	s26 =	simm.s32 $0x4400;
	s0 =	sadd.s32 s4, s0  }
0x28: {  	(v2sf) =	vpush v1, $0x3;
	[tilespmem:s26], [sflag:$0x2] =	stream.strided.gather [hbm4b:s0+s10], $0x0, s11, s10, $0x38;
	[tilespmem:$0x8400] =	vst v63  }
0x29: {  	s1 =	sand.u32 $0x1FFFFFF0, s1  }
0x2a: {  	[tilespmem:s26], [sflag:$0x2] =	stream.linear.gather [hbm4b:s0+s2], $0x20, $0x38;
	[tilespmem:$0x8400] =	vst v63  }
0x2b: {  	s29 =	simm.s32 $0x420;
	s1 =	sadd.s32 s3, s1;
	s28 =	spop (v2sf)  }
0x2c: {  	(v2sf) =	vpush v0, $0x3;
	[tilespmem:s29], [sflag:$0x1] =	stream.strided.gather [hbm4b:s1+s10], $0x0, s11, s10, $0x38;
	[tilespmem:$0x8400] =	vst v63  }
0x2d: {  	s0 =	sand.u32 $0x1FFFFFF0, s28  }
0x2e: {  	[tilespmem:s29], [sflag:$0x1] =	stream.linear.gather [hbm4b:s1+s2], $0x20, $0x38;
	[tilespmem:$0x8400] =	vst v63  }
0x2f: {  	s30 =	simm.s32 $0x4420;
	s0 =	sadd.s32 s4, s0  }
0x30: {  	(v2sf) =	vpush v1, $0x4;
	[tilespmem:s30], [sflag:$0x2] =	stream.strided.gather [hbm4b:s0+s10], $0x0, s11, s10, $0x38;
	[tilespmem:$0x8400] =	vst v63  }
0x31: {  	s31 =	sand.u32 $0x1FFFFFF0, s6  }
0x32: {  	[tilespmem:s30], [sflag:$0x2] =	stream.linear.gather [hbm4b:s0+s2], $0x20, $0x38;
	[tilespmem:$0x8400] =	vst v63  }
0x33: {  	s7 =	simm.s32 $0x440;
	s5 =	sadd.s32 s3, s31;
	s6 =	spop (v2sf)  }
0x34: {  	(v2sf) =	vpush v0, $0x4;
	[tilespmem:s7], [sflag:$0x1] =	stream.strided.gather [hbm4b:s5+s10], $0x0, s11, s10, $0x38;
	[tilespmem:$0x8400] =	vst v63  }
0x35: {  	s0 =	sand.u32 $0x1FFFFFF0, s6  }
0x36: {  	[tilespmem:s7], [sflag:$0x1] =	stream.linear.gather [hbm4b:s5+s2], $0x20, $0x38;
	[tilespmem:$0x8400] =	vst v63  }
0x37: {  	s9 =	simm.s32 $0x4440;
	s8 =	spop (v2sf);
	s0 =	sadd.s32 s4, s0  }
0x38: {  	(v2sf) =	vpush v1, $0x5;
	[tilespmem:s9], [sflag:$0x2] =	stream.strided.gather [hbm4b:s0+s10], $0x0, s11, s10, $0x38;
	[tilespmem:$0x8400] =	vst v63  }
0x39: {  	s1 =	sand.u32 $0x1FFFFFF0, s8  }
0x3a: {  	[tilespmem:s9], [sflag:$0x2] =	stream.linear.gather [hbm4b:s0+s2], $0x20, $0x38;
	[tilespmem:$0x8400] =	vst v63  }
0x3b: {  	s18 =	simm.s32 $0x460;
	s15 =	spop (v2sf);
	s1 =	sadd.s32 s3, s1  }
0x3c: {  	(v2sf) =	vpush v0, $0x5;
	[tilespmem:s18], [sflag:$0x1] =	stream.strided.gather [hbm4b:s1+s10], $0x0, s11, s10, $0x38;
	[tilespmem:$0x8400] =	vst v63  }
0x3d: {  	s0 =	sand.u32 $0x1FFFFFF0, s15  }
0x3e: {  	[tilespmem:s18], [sflag:$0x1] =	stream.linear.gather [hbm4b:s1+s2], $0x20, $0x38;
	[tilespmem:$0x8400] =	vst v63  }
0x3f: {  	s20 =	simm.s32 $0x4460;
	s19 =	spop (v2sf);
	s0 =	sadd.s32 s4, s0  }
0x40: {  	(v2sf) =	vpush v1, $0x6;
	[tilespmem:s20], [sflag:$0x2] =	stream.strided.gather [hbm4b:s0+s10], $0x0, s11, s10, $0x38;
	[tilespmem:$0x8400] =	vst v63  }
0x41: {  	s1 =	sand.u32 $0x1FFFFFF0, s19  }
0x42: {  	[tilespmem:s20], [sflag:$0x2] =	stream.linear.gather [hbm4b:s0+s2], $0x20, $0x38;
	[tilespmem:$0x8400] =	vst v63  }
0x43: {  	s22 =	simm.s32 $0x480;
	s21 =	spop (v2sf);
	s1 =	sadd.s32 s3, s1  }
0x44: {  	(v2sf) =	vpush v0, $0x6;
	[tilespmem:s22], [sflag:$0x1] =	stream.strided.gather [hbm4b:s1+s10], $0x0, s11, s10, $0x38;
	[tilespmem:$0x8400] =	vst v63  }
0x45: {  	s0 =	sand.u32 $0x1FFFFFF0, s21  }
0x46: {  	[tilespmem:s22], [sflag:$0x1] =	stream.linear.gather [hbm4b:s1+s2], $0x20, $0x38;
	[tilespmem:$0x8400] =	vst v63  }
0x47: {  	s24 =	simm.s32 $0x4480;
	s23 =	spop (v2sf);
	s0 =	sadd.s32 s4, s0  }
0x48: {  	(v2sf) =	vpush v1, $0x7;
	[tilespmem:s24], [sflag:$0x2] =	stream.strided.gather [hbm4b:s0+s10], $0x0, s11, s10, $0x38;
	[tilespmem:$0x8400] =	vst v63  }
0x49: {  	s1 =	sand.u32 $0x1FFFFFF0, s23  }
0x4a: {  	[tilespmem:s24], [sflag:$0x2] =	stream.linear.gather [hbm4b:s0+s2], $0x20, $0x38;
	[tilespmem:$0x8400] =	vst v63  }
0x4b: {  	s26 =	simm.s32 $0x4A0;
	s25 =	spop (v2sf);
	s1 =	sadd.s32 s3, s1  }
0x4c: {  	(v2sf) =	vpush v0, $0x7;
	[tilespmem:s26], [sflag:$0x1] =	stream.strided.gather [hbm4b:s1+s10], $0x0, s11, s10, $0x38;
	[tilespmem:$0x8400] =	vst v63  }
0x4d: {  	s0 =	sand.u32 $0x1FFFFFF0, s25  }
0x4e: {  	[tilespmem:s26], [sflag:$0x1] =	stream.linear.gather [hbm4b:s1+s2], $0x20, $0x38;
	[tilespmem:$0x8400] =	vst v63  }
0x4f: {  	s29 =	simm.s32 $0x44A0;
	s28 =	spop (v2sf);
	s0 =	sadd.s32 s4, s0  }
0x50: {  	(v2sf) =	vpush v1, $0x8;
	[tilespmem:s29], [sflag:$0x2] =	stream.strided.gather [hbm4b:s0+s10], $0x0, s11, s10, $0x38;
	[tilespmem:$0x8400] =	vst v63  }
0x51: {  	s1 =	sand.u32 $0x1FFFFFF0, s28  }
0x52: {  	[tilespmem:s29], [sflag:$0x2] =	stream.linear.gather [hbm4b:s0+s2], $0x20, $0x38;
	[tilespmem:$0x8400] =	vst v63  }
0x53: {  	s31 =	simm.s32 $0x4C0;
	s30 =	spop (v2sf);
	s1 =	sadd.s32 s3, s1  }
0x54: {  	(v2sf) =	vpush v0, $0x8;
	[tilespmem:s31], [sflag:$0x1] =	stream.strided.gather [hbm4b:s1+s10], $0x0, s11, s10, $0x38;
	[tilespmem:$0x8400] =	vst v63  }
0x55: {  	s0 =	sand.u32 $0x1FFFFFF0, s30  }
0x56: {  	[tilespmem:s31], [sflag:$0x1] =	stream.linear.gather [hbm4b:s1+s2], $0x20, $0x38;
	[tilespmem:$0x8400] =	vst v63  }
0x57: {  	s7 =	simm.s32 $0x44C0;
	s6 =	spop (v2sf);
	s0 =	sadd.s32 s4, s0  }
0x58: {  	(v2sf) =	vpush v1, $0x9;
	[tilespmem:s7], [sflag:$0x2] =	stream.strided.gather [hbm4b:s0+s10], $0x0, s11, s10, $0x38;
	[tilespmem:$0x8400] =	vst v63  }
0x59: {  	s1 =	sand.u32 $0x1FFFFFF0, s6  }
0x5a: {  	[tilespmem:s7], [sflag:$0x2] =	stream.linear.gather [hbm4b:s0+s2], $0x20, $0x38;
	[tilespmem:$0x8400] =	vst v63  }
0x5b: {  	s9 =	simm.s32 $0x4E0;
	s8 =	spop (v2sf);
	s1 =	sadd.s32 s3, s1  }
0x5c: {  	(v2sf) =	vpush v0, $0x9;
	[tilespmem:s9], [sflag:$0x1] =	stream.strided.gather [hbm4b:s1+s10], $0x0, s11, s10, $0x38;
	[tilespmem:$0x8400] =	vst v63  }
0x5d: {  	s0 =	sand.u32 $0x1FFFFFF0, s8  }
0x5e: {  	[tilespmem:s9], [sflag:$0x1] =	stream.linear.gather [hbm4b:s1+s2], $0x20, $0x38;
	[tilespmem:$0x8400] =	vst v63  }
0x5f: {  	s18 =	simm.s32 $0x44E0;
	s15 =	spop (v2sf);
	s0 =	sadd.s32 s4, s0  }
0x60: {  	(v2sf) =	vpush v1, $0xA;
	[tilespmem:s18], [sflag:$0x2] =	stream.strided.gather [hbm4b:s0+s10], $0x0, s11, s10, $0x38;
	[tilespmem:$0x8400] =	vst v63  }
0x61: {  	s1 =	sand.u32 $0x1FFFFFF0, s15  }
0x62: {  	[tilespmem:s18], [sflag:$0x2] =	stream.linear.gather [hbm4b:s0+s2], $0x20, $0x38;
	[tilespmem:$0x8400] =	vst v63  }
0x63: {  	s20 =	simm.s32 $0x500;
	s19 =	spop (v2sf);
	s1 =	sadd.s32 s3, s1  }
0x64: {  	(v2sf) =	vpush v0, $0xA;
	[tilespmem:s20], [sflag:$0x1] =	stream.strided.gather [hbm4b:s1+s10], $0x0, s11, s10, $0x38;
	[tilespmem:$0x8400] =	vst v63  }
0x65: {  	s0 =	sand.u32 $0x1FFFFFF0, s19  }
0x66: {  	[tilespmem:s20], [sflag:$0x1] =	stream.linear.gather [hbm4b:s1+s2], $0x20, $0x38;
	[tilespmem:$0x8400] =	vst v63  }
0x67: {  	s22 =	simm.s32 $0x4500;
	s21 =	spop (v2sf);
	s0 =	sadd.s32 s4, s0  }
0x68: {  	(v2sf) =	vpush v1, $0xB;
	[tilespmem:s22], [sflag:$0x2] =	stream.strided.gather [hbm4b:s0+s10], $0x0, s11, s10, $0x38;
	[tilespmem:$0x8400] =	vst v63  }
0x69: {  	s1 =	sand.u32 $0x1FFFFFF0, s21  }
0x6a: {  	[tilespmem:s22], [sflag:$0x2] =	stream.linear.gather [hbm4b:s0+s2], $0x20, $0x38;
	[tilespmem:$0x8400] =	vst v63  }
0x6b: {  	s24 =	simm.s32 $0x520;
	s23 =	spop (v2sf);
	s1 =	sadd.s32 s3, s1  }
0x6c: {  	(v2sf) =	vpush v0, $0xB;
	[tilespmem:s24], [sflag:$0x1] =	stream.strided.gather [hbm4b:s1+s10], $0x0, s11, s10, $0x38;
	[tilespmem:$0x8400] =	vst v63  }
0x6d: {  	s0 =	sand.u32 $0x1FFFFFF0, s23  }
0x6e: {  	[tilespmem:s24], [sflag:$0x1] =	stream.linear.gather [hbm4b:s1+s2], $0x20, $0x38;
	[tilespmem:$0x8400] =	vst v63  }
0x6f: {  	s26 =	simm.s32 $0x4520;
	s25 =	spop (v2sf);
	s0 =	sadd.s32 s4, s0  }
0x70: {  	(v2sf) =	vpush v1, $0xC;
	[tilespmem:s26], [sflag:$0x2] =	stream.strided.gather [hbm4b:s0+s10], $0x0, s11, s10, $0x38;
	[tilespmem:$0x8400] =	vst v63  }
0x71: {  	s1 =	sand.u32 $0x1FFFFFF0, s25  }
0x72: {  	[tilespmem:s26], [sflag:$0x2] =	stream.linear.gather [hbm4b:s0+s2], $0x20, $0x38;
	[tilespmem:$0x8400] =	vst v63  }
0x73: {  	s29 =	simm.s32 $0x540;
	s28 =	spop (v2sf);
	s1 =	sadd.s32 s3, s1  }
0x74: {  	(v2sf) =	vpush v0, $0xC;
	[tilespmem:s29], [sflag:$0x1] =	stream.strided.gather [hbm4b:s1+s10], $0x0, s11, s10, $0x38;
	[tilespmem:$0x8400] =	vst v63  }
0x75: {  	s0 =	sand.u32 $0x1FFFFFF0, s28  }
0x76: {  	[tilespmem:s29], [sflag:$0x1] =	stream.linear.gather [hbm4b:s1+s2], $0x20, $0x38;
	[tilespmem:$0x8400] =	vst v63  }
0x77: {  	s31 =	simm.s32 $0x4540;
	s30 =	spop (v2sf);
	s0 =	sadd.s32 s4, s0  }
0x78: {  	(v2sf) =	vpush v1, $0xD;
	[tilespmem:s31], [sflag:$0x2] =	stream.strided.gather [hbm4b:s0+s10], $0x0, s11, s10, $0x38;
	[tilespmem:$0x8400] =	vst v63  }
0x79: {  	s1 =	sand.u32 $0x1FFFFFF0, s30  }
0x7a: {  	[tilespmem:s31], [sflag:$0x2] =	stream.linear.gather [hbm4b:s0+s2], $0x20, $0x38;
	[tilespmem:$0x8400] =	vst v63  }
0x7b: {  	s6 =	simm.s32 $0x560;
	s5 =	spop (v2sf);
	s1 =	sadd.s32 s3, s1  }
0x7c: {  	(v2sf) =	vpush v0, $0xD;
	[tilespmem:s6], [sflag:$0x1] =	stream.strided.gather [hbm4b:s1+s10], $0x0, s11, s10, $0x38;
	[tilespmem:$0x8400] =	vst v63  }
0x7d: {  	s0 =	sand.u32 $0x1FFFFFF0, s5  }
0x7e: {  	[tilespmem:s6], [sflag:$0x1] =	stream.linear.gather [hbm4b:s1+s2], $0x20, $0x38;
	[tilespmem:$0x8400] =	vst v63  }
0x7f: {  	s8 =	simm.s32 $0x4560;
	s7 =	spop (v2sf);
	s0 =	sadd.s32 s4, s0  }
0x80: {  	(v2sf) =	vpush v1, $0xE;
	[tilespmem:s8], [sflag:$0x2] =	stream.strided.gather [hbm4b:s0+s10], $0x0, s11, s10, $0x38;
	[tilespmem:$0x8400] =	vst v63  }
0x81: {  	s1 =	sand.u32 $0x1FFFFFF0, s7  }
0x82: {  	[tilespmem:s8], [sflag:$0x2] =	stream.linear.gather [hbm4b:s0+s2], $0x20, $0x38;
	[tilespmem:$0x8400] =	vst v63  }
0x83: {  	s15 =	simm.s32 $0x580;
	s9 =	spop (v2sf);
	s1 =	sadd.s32 s3, s1  }
0x84: {  	(v2sf) =	vpush v0, $0xE;
	[tilespmem:s15], [sflag:$0x1] =	stream.strided.gather [hbm4b:s1+s10], $0x0, s11, s10, $0x38;
	[tilespmem:$0x8400] =	vst v63  }
0x85: {  	s0 =	sand.u32 $0x1FFFFFF0, s9  }
0x86: {  	[tilespmem:s15], [sflag:$0x1] =	stream.linear.gather [hbm4b:s1+s2], $0x20, $0x38;
	[tilespmem:$0x8400] =	vst v63  }
0x87: {  	s19 =	simm.s32 $0x4580;
	s18 =	spop (v2sf);
	s0 =	sadd.s32 s4, s0  }
0x88: {  	(v2sf) =	vpush v1, $0xF;
	[tilespmem:s19], [sflag:$0x2] =	stream.strided.gather [hbm4b:s0+s10], $0x0, s11, s10, $0x38;
	[tilespmem:$0x8400] =	vst v63  }
0x89: {  	s1 =	sand.u32 $0x1FFFFFF0, s18  }
0x8a: {  	[tilespmem:s19], [sflag:$0x2] =	stream.linear.gather [hbm4b:s0+s2], $0x20, $0x38;
	[tilespmem:$0x8400] =	vst v63  }
0x8b: {  	s21 =	simm.s32 $0x5A0;
	s20 =	spop (v2sf);
	s1 =	sadd.s32 s3, s1  }
0x8c: {  	(v2sf) =	vpush v0, $0xF;
	[tilespmem:s21], [sflag:$0x1] =	stream.strided.gather [hbm4b:s1+s10], $0x0, s11, s10, $0x38;
	[tilespmem:$0x8400] =	vst v63  }
0x8d: {  	s0 =	sand.u32 $0x1FFFFFF0, s20  }
0x8e: {  	[tilespmem:s21], [sflag:$0x1] =	stream.linear.gather [hbm4b:s1+s2], $0x20, $0x38;
	[tilespmem:$0x8400] =	vst v63  }
0x8f: {  	s23 =	simm.s32 $0x45A0;
	s22 =	spop (v2sf);
	s0 =	sadd.s32 s4, s0  }
0x90: {  	[tilespmem:s23], [sflag:$0x2] =	stream.strided.gather [hbm4b:s0+s10], $0x0, s11, s10, $0x38;
	[tilespmem:$0x8400] =	vst v63  }
0x91: {  	s1 =	sand.u32 $0x1FFFFFF0, s22  }
0x92: {  	[tilespmem:s23], [sflag:$0x2] =	stream.linear.gather [hbm4b:s0+s2], $0x20, $0x38;
	[tilespmem:$0x8400] =	vst v63  }
0x93: {  	s25 =	simm.s32 $0x5C0;
	s24 =	spop (v2sf);
	s1 =	sadd.s32 s3, s1  }
0x94: {  	[tilespmem:s25], [sflag:$0x1] =	stream.strided.gather [hbm4b:s1+s10], $0x0, s11, s10, $0x38;
	[tilespmem:$0x8400] =	vst v63  }
0x95: {  	s0 =	sand.u32 $0x1FFFFFF0, s24  }
0x96: {  	[tilespmem:s25], [sflag:$0x1] =	stream.linear.gather [hbm4b:s1+s2], $0x20, $0x38;
	[tilespmem:$0x8400] =	vst v63  }
0x97: {  	s28 =	simm.s32 $0x45C0;
	s26 =	spop (v2sf);
	s0 =	sadd.s32 s4, s0  }
0x98: {  	[tilespmem:s28], [sflag:$0x2] =	stream.strided.gather [hbm4b:s0+s10], $0x0, s11, s10, $0x38;
	[tilespmem:$0x8400] =	vst v63  }
0x99: {  	s1 =	sand.u32 $0x1FFFFFF0, s26  }
0x9a: {  	[tilespmem:s28], [sflag:$0x2] =	stream.linear.gather [hbm4b:s0+s2], $0x20, $0x38;
	[tilespmem:$0x8400] =	vst v63  }
0x9b: {  	s30 =	simm.s32 $0x5E0;
	s29 =	spop (v2sf);
	s1 =	sadd.s32 s3, s1  }
0x9c: {  	[tilespmem:s30], [sflag:$0x1] =	stream.strided.gather [hbm4b:s1+s10], $0x0, s11, s10, $0x38;
	[tilespmem:$0x8400] =	vst v63  }
0x9d: {  	s18 =	simm.s32 $0x800;
	s31 =	sand.u32 $0x1FFFFFF0, s29  }
0x9e: {  	[tilespmem:s30], [sflag:$0x1] =	stream.linear.gather [hbm4b:s1+s2], $0x20, $0x38;
	[tilespmem:$0x8400] =	vst v63  }
0x9f: {  	s19 =	simm.s32 $0x0;
	s0 =	simm.s32 $0x45E0;
	s1 =	sadd.s32 s4, s31  }
0xa0: {  	[tilespmem:s0], [sflag:$0x2] =	stream.strided.gather [hbm4b:s1+s10], $0x0, s11, s10, $0x38;
	[tilespmem:$0x8400] =	vst v63  }
.LBB2_2:
0xa1: {  	p0 =	sne.s32 s18, $0xF800;
	s19 =	sadd.s32 $0x10, s19;
	s17 =	sadd.s32 $0x10, s17  }
0xa2: {  	[tilespmem:s0], [sflag:$0x2] =	stream.linear.gather [hbm4b:s1+s2], $0x20, $0x38;
	[tilespmem:$0x8400] =	vst v63  }
0xa3: {  	s0 =	smov.u32 s18;
	s18 =	sadd.s32 $0x800, s18;
	v0 =	vld [tilespmem:s19+$0x0];
	_ =	sdelay $0x3  }
0xa4: {  	v1 =	vld [tilespmem:s17+$0x0]  }
0xa5: {  	v0 =	vshll.u32 v0, $0x4  }
0xa6: {  	(v2sf) =	vpush v0, $0x0  }
0xa7: {  	(v2sf) =	vpush v0, $0x1  }
0xa8: {  	(v2sf) =	vpush v0, $0x2  }
0xa9: {  	v1 =	vshll.u32 v1, $0x4  }
0xaa: {  	(v2sf) =	vpush v1, $0x0;
	_ =	sdelay $0x1  }
0xab: {  	(v2sf) =	vpush v1, $0x1  }
0xac: {  	(v2sf) =	vpush v1, $0x2;
	_ =	sdelay $0x3  }
0xad: {  	(v2sf) =	vpush v0, $0x3;
	_ =	sdelay $0x3  }
0xae: {  	s1 =	spop (v2sf);
	(v2sf) =	vpush v1, $0x3  }
0xaf: {  	s20 =	sshra.s32 s0, $0x2;
	s0 =	sand.u32 $0x1FFFFFF0, s1;
	s1 =	spop (v2sf)  }
0xb0: {  	s5 =	sadd.s32 $0x400, s20;
	s0 =	sadd.s32 s3, s0;
	s6 =	spop (v2sf)  }
0xb1: {  	[tilespmem:s5], [sflag:$0x1] =	stream.strided.gather [hbm4b:s0+s10], $0x0, s11, s10, $0x38;
	[tilespmem:$0x8400] =	vst v63  }
0xb2: {  	s1 =	sand.u32 $0x1FFFFFF0, s1;
	s6 =	sand.u32 $0x1FFFFFF0, s6;
	s15 =	spop (v2sf);
	(v2sf) =	vpush v0, $0x4  }
0xb3: {  	[tilespmem:s5], [sflag:$0x1] =	stream.linear.gather [hbm4b:s0+s2], $0x20, $0x38;
	[tilespmem:$0x8400] =	vst v63  }
0xb4: {  	s0 =	sadd.s32 $0x4400, s20;
	s5 =	sand.u32 $0x1FFFFFF0, s15;
	s15 =	spop (v2sf);
	(v2sf) =	vpush v1, $0x4  }
0xb5: {  	s5 =	sadd.s32 s4, s5;
	s15 =	sand.u32 $0x1FFFFFF0, s15;
	s21 =	spop (v2sf)  }
0xb6: {  	[tilespmem:s0], [sflag:$0x2] =	stream.strided.gather [hbm4b:s5+s10], $0x0, s11, s10, $0x38;
	(v2sf) =	vpush v0, $0x5;
	[tilespmem:$0x8400] =	vst v63  }
0xb7: {  	s22 =	sadd.s32 $0x420, s20;
	s1 =	sadd.s32 s3, s1;
	s21 =	sand.u32 $0x1FFFFFF0, s21  }
0xb8: {  	[tilespmem:s0], [sflag:$0x2] =	stream.linear.gather [hbm4b:s5+s2], $0x20, $0x38;
	(v2sf) =	vpush v1, $0x5;
	[tilespmem:$0x8400] =	vst v63  }
0xb9: {  	s0 =	spop (v2sf)  }
0xba: {  	[tilespmem:s22], [sflag:$0x1] =	stream.strided.gather [hbm4b:s1+s10], $0x0, s11, s10, $0x38;
	(v2sf) =	vpush v0, $0x6;
	[tilespmem:$0x8400] =	vst v63  }
0xbb: {  	s15 =	sadd.s32 s4, s15;
	s5 =	sadd.s32 $0x4420, s20;
	s0 =	sand.u32 $0x1FFFFFF0, s0  }
0xbc: {  	[tilespmem:s22], [sflag:$0x1] =	stream.linear.gather [hbm4b:s1+s2], $0x20, $0x38;
	(v2sf) =	vpush v1, $0x6;
	[tilespmem:$0x8400] =	vst v63  }
0xbd: {  	s1 =	spop (v2sf)  }
0xbe: {  	[tilespmem:s5], [sflag:$0x2] =	stream.strided.gather [hbm4b:s15+s10], $0x0, s11, s10, $0x38;
	(v2sf) =	vpush v0, $0x7;
	[tilespmem:$0x8400] =	vst v63  }
0xbf: {  	s6 =	sadd.s32 s3, s6;
	s22 =	sadd.s32 $0x440, s20;
	s1 =	sand.u32 $0x1FFFFFF0, s1  }
0xc0: {  	[tilespmem:s5], [sflag:$0x2] =	stream.linear.gather [hbm4b:s15+s2], $0x20, $0x38;
	(v2sf) =	vpush v1, $0x7;
	[tilespmem:$0x8400] =	vst v63  }
0xc1: {  	s5 =	spop (v2sf)  }
0xc2: {  	[tilespmem:s22], [sflag:$0x1] =	stream.strided.gather [hbm4b:s6+s10], $0x0, s11, s10, $0x38;
	(v2sf) =	vpush v0, $0x8;
	[tilespmem:$0x8400] =	vst v63  }
0xc3: {  	s21 =	sadd.s32 s4, s21;
	s15 =	sadd.s32 $0x4440, s20;
	s23 =	spop (v2sf)  }
0xc4: {  	[tilespmem:s22], [sflag:$0x1] =	stream.linear.gather [hbm4b:s6+s2], $0x20, $0x38;
	(v2sf) =	vpush v1, $0x8;
	[tilespmem:$0x8400] =	vst v63  }
0xc5: {  	s6 =	sand.u32 $0x1FFFFFF0, s5;
	s22 =	sand.u32 $0x1FFFFFF0, s23;
	s5 =	spop (v2sf)  }
0xc6: {  	[tilespmem:s15], [sflag:$0x2] =	stream.strided.gather [hbm4b:s21+s10], $0x0, s11, s10, $0x38;
	(v2sf) =	vpush v0, $0x9;
	[tilespmem:$0x8400] =	vst v63  }
0xc7: {  	s0 =	sadd.s32 s3, s0;
	s23 =	sadd.s32 $0x460, s20;
	s24 =	spop (v2sf)  }
0xc8: {  	[tilespmem:s15], [sflag:$0x2] =	stream.linear.gather [hbm4b:s21+s2], $0x20, $0x38;
	(v2sf) =	vpush v1, $0x9;
	[tilespmem:$0x8400] =	vst v63  }
0xc9: {  	s25 =	sand.u32 $0x1FFFFFF0, s5;
	s5 =	sand.u32 $0x1FFFFFF0, s24;
	s15 =	spop (v2sf)  }
0xca: {  	[tilespmem:s23], [sflag:$0x1] =	stream.strided.gather [hbm4b:s0+s10], $0x0, s11, s10, $0x38;
	(v2sf) =	vpush v0, $0xA;
	[tilespmem:$0x8400] =	vst v63  }
0xcb: {  	s1 =	sadd.s32 s4, s1;
	s21 =	sadd.s32 $0x4460, s20;
	s24 =	spop (v2sf)  }
0xcc: {  	[tilespmem:s23], [sflag:$0x1] =	stream.linear.gather [hbm4b:s0+s2], $0x20, $0x38;
	(v2sf) =	vpush v1, $0xA;
	[tilespmem:$0x8400] =	vst v63  }
0xcd: {  	s15 =	sand.u32 $0x1FFFFFF0, s15;
	s23 =	sand.u32 $0x1FFFFFF0, s24;
	s0 =	spop (v2sf)  }
0xce: {  	[tilespmem:s21], [sflag:$0x2] =	stream.strided.gather [hbm4b:s1+s10], $0x0, s11, s10, $0x38;
	(v2sf) =	vpush v0, $0xB;
	[tilespmem:$0x8400] =	vst v63  }
0xcf: {  	s26 =	sadd.s32 $0x480, s20;
	s6 =	sadd.s32 s3, s6;
	s28 =	spop (v2sf)  }
0xd0: {  	[tilespmem:s21], [sflag:$0x2] =	stream.linear.gather [hbm4b:s1+s2], $0x20, $0x38;
	(v2sf) =	vpush v1, $0xB;
	[tilespmem:$0x8400] =	vst v63  }
0xd1: {  	s24 =	sand.u32 $0x1FFFFFF0, s0;
	s21 =	sand.u32 $0x1FFFFFF0, s28;
	s0 =	spop (v2sf)  }
0xd2: {  	[tilespmem:s26], [sflag:$0x1] =	stream.strided.gather [hbm4b:s6+s10], $0x0, s11, s10, $0x38;
	(v2sf) =	vpush v0, $0xC;
	[tilespmem:$0x8400] =	vst v63  }
0xd3: {  	s1 =	sadd.s32 $0x4480, s20;
	s28 =	sadd.s32 s4, s22;
	s29 =	spop (v2sf)  }
0xd4: {  	[tilespmem:s26], [sflag:$0x1] =	stream.linear.gather [hbm4b:s6+s2], $0x20, $0x38;
	(v2sf) =	vpush v1, $0xC;
	[tilespmem:$0x8400] =	vst v63  }
0xd5: {  	s22 =	sand.u32 $0x1FFFFFF0, s0;
	s0 =	sand.u32 $0x1FFFFFF0, s29;
	s6 =	spop (v2sf)  }
0xd6: {  	[tilespmem:s1], [sflag:$0x2] =	stream.strided.gather [hbm4b:s28+s10], $0x0, s11, s10, $0x38;
	(v2sf) =	vpush v0, $0xD;
	[tilespmem:$0x8400] =	vst v63  }
0xd7: {  	s25 =	sadd.s32 s3, s25;
	s26 =	sadd.s32 $0x4A0, s20;
	s29 =	spop (v2sf)  }
0xd8: {  	[tilespmem:s1], [sflag:$0x2] =	stream.linear.gather [hbm4b:s28+s2], $0x20, $0x38;
	(v2sf) =	vpush v1, $0xD;
	[tilespmem:$0x8400] =	vst v63  }
0xd9: {  	s6 =	sand.u32 $0x1FFFFFF0, s6;
	s1 =	sand.u32 $0x1FFFFFF0, s29;
	s28 =	spop (v2sf)  }
0xda: {  	[tilespmem:s26], [sflag:$0x1] =	stream.strided.gather [hbm4b:s25+s10], $0x0, s11, s10, $0x38;
	(v2sf) =	vpush v0, $0xE;
	[tilespmem:$0x8400] =	vst v63  }
0xdb: {  	s31 =	sadd.s32 s4, s5;
	s29 =	sadd.s32 $0x44A0, s20;
	s30 =	spop (v2sf)  }
0xdc: {  	[tilespmem:s26], [sflag:$0x1] =	stream.linear.gather [hbm4b:s25+s2], $0x20, $0x38;
	[tilespmem:$0x8400] =	vst v63  }
0xdd: {  	s5 =	sand.u32 $0x1FFFFFF0, s28;
	s30 =	sand.u32 $0x1FFFFFF0, s30;
	s25 =	spop (v2sf)  }
0xde: {  	[tilespmem:s29], [sflag:$0x2] =	stream.strided.gather [hbm4b:s31+s10], $0x0, s11, s10, $0x38;
	(v2sf) =	vpush v1, $0xE;
	[tilespmem:$0x8400] =	vst v63  }
0xdf: {  	s7 =	sadd.s32 s3, s15;
	s26 =	sadd.s32 $0x4C0, s20;
	s28 =	spop (v2sf)  }
0xe0: {  	[tilespmem:s29], [sflag:$0x2] =	stream.linear.gather [hbm4b:s31+s2], $0x20, $0x38;
	(v2sf) =	vpush v0, $0xF;
	[tilespmem:$0x8400] =	vst v63  }
0xe1: {  	s15 =	sand.u32 $0x1FFFFFF0, s25;
	s28 =	sand.u32 $0x1FFFFFF0, s28;
	s25 =	spop (v2sf)  }
0xe2: {  	[tilespmem:s26], [sflag:$0x1] =	stream.strided.gather [hbm4b:s7+s10], $0x0, s11, s10, $0x38;
	(v2sf) =	vpush v1, $0xF;
	[tilespmem:$0x8400] =	vst v63  }
0xe3: {  	s23 =	sadd.s32 s4, s23;
	s29 =	sadd.s32 $0x44C0, s20;
	s8 =	spop (v2sf)  }
0xe4: {  	[tilespmem:s26], [sflag:$0x1] =	stream.linear.gather [hbm4b:s7+s2], $0x20, $0x38;
	[tilespmem:$0x8400] =	vst v63  }
0xe5: {  	s31 =	sand.u32 $0x1FFFFFF0, s25;
	s26 =	sand.u32 $0x1FFFFFF0, s8;
	s7 =	spop (v2sf)  }
0xe6: {  	[tilespmem:s29], [sflag:$0x2] =	stream.strided.gather [hbm4b:s23+s10], $0x0, s11, s10, $0x38;
	[tilespmem:$0x8400] =	vst v63  }
0xe7: {  	s24 =	sadd.s32 s3, s24;
	s8 =	sadd.s32 $0x4E0, s20;
	s25 =	spop (v2sf)  }
0xe8: {  	[tilespmem:s29], [sflag:$0x2] =	stream.linear.gather [hbm4b:s23+s2], $0x20, $0x38;
	[tilespmem:$0x8400] =	vst v63  }
0xe9: {  	s29 =	sand.u32 $0x1FFFFFF0, s7;
	s25 =	sand.u32 $0x1FFFFFF0, s25;
	s7 =	spop (v2sf)  }
0xea: {  	[tilespmem:s8], [sflag:$0x1] =	stream.strided.gather [hbm4b:s24+s10], $0x0, s11, s10, $0x38;
	[tilespmem:$0x8400] =	vst v63  }
0xeb: {  	s9 =	sadd.s32 $0x44E0, s20;
	s21 =	sadd.s32 s4, s21;
	s23 =	sand.u32 $0x1FFFFFF0, s7  }
0xec: {  	[tilespmem:s8], [sflag:$0x1] =	stream.linear.gather [hbm4b:s24+s2], $0x20, $0x38;
	[tilespmem:$0x8400] =	vst v63  }
0xed: {  	s24 =	spop (v2sf)  }
0xee: {  	[tilespmem:s9], [sflag:$0x2] =	stream.strided.gather [hbm4b:s21+s10], $0x0, s11, s10, $0x38;
	[tilespmem:$0x8400] =	vst v63  }
0xef: {  	s7 =	sadd.s32 $0x500, s20;
	s8 =	sadd.s32 s3, s22;
	s22 =	spop (v2sf)  }
0xf0: {  	[tilespmem:s9], [sflag:$0x2] =	stream.linear.gather [hbm4b:s21+s2], $0x20, $0x38;
	[tilespmem:$0x8400] =	vst v63  }
0xf1: {  	s22 =	sand.u32 $0x1FFFFFF0, s22;
	s21 =	spop (v2sf)  }
0xf2: {  	[tilespmem:s7], [sflag:$0x1] =	stream.strided.gather [hbm4b:s8+s10], $0x0, s11, s10, $0x38;
	[tilespmem:$0x8400] =	vst v63  }
0xf3: {  	s0 =	sadd.s32 s4, s0;
	s9 =	sadd.s32 $0x4500, s20  }
0xf4: {  	[tilespmem:s7], [sflag:$0x1] =	stream.linear.gather [hbm4b:s8+s2], $0x20, $0x38;
	[tilespmem:$0x8400] =	vst v63  }
0xf5: {  	_ = 	snop  }
0xf6: {  	[tilespmem:s9], [sflag:$0x2] =	stream.strided.gather [hbm4b:s0+s10], $0x0, s11, s10, $0x38;
	[tilespmem:$0x8400] =	vst v63  }
0xf7: {  	s6 =	sadd.s32 s3, s6;
	s7 =	sadd.s32 $0x520, s20  }
0xf8: {  	[tilespmem:s9], [sflag:$0x2] =	stream.linear.gather [hbm4b:s0+s2], $0x20, $0x38;
	[tilespmem:$0x8400] =	vst v63  }
0xf9: {  	_ = 	snop  }
0xfa: {  	[tilespmem:s7], [sflag:$0x1] =	stream.strided.gather [hbm4b:s6+s10], $0x0, s11, s10, $0x38;
	[tilespmem:$0x8400] =	vst v63  }
0xfb: {  	s1 =	sadd.s32 s4, s1;
	s0 =	sadd.s32 $0x4520, s20  }
0xfc: {  	[tilespmem:s7], [sflag:$0x1] =	stream.linear.gather [hbm4b:s6+s2], $0x20, $0x38;
	[tilespmem:$0x8400] =	vst v63  }
0xfd: {  	_ = 	snop  }
0xfe: {  	[tilespmem:s0], [sflag:$0x2] =	stream.strided.gather [hbm4b:s1+s10], $0x0, s11, s10, $0x38;
	[tilespmem:$0x8400] =	vst v63  }
0xff: {  	s5 =	sadd.s32 s3, s5;
	s6 =	sadd.s32 $0x540, s20  }
0x100: {  	[tilespmem:s0], [sflag:$0x2] =	stream.linear.gather [hbm4b:s1+s2], $0x20, $0x38;
	[tilespmem:$0x8400] =	vst v63  }
0x101: {  	_ = 	snop  }
0x102: {  	[tilespmem:s6], [sflag:$0x1] =	stream.strided.gather [hbm4b:s5+s10], $0x0, s11, s10, $0x38;
	[tilespmem:$0x8400] =	vst v63  }
0x103: {  	s0 =	sadd.s32 $0x4540, s20;
	s1 =	sadd.s32 s4, s30  }
0x104: {  	[tilespmem:s6], [sflag:$0x1] =	stream.linear.gather [hbm4b:s5+s2], $0x20, $0x38;
	[tilespmem:$0x8400] =	vst v63  }
0x105: {  	_ = 	snop  }
0x106: {  	[tilespmem:s0], [sflag:$0x2] =	stream.strided.gather [hbm4b:s1+s10], $0x0, s11, s10, $0x38;
	[tilespmem:$0x8400] =	vst v63  }
0x107: {  	s5 =	sadd.s32 $0x560, s20;
	s6 =	sadd.s32 s3, s15  }
0x108: {  	[tilespmem:s0], [sflag:$0x2] =	stream.linear.gather [hbm4b:s1+s2], $0x20, $0x38;
	[tilespmem:$0x8400] =	vst v63  }
0x109: {  	_ = 	snop  }
0x10a: {  	[tilespmem:s5], [sflag:$0x1] =	stream.strided.gather [hbm4b:s6+s10], $0x0, s11, s10, $0x38;
	[tilespmem:$0x8400] =	vst v63  }
0x10b: {  	s0 =	sadd.s32 $0x4560, s20;
	s1 =	sadd.s32 s4, s28  }
0x10c: {  	[tilespmem:s5], [sflag:$0x1] =	stream.linear.gather [hbm4b:s6+s2], $0x20, $0x38;
	[tilespmem:$0x8400] =	vst v63  }
0x10d: {  	_ = 	snop  }
0x10e: {  	[tilespmem:s0], [sflag:$0x2] =	stream.strided.gather [hbm4b:s1+s10], $0x0, s11, s10, $0x38;
	[tilespmem:$0x8400] =	vst v63  }
0x10f: {  	s5 =	sadd.s32 $0x580, s20;
	s6 =	sadd.s32 s3, s31  }
0x110: {  	[tilespmem:s0], [sflag:$0x2] =	stream.linear.gather [hbm4b:s1+s2], $0x20, $0x38;
	[tilespmem:$0x8400] =	vst v63  }
0x111: {  	_ = 	snop  }
0x112: {  	[tilespmem:s5], [sflag:$0x1] =	stream.strided.gather [hbm4b:s6+s10], $0x0, s11, s10, $0x38;
	[tilespmem:$0x8400] =	vst v63  }
0x113: {  	s0 =	sadd.s32 $0x4580, s20;
	s1 =	sadd.s32 s4, s26  }
0x114: {  	[tilespmem:s5], [sflag:$0x1] =	stream.linear.gather [hbm4b:s6+s2], $0x20, $0x38;
	[tilespmem:$0x8400] =	vst v63  }
0x115: {  	_ = 	snop  }
0x116: {  	[tilespmem:s0], [sflag:$0x2] =	stream.strided.gather [hbm4b:s1+s10], $0x0, s11, s10, $0x38;
	[tilespmem:$0x8400] =	vst v63  }
0x117: {  	s5 =	sadd.s32 $0x5A0, s20;
	s6 =	sadd.s32 s3, s29  }
0x118: {  	[tilespmem:s0], [sflag:$0x2] =	stream.linear.gather [hbm4b:s1+s2], $0x20, $0x38;
	[tilespmem:$0x8400] =	vst v63  }
0x119: {  	_ = 	snop  }
0x11a: {  	[tilespmem:s5], [sflag:$0x1] =	stream.strided.gather [hbm4b:s6+s10], $0x0, s11, s10, $0x38;
	[tilespmem:$0x8400] =	vst v63  }
0x11b: {  	s0 =	sadd.s32 $0x45A0, s20;
	s1 =	sadd.s32 s4, s25  }
0x11c: {  	[tilespmem:s5], [sflag:$0x1] =	stream.linear.gather [hbm4b:s6+s2], $0x20, $0x38;
	[tilespmem:$0x8400] =	vst v63  }
0x11d: {  	_ = 	snop  }
0x11e: {  	[tilespmem:s0], [sflag:$0x2] =	stream.strided.gather [hbm4b:s1+s10], $0x0, s11, s10, $0x38;
	[tilespmem:$0x8400] =	vst v63  }
0x11f: {  	s5 =	sadd.s32 $0x5C0, s20;
	s6 =	sadd.s32 s3, s23  }
0x120: {  	[tilespmem:s0], [sflag:$0x2] =	stream.linear.gather [hbm4b:s1+s2], $0x20, $0x38;
	[tilespmem:$0x8400] =	vst v63  }
0x121: {  	s0 =	sand.u32 $0x1FFFFFF0, s24  }
0x122: {  	[tilespmem:s5], [sflag:$0x1] =	stream.strided.gather [hbm4b:s6+s10], $0x0, s11, s10, $0x38;
	[tilespmem:$0x8400] =	vst v63  }
0x123: {  	s1 =	sadd.s32 $0x45C0, s20;
	s0 =	sadd.s32 s4, s0  }
0x124: {  	[tilespmem:s5], [sflag:$0x1] =	stream.linear.gather [hbm4b:s6+s2], $0x20, $0x38;
	[tilespmem:$0x8400] =	vst v63  }
0x125: {  	_ = 	snop  }
0x126: {  	[tilespmem:s1], [sflag:$0x2] =	stream.strided.gather [hbm4b:s0+s10], $0x0, s11, s10, $0x38;
	[tilespmem:$0x8400] =	vst v63  }
0x127: {  	s5 =	sadd.s32 $0x5E0, s20;
	s6 =	sadd.s32 s3, s22  }
0x128: {  	[tilespmem:s1], [sflag:$0x2] =	stream.linear.gather [hbm4b:s0+s2], $0x20, $0x38;
	[tilespmem:$0x8400] =	vst v63  }
0x129: {  	s1 =	sand.u32 $0x1FFFFFF0, s21  }
0x12a: {  	[tilespmem:s5], [sflag:$0x1] =	stream.strided.gather [hbm4b:s6+s10], $0x0, s11, s10, $0x38;
	[tilespmem:$0x8400] =	vst v63  }
.Ltmp0:
0x12b: {  	_ = 	snop;
	(pc) =	sbr.rel @p0 .LBB2_2-.Ltmp0, $4  }
0x12c: {  	s0 =	sadd.s32 $0x45E0, s20;
	s1 =	sadd.s32 s4, s1  }
0x12d: {  	[tilespmem:s5], [sflag:$0x1] =	stream.linear.gather [hbm4b:s6+s2], $0x20, $0x38;
	[tilespmem:$0x8400] =	vst v63  }
0x12e: {  	_ = 	snop  }
0x12f: {  	[tilespmem:s0], [sflag:$0x2] =	stream.strided.gather [hbm4b:s1+s10], $0x0, s11, s10, $0x38;
	[tilespmem:$0x8400] =	vst v63  }
0x130: {  	[tilespmem:s0], [sflag:$0x2] =	stream.linear.gather [hbm4b:s1+s2], $0x20, $0x38;
	[tilespmem:$0x8400] =	vst v63  }
0x131: {  	_ =	swait.ge [sflag:s13], $0x20  }
0x132: {  	[sflag:s13] =	ssyncset.done $0x0  }
0x133: {  	[sflag:s13] =	ssyncadd.s32 $0xFFFFFFE0  }
0x134: {  	_ =	swait.ge [sflag:s14], $0x20  }
0x135: {  	[sflag:s14] =	ssyncset.done $0x0  }
0x136: {  	[sflag:s14] =	ssyncadd.s32 $0xFFFFFFE0  }
0x137: {  	_ =	swait.ge [sflag:s13], $0x20  }
0x138: {  	[sflag:s13] =	ssyncset.done $0x0  }
0x139: {  	[sflag:s13] =	ssyncadd.s32 $0xFFFFFFE0  }
0x13a: {  	_ =	swait.ge [sflag:s14], $0x20  }
0x13b: {  	[sflag:s14] =	ssyncset.done $0x0  }
0x13c: {  	[sflag:s14] =	ssyncadd.s32 $0xFFFFFFE0  }
0x13d: {  	_ =	swait.ge [sflag:s13], $0x20  }
0x13e: {  	[sflag:s13] =	ssyncset.done $0x0  }
0x13f: {  	[sflag:s13] =	ssyncadd.s32 $0xFFFFFFE0  }
0x140: {  	_ =	swait.ge [sflag:s14], $0x20  }
0x141: {  	[sflag:s14] =	ssyncset.done $0x0  }
0x142: {  	[sflag:s14] =	ssyncadd.s32 $0xFFFFFFE0  }
0x143: {  	_ =	swait.ge [sflag:s13], $0x20  }
0x144: {  	[sflag:s13] =	ssyncset.done $0x0  }
0x145: {  	[sflag:s13] =	ssyncadd.s32 $0xFFFFFFE0  }
0x146: {  	_ =	swait.ge [sflag:s14], $0x20  }
0x147: {  	[sflag:s14] =	ssyncset.done $0x0  }
0x148: {  	[sflag:s14] =	ssyncadd.s32 $0xFFFFFFE0  }
0x149: {  	_ =	swait.ge [sflag:s13], $0x20  }
0x14a: {  	[sflag:s13] =	ssyncset.done $0x0  }
0x14b: {  	[sflag:s13] =	ssyncadd.s32 $0xFFFFFFE0  }
0x14c: {  	_ =	swait.ge [sflag:s14], $0x20  }
0x14d: {  	[sflag:s14] =	ssyncset.done $0x0  }
0x14e: {  	[sflag:s14] =	ssyncadd.s32 $0xFFFFFFE0  }
0x14f: {  	_ =	swait.ge [sflag:s13], $0x20  }
0x150: {  	[sflag:s13] =	ssyncset.done $0x0  }
0x151: {  	[sflag:s13] =	ssyncadd.s32 $0xFFFFFFE0  }
0x152: {  	_ =	swait.ge [sflag:s14], $0x20  }
0x153: {  	[sflag:s14] =	ssyncset.done $0x0  }
0x154: {  	[sflag:s14] =	ssyncadd.s32 $0xFFFFFFE0  }
0x155: {  	_ =	swait.ge [sflag:s13], $0x20  }
0x156: {  	[sflag:s13] =	ssyncset.done $0x0  }
0x157: {  	[sflag:s13] =	ssyncadd.s32 $0xFFFFFFE0  }
0x158: {  	_ =	swait.ge [sflag:s14], $0x20  }
0x159: {  	[sflag:s14] =	ssyncset.done $0x0  }
0x15a: {  	[sflag:s14] =	ssyncadd.s32 $0xFFFFFFE0  }
0x15b: {  	_ =	swait.ge [sflag:s13], $0x20  }
0x15c: {  	[sflag:s13] =	ssyncset.done $0x0  }
0x15d: {  	[sflag:s13] =	ssyncadd.s32 $0xFFFFFFE0  }
0x15e: {  	_ =	swait.ge [sflag:s14], $0x20  }
0x15f: {  	[sflag:s14] =	ssyncset.done $0x0  }
0x160: {  	[sflag:s14] =	ssyncadd.s32 $0xFFFFFFE0  }
0x161: {  	_ =	swait.ge [sflag:s13], $0x20  }
0x162: {  	[sflag:s13] =	ssyncset.done $0x0  }
0x163: {  	[sflag:s13] =	ssyncadd.s32 $0xFFFFFFE0  }
0x164: {  	_ =	swait.ge [sflag:s14], $0x20  }
0x165: {  	[sflag:s14] =	ssyncset.done $0x0  }
0x166: {  	[sflag:s14] =	ssyncadd.s32 $0xFFFFFFE0  }
0x167: {  	_ =	swait.ge [sflag:s13], $0x20  }
0x168: {  	[sflag:s13] =	ssyncset.done $0x0  }
0x169: {  	[sflag:s13] =	ssyncadd.s32 $0xFFFFFFE0  }
0x16a: {  	_ =	swait.ge [sflag:s14], $0x20  }
0x16b: {  	[sflag:s14] =	ssyncset.done $0x0  }
0x16c: {  	[sflag:s14] =	ssyncadd.s32 $0xFFFFFFE0  }
0x16d: {  	_ =	swait.ge [sflag:s13], $0x20  }
0x16e: {  	[sflag:s13] =	ssyncset.done $0x0  }
0x16f: {  	[sflag:s13] =	ssyncadd.s32 $0xFFFFFFE0  }
0x170: {  	_ =	swait.ge [sflag:s14], $0x20  }
0x171: {  	[sflag:s14] =	ssyncset.done $0x0  }
0x172: {  	[sflag:s14] =	ssyncadd.s32 $0xFFFFFFE0  }
0x173: {  	_ =	swait.ge [sflag:s13], $0x20  }
0x174: {  	[sflag:s13] =	ssyncset.done $0x0  }
0x175: {  	[sflag:s13] =	ssyncadd.s32 $0xFFFFFFE0  }
0x176: {  	_ =	swait.ge [sflag:s14], $0x20  }
0x177: {  	[sflag:s14] =	ssyncset.done $0x0  }
0x178: {  	[sflag:s14] =	ssyncadd.s32 $0xFFFFFFE0  }
0x179: {  	_ =	swait.ge [sflag:s13], $0x20  }
0x17a: {  	[sflag:s13] =	ssyncset.done $0x0  }
0x17b: {  	[sflag:s13] =	ssyncadd.s32 $0xFFFFFFE0  }
0x17c: {  	_ =	swait.ge [sflag:s14], $0x20  }
0x17d: {  	[sflag:s14] =	ssyncset.done $0x0  }
0x17e: {  	[sflag:s14] =	ssyncadd.s32 $0xFFFFFFE0  }
0x17f: {  	_ =	swait.ge [sflag:s13], $0x20  }
0x180: {  	[sflag:s13] =	ssyncset.done $0x0  }
0x181: {  	[sflag:s13] =	ssyncadd.s32 $0xFFFFFFE0  }
0x182: {  	_ =	swait.ge [sflag:s14], $0x20  }
0x183: {  	[sflag:s14] =	ssyncset.done $0x0  }
0x184: {  	[sflag:s14] =	ssyncadd.s32 $0xFFFFFFE0  }
0x185: {  	_ =	swait.ge [sflag:s13], $0x20  }
0x186: {  	[sflag:s13] =	ssyncset.done $0x0  }
0x187: {  	[sflag:s13] =	ssyncadd.s32 $0xFFFFFFE0  }
0x188: {  	_ =	swait.ge [sflag:s14], $0x20  }
0x189: {  	[sflag:s14] =	ssyncset.done $0x0  }
0x18a: {  	[sflag:s14] =	ssyncadd.s32 $0xFFFFFFE0  }
0x18b: {  	_ =	swait.ge [sflag:s13], $0x20  }
0x18c: {  	[sflag:s13] =	ssyncset.done $0x0  }
0x18d: {  	[sflag:s13] =	ssyncadd.s32 $0xFFFFFFE0  }
0x18e: {  	_ =	swait.ge [sflag:s14], $0x20  }
0x18f: {  	s17 =	simm.s32 $0x1F;
	[sflag:s14] =	ssyncset.done $0x0  }
.LBB2_4:
0x190: {  	p0 =	sne.s32 s17, $0x1;
	s17 =	sadd.s32 $0xFFFFFFFF, s17;
	[sflag:s14] =	ssyncadd.s32 $0xFFFFFFE0  }
0x191: {  	_ =	swait.ge [sflag:s13], $0x20  }
0x192: {  	[sflag:s13] =	ssyncset.done $0x0  }
0x193: {  	[sflag:s13] =	ssyncadd.s32 $0xFFFFFFE0  }
0x194: {  	_ =	swait.ge [sflag:s14], $0x20  }
0x195: {  	[sflag:s14] =	ssyncset.done $0x0  }
0x196: {  	[sflag:s14] =	ssyncadd.s32 $0xFFFFFFE0  }
0x197: {  	_ =	swait.ge [sflag:s13], $0x20  }
0x198: {  	[sflag:s13] =	ssyncset.done $0x0  }
0x199: {  	[sflag:s13] =	ssyncadd.s32 $0xFFFFFFE0  }
0x19a: {  	_ =	swait.ge [sflag:s14], $0x20  }
0x19b: {  	[sflag:s14] =	ssyncset.done $0x0  }
0x19c: {  	[sflag:s14] =	ssyncadd.s32 $0xFFFFFFE0  }
0x19d: {  	_ =	swait.ge [sflag:s13], $0x20  }
0x19e: {  	[sflag:s13] =	ssyncset.done $0x0  }
0x19f: {  	[sflag:s13] =	ssyncadd.s32 $0xFFFFFFE0  }
0x1a0: {  	_ =	swait.ge [sflag:s14], $0x20  }
0x1a1: {  	[sflag:s14] =	ssyncset.done $0x0  }
0x1a2: {  	[sflag:s14] =	ssyncadd.s32 $0xFFFFFFE0  }
0x1a3: {  	_ =	swait.ge [sflag:s13], $0x20  }
0x1a4: {  	[sflag:s13] =	ssyncset.done $0x0  }
0x1a5: {  	[sflag:s13] =	ssyncadd.s32 $0xFFFFFFE0  }
0x1a6: {  	_ =	swait.ge [sflag:s14], $0x20  }
0x1a7: {  	[sflag:s14] =	ssyncset.done $0x0  }
0x1a8: {  	[sflag:s14] =	ssyncadd.s32 $0xFFFFFFE0  }
0x1a9: {  	_ =	swait.ge [sflag:s13], $0x20  }
0x1aa: {  	[sflag:s13] =	ssyncset.done $0x0  }
0x1ab: {  	[sflag:s13] =	ssyncadd.s32 $0xFFFFFFE0  }
0x1ac: {  	_ =	swait.ge [sflag:s14], $0x20  }
0x1ad: {  	[sflag:s14] =	ssyncset.done $0x0  }
0x1ae: {  	[sflag:s14] =	ssyncadd.s32 $0xFFFFFFE0  }
0x1af: {  	_ =	swait.ge [sflag:s13], $0x20  }
0x1b0: {  	[sflag:s13] =	ssyncset.done $0x0  }
0x1b1: {  	[sflag:s13] =	ssyncadd.s32 $0xFFFFFFE0  }
0x1b2: {  	_ =	swait.ge [sflag:s14], $0x20  }
0x1b3: {  	[sflag:s14] =	ssyncset.done $0x0  }
0x1b4: {  	[sflag:s14] =	ssyncadd.s32 $0xFFFFFFE0  }
0x1b5: {  	_ =	swait.ge [sflag:s13], $0x20  }
0x1b6: {  	[sflag:s13] =	ssyncset.done $0x0  }
0x1b7: {  	[sflag:s13] =	ssyncadd.s32 $0xFFFFFFE0  }
0x1b8: {  	_ =	swait.ge [sflag:s14], $0x20  }
0x1b9: {  	[sflag:s14] =	ssyncset.done $0x0  }
0x1ba: {  	[sflag:s14] =	ssyncadd.s32 $0xFFFFFFE0  }
0x1bb: {  	_ =	swait.ge [sflag:s13], $0x20  }
0x1bc: {  	[sflag:s13] =	ssyncset.done $0x0  }
0x1bd: {  	[sflag:s13] =	ssyncadd.s32 $0xFFFFFFE0  }
0x1be: {  	_ =	swait.ge [sflag:s14], $0x20  }
0x1bf: {  	[sflag:s14] =	ssyncset.done $0x0  }
0x1c0: {  	[sflag:s14] =	ssyncadd.s32 $0xFFFFFFE0  }
0x1c1: {  	_ =	swait.ge [sflag:s13], $0x20  }
0x1c2: {  	[sflag:s13] =	ssyncset.done $0x0  }
0x1c3: {  	[sflag:s13] =	ssyncadd.s32 $0xFFFFFFE0  }
0x1c4: {  	_ =	swait.ge [sflag:s14], $0x20  }
0x1c5: {  	[sflag:s14] =	ssyncset.done $0x0  }
0x1c6: {  	[sflag:s14] =	ssyncadd.s32 $0xFFFFFFE0  }
0x1c7: {  	_ =	swait.ge [sflag:s13], $0x20  }
0x1c8: {  	[sflag:s13] =	ssyncset.done $0x0  }
0x1c9: {  	[sflag:s13] =	ssyncadd.s32 $0xFFFFFFE0  }
0x1ca: {  	_ =	swait.ge [sflag:s14], $0x20  }
0x1cb: {  	[sflag:s14] =	ssyncset.done $0x0  }
0x1cc: {  	[sflag:s14] =	ssyncadd.s32 $0xFFFFFFE0  }
0x1cd: {  	_ =	swait.ge [sflag:s13], $0x20  }
0x1ce: {  	[sflag:s13] =	ssyncset.done $0x0  }
0x1cf: {  	[sflag:s13] =	ssyncadd.s32 $0xFFFFFFE0  }
0x1d0: {  	_ =	swait.ge [sflag:s14], $0x20  }
0x1d1: {  	[sflag:s14] =	ssyncset.done $0x0  }
0x1d2: {  	[sflag:s14] =	ssyncadd.s32 $0xFFFFFFE0  }
0x1d3: {  	_ =	swait.ge [sflag:s13], $0x20  }
0x1d4: {  	[sflag:s13] =	ssyncset.done $0x0  }
0x1d5: {  	[sflag:s13] =	ssyncadd.s32 $0xFFFFFFE0  }
0x1d6: {  	_ =	swait.ge [sflag:s14], $0x20  }
0x1d7: {  	[sflag:s14] =	ssyncset.done $0x0  }
0x1d8: {  	[sflag:s14] =	ssyncadd.s32 $0xFFFFFFE0  }
0x1d9: {  	_ =	swait.ge [sflag:s13], $0x20  }
0x1da: {  	[sflag:s13] =	ssyncset.done $0x0  }
0x1db: {  	[sflag:s13] =	ssyncadd.s32 $0xFFFFFFE0  }
0x1dc: {  	_ =	swait.ge [sflag:s14], $0x20  }
0x1dd: {  	[sflag:s14] =	ssyncset.done $0x0  }
0x1de: {  	[sflag:s14] =	ssyncadd.s32 $0xFFFFFFE0  }
0x1df: {  	_ =	swait.ge [sflag:s13], $0x20  }
0x1e0: {  	[sflag:s13] =	ssyncset.done $0x0  }
0x1e1: {  	[sflag:s13] =	ssyncadd.s32 $0xFFFFFFE0  }
0x1e2: {  	_ =	swait.ge [sflag:s14], $0x20  }
0x1e3: {  	[sflag:s14] =	ssyncset.done $0x0  }
0x1e4: {  	[sflag:s14] =	ssyncadd.s32 $0xFFFFFFE0  }
0x1e5: {  	_ =	swait.ge [sflag:s13], $0x20  }
0x1e6: {  	[sflag:s13] =	ssyncset.done $0x0  }
0x1e7: {  	[sflag:s13] =	ssyncadd.s32 $0xFFFFFFE0  }
0x1e8: {  	_ =	swait.ge [sflag:s14], $0x20  }
0x1e9: {  	[sflag:s14] =	ssyncset.done $0x0  }
0x1ea: {  	[sflag:s14] =	ssyncadd.s32 $0xFFFFFFE0  }
.Ltmp1:
0x1eb: {  	_ =	swait.ge [sflag:s13], $0x20;
	(pc) =	sbr.rel @p0 .LBB2_4-.Ltmp1, $4  }
0x1ec: {  	[sflag:s13] =	ssyncset.done $0x0  }
0x1ed: {  	[sflag:s13] =	ssyncadd.s32 $0xFFFFFFE0  }
0x1ee: {  	_ =	swait.ge [sflag:s14], $0x20  }
0x1ef: {  	[sflag:s14] =	ssyncset.done $0x0  }
0x1f0: {  	[sflag:s14] =	ssyncadd.s32 $0xFFFFFFE0;
	s0 =	rddreg [dreg:$0x5]  }
0x1f1: {  	[hbm4b:s0+s2] =	stream.linear.scatter [tilespmem:s11], [sflag:$0x3], $0x4000, $0x38;
	[tilespmem:$0x8400] =	vst v63  }
0x1f2: {  	_ =	swait.ge [sflag:s12], $0x4000  }
0x1f3: {  	[sflag:s12] =	ssyncset.done $0x0  }
0x1f4: {  	s1 =	simm.s32 $0x4400;
	s30 =	rddreg [dreg:$0x6];
	[sflag:s12] =	ssyncadd.s32 $0xFFFFC000  }
0x1f5: {  	[hbm4b:s30+s2] =	stream.linear.scatter [tilespmem:s1], [sflag:$0x3], $0x4000, $0x38;
	[tilespmem:$0x8400] =	vst v63  }
0x1f6: {  	_ =	swait.ge [sflag:s12], $0x4000  }
0x1f7: {  	s16 =	sadd.s32 $0x1, s16;
	s31 =	rddreg [dreg:$0x7]  }
0x1f8: {  	p0 =	sne.s32 s16, s31  }
.Ltmp2:
0x1f9: {  	_ = 	snop;
	(pc) =	sbr.rel @p0 .LBB2_1-.Ltmp2, $3  }
0x1fa: {  	_ =	sdelay $0x1  }
0x1fb: {  	[sflag:s12] =	ssyncset.done $0x0  }
0x1fc: {  	[sflag:s12] =	ssyncadd.s32 $0xFFFFC000  }
0x1fd: {  	_ =	sfence.sel $0x180000  }
0x1fe: {  	[bflag:$0x0] =	sbarrier.arrive $0xFFFF  }
0x1ff: {  	_ =	strace $0x90000047  }
0x200: {  	s0 =	stileid.u32;
	[bflag:$0x2] =	sbarrier.arrive $0xFFFF  }
0x201: {  	p0 =	sne.s32 s0, $0x0;
	s0 =	rddreg [dreg:$0x2]  }
0x202: {  	s0 =	sadd.s32 @!p0 $0x100000, s0  }
0x203: {  	[sflag:s0] =	ssyncadd.tile.s32 @!p0 $0x1;
	_ =	shalt  }
.Lfunc_end2:
_tile_overlayer_lowered:
.L_overlay_start_2:
0x204: {  	(tag) =	ssettag $0x2  }
0x205: {  	s0 =	rddreg [dreg:$0x0];
	s2 =	stileid.u32  }
0x206: {  	s1 =	rddreg [dreg:$0x1];
	p0 =	sne.s32 s2, $0x0  }
0x207: {  	s3 =	rddreg [dreg:$0x2];
	[bflag:$0x3] =	sbarrier.arrive $0xFFFF;
	s2 =	simm.s32 @!p0 $0x1C03  }
0x208: {  	[timem:s3], [sflag:s2] =	dma.local @!p0 [hbm:s0], s1  }
0x209: {  	s0 =	simm.s32 @!p0 $0x3  }
0x20a: {  	_ =	swait.ge @!p0 [sflag:s0], s1  }
0x20b: {  	s1 =	ssub.s32 @!p0 $0x0, s1;
	[sflag:s0] =	ssyncset.done @!p0 $0x0  }
0x20c: {  	[sflag:s0] =	ssyncadd.s32 @!p0 s1  }
0x20d: {  	[bflag:$0x3] =	sbarrier.arrive $0xFFFF  }
0x20e: {  	_ =	shalt  }

</sc_bundles>
